<compile_context>
chip_gen: v7x
topology: tpu7x:2x2x1
jax: 0.10.2.dev20260603
libtpu: 0.0.44.dev20260713+nightly
codegen_flags: <defaults>
</compile_context>

<pallas_src>
import functools

import jax
import jax.numpy as jnp
from jax import lax
from jax.experimental import pallas as pl
from jax.experimental.pallas import tpu as pltpu
from jax.experimental.pallas import tpu_sc as plsc

F32 = jnp.float32
BF16 = jnp.bfloat16


def _elu(v):
    return jnp.where(v > 0, v, jnp.exp(v) - 1.0)


def _pick_tile(n, candidates):
    for t in candidates:
        if n % t == 0:
            return t
    return n



def _edge_body(pre_ref, e_ref, ew_ref, emb_ref, embW_ref, embb_ref,
               wa_ref, wb_ref, wc_ref, b0_ref, w1_ref, b1_ref,
               w2_ref, b2_ref, w3_ref, b3_ref, out_ref):
    c = (jnp.dot(emb_ref[...], embW_ref[...],
                 preferred_element_type=F32) + embb_ref[...]).astype(BF16)
    b0eff = (b0_ref[...]
             + jnp.dot(c, wa_ref[...], preferred_element_type=F32)
             + jnp.dot(c, wb_ref[...], preferred_element_type=F32))
    e = e_ref[...]
    h = (pre_ref[...]
         + jnp.dot(e.astype(BF16), wc_ref[...], preferred_element_type=F32)
         + b0eff)
    h = _elu(h)
    h = _elu(jnp.dot(h.astype(BF16), w1_ref[...],
                     preferred_element_type=F32) + b1_ref[...])
    h = _elu(jnp.dot(h.astype(BF16), w2_ref[...],
                     preferred_element_type=F32) + b2_ref[...])
    h = jnp.dot(h.astype(BF16), w3_ref[...],
                preferred_element_type=F32) + b3_ref[...]
    out_ref[...] = (e + h) * jnp.transpose(ew_ref[...])


_EDGE_TILES = (2560, 1280, 640, 512, 256, 128)


def _edge_body_chained(pre_ref, e_ref, ew_ref, emb_ref, embW_ref, embb_ref,
                       wa_ref, wb_ref, wc_ref, b0_ref, w1_ref, b1_ref,
                       w2_ref, b2_ref, w3_ref, b3_ref, prev_ref, out_ref):
    del prev_ref
    _edge_body(pre_ref, e_ref, ew_ref, emb_ref, embW_ref, embb_ref,
               wa_ref, wb_ref, wc_ref, b0_ref, w1_ref, b1_ref,
               w2_ref, b2_ref, w3_ref, b3_ref, out_ref)


def _edge_mlp_slice(pre, e, ew2, emb, emb_W, emb_b, eW0, eb0, eWh, ebh,
                    off, prev):
    E, C = e.shape
    n = pre.shape[0]
    T = _pick_tile(n, _EDGE_TILES)
    ob = off // T
    wa = eW0[0 * C:1 * C].astype(BF16)
    wb = eW0[1 * C:2 * C].astype(BF16)
    wc = eW0[2 * C:3 * C].astype(BF16)
    w1, w2, w3 = (eWh[i].astype(BF16) for i in range(3))
    b0 = eb0.reshape(1, C)
    b1, b2, b3 = (ebh[i].reshape(1, C) for i in range(3))

    off_spec = pl.BlockSpec((T, C), lambda i: (i + ob, 0))
    full = lambda a: pl.BlockSpec(a.shape, lambda i: (0,) * a.ndim)
    body = _edge_body if prev is None else _edge_body_chained
    in_specs = [pl.BlockSpec((T, C), lambda i: (i, 0)), off_spec,
                pl.BlockSpec((1, T), lambda i: (0, i + ob)),
                full(emb), full(emb_W), full(b0),
                full(wa), full(wb), full(wc), full(b0),
                full(w1), full(b1), full(w2), full(b2), full(w3), full(b3)]
    args = [pre, e, ew2, emb, emb_W, emb_b.reshape(1, C),
            wa, wb, wc, b0, w1, b1, w2, b2, w3, b3]
    kwargs = {}
    if prev is not None:
        in_specs.append(pl.BlockSpec((8, C), lambda i: (0, 0)))
        args.append(prev)
        kwargs["input_output_aliases"] = {len(args) - 1: 0}
    return pl.pallas_call(
        body,
        grid=(n // T,),
        in_specs=in_specs,
        out_specs=off_spec,
        out_shape=jax.ShapeDtypeStruct((E, C), F32),
        compiler_params=pltpu.CompilerParams(
            dimension_semantics=("arbitrary",)),
        **kwargs,
    )(*args)


def _edge_mlp_half(pre, e, ew2, emb, emb_W, emb_b, eW0, eb0, eWh, ebh, off):
    E, C = e.shape
    n = pre.shape[0]
    T = _pick_tile(n, _EDGE_TILES)
    ob = off // T
    wa = eW0[0 * C:1 * C].astype(BF16)
    wb = eW0[1 * C:2 * C].astype(BF16)
    wc = eW0[2 * C:3 * C].astype(BF16)
    w1, w2, w3 = (eWh[i].astype(BF16) for i in range(3))
    b0 = eb0.reshape(1, C)
    b1, b2, b3 = (ebh[i].reshape(1, C) for i in range(3))

    row_spec = pl.BlockSpec((T, C), lambda i: (i, 0))
    full = lambda a: pl.BlockSpec(a.shape, lambda i: (0,) * a.ndim)
    return pl.pallas_call(
        _edge_body,
        grid=(n // T,),
        in_specs=[row_spec, pl.BlockSpec((T, C), lambda i: (i + ob, 0)),
                  pl.BlockSpec((1, T), lambda i: (0, i + ob)),
                  full(emb), full(emb_W), full(b0),
                  full(wa), full(wb), full(wc), full(b0),
                  full(w1), full(b1), full(w2), full(b2), full(w3), full(b3)],
        out_specs=row_spec,
        out_shape=jax.ShapeDtypeStruct((n, C), F32),
        compiler_params=pltpu.CompilerParams(
            dimension_semantics=("arbitrary",)),
    )(pre, e, ew2, emb, emb_W, emb_b.reshape(1, C),
      wa, wb, wc, b0, w1, b1, w2, b2, w3, b3)



def _uv_body(x_ref, wa_ref, wb_ref, u_ref, v_ref):
    xb = x_ref[...].astype(BF16)
    u_ref[...] = jnp.dot(xb, wa_ref[...], preferred_element_type=F32)
    v_ref[...] = jnp.dot(xb, wb_ref[...], preferred_element_type=F32)


def _uv_project(x, eW0):
    N, C = x.shape
    T = _pick_tile(N, (2000, 1000, 500, 200, 100, 50, 40, 25, 16, 8))
    wa = eW0[0 * C:1 * C].astype(BF16)
    wb = eW0[1 * C:2 * C].astype(BF16)
    row_spec = pl.BlockSpec((T, C), lambda i: (i, 0))
    full = lambda a: pl.BlockSpec(a.shape, lambda i: (0,) * a.ndim)
    return pl.pallas_call(
        _uv_body,
        grid=(N // T,),
        in_specs=[row_spec, full(wa), full(wb)],
        out_specs=[row_spec, row_spec],
        out_shape=[jax.ShapeDtypeStruct((N, C), F32),
                   jax.ShapeDtypeStruct((N, C), F32)],
        compiler_params=pltpu.CompilerParams(
            dimension_semantics=("arbitrary",)),
    )(x, wa, wb)



_KG = 2


def _sc_gather_sum(u, v, src1d, dst1d):
    N, CW = u.shape
    E = src1d.shape[0]
    rows = _KG * _CHUNK
    tot_groups = E // rows
    smax = (tot_groups + _NW - 1) // _NW
    t3 = (smax + 3) // 3
    mesh = plsc.VectorSubcoreMesh(core_axis_name="c", subcore_axis_name="s")
    nbuf = 3

    @functools.partial(
        pl.kernel,
        out_type=jax.ShapeDtypeStruct((E, CW), F32),
        mesh=mesh,
        scratch_types=[
            [pltpu.VMEM((rows,), jnp.int32) for _ in range(nbuf)],
            [pltpu.VMEM((rows,), jnp.int32) for _ in range(nbuf)],
            [pltpu.VMEM((rows, CW), F32) for _ in range(nbuf)],
            [pltpu.SemaphoreType.DMA for _ in range(nbuf)],
            [pltpu.SemaphoreType.DMA for _ in range(nbuf)],
            [pltpu.SemaphoreType.DMA for _ in range(nbuf)],
        ],
    )
    def gat(u_hbm, v_hbm, s_hbm, d_hbm, pre_hbm, si_v, di_v, r_v,
            semu, semv, semw):
        cid = lax.axis_index("c")
        sid = lax.axis_index("s")
        wid = sid * _NC + cid

        def drain(sem, dst_ref):
            pltpu.make_async_copy(u_hbm.at[pl.ds(0, rows)], dst_ref,
                                  sem).wait()

        def w_drain(sem):
            pltpu.make_async_copy(r_v[0], pre_hbm.at[pl.ds(0, rows)],
                                  sem).wait()

        def body(t, carry):
            for b in range(nbuf):
                s = t * nbuf + b
                g = wid + s * _NW
                bp = (b + nbuf - 1) % nbuf

                @pl.when((g < tot_groups) & (t >= 1))
                def _():
                    w_drain(semw[b])

                @pl.when(g < tot_groups)
                def _():
                    base = g * rows
                    pltpu.sync_copy(s_hbm.at[pl.ds(base, rows)], si_v[b])
                    pltpu.sync_copy(d_hbm.at[pl.ds(base, rows)], di_v[b])
                    for j in range(_KG):
                        sl = pl.ds(j * _CHUNK, _CHUNK)
                        pltpu.async_copy(u_hbm.at[si_v[b].at[sl]],
                                         r_v[b].at[sl], semu[b])

                gp = wid + (s - 1) * _NW
                cond = (gp < tot_groups) if b != 0 else (
                    (gp < tot_groups) & (t >= 1))

                @pl.when(cond)
                def _():
                    basep = gp * rows
                    drain(semu[bp], r_v[bp])
                    descs = []
                    for j in range(_KG):
                        sl = pl.ds(j * _CHUNK, _CHUNK)
                        descs.append(pltpu.async_copy(
                            v_hbm.at[di_v[bp].at[sl]], r_v[bp].at[sl],
                            semv[bp], add=True))
                    for dsc in descs:
                        dsc.wait()
                    pltpu.async_copy(r_v[bp], pre_hbm.at[pl.ds(basep, rows)],
                                     semw[bp])
            return carry

        lax.fori_loop(0, t3, body, 0)
        for b in range(nbuf):
            w_drain(semw[b])

    return gat(u, v, src1d, dst1d)



_NC, _NS = 2, 16
_NW = _NC * _NS
_CHUNK = 128
_K = 2


def _sc_scatter_add(e2d, dst3d, zeros_nc):
    E, C = e2d.shape
    N = zeros_nc.shape[0]
    tot_groups = E // (_CHUNK * _K)
    outer = (tot_groups + _NW - 1) // _NW
    rpt = (N // _NS) & ~7
    tail = N - _NS * rpt
    mesh = plsc.VectorSubcoreMesh(core_axis_name="c", subcore_axis_name="s")

    @functools.partial(
        pl.kernel,
        out_type=jax.ShapeDtypeStruct((_NC, N, C), F32),
        mesh=mesh,
        scratch_types=[
            pltpu.VMEM((_K, _CHUNK), jnp.int32),
            pltpu.VMEM((_K * _CHUNK, C), F32),
            pltpu.VMEM_SHARED((N, C), F32),
            pltpu.SemaphoreType.DMA,
        ],
    )
    def scat(e_hbm, dst_hbm, zero_hbm, out_hbm, idx_v, rows_v, acc_sh, sem):
        cid = lax.axis_index("c")
        sid = lax.axis_index("s")
        wid = sid * _NC + cid
        pltpu.sync_copy(zero_hbm.at[pl.ds(sid * rpt, rpt)],
                        acc_sh.at[pl.ds(sid * rpt, rpt)])
        if tail:
            @pl.when(sid == _NS - 1)
            def _():
                pltpu.sync_copy(zero_hbm.at[pl.ds(_NS * rpt, tail)],
                                acc_sh.at[pl.ds(_NS * rpt, tail)])
        plsc.subcore_barrier()

        def body(t, carry):
            g = wid + t * _NW

            @pl.when(g < tot_groups)
            def _():
                pltpu.sync_copy(dst_hbm.at[g], idx_v)
                pltpu.sync_copy(e_hbm.at[pl.ds(g * _K * _CHUNK, _K * _CHUNK)],
                                rows_v)
                descs = []
                for j in range(_K):
                    descs.append(pltpu.async_copy(
                        rows_v.at[pl.ds(j * _CHUNK, _CHUNK)],
                        acc_sh.at[idx_v.at[j]], sem, add=True))
                for d in descs:
                    d.wait()
            return carry

        lax.fori_loop(0, outer, body, 0)
        plsc.subcore_barrier()
        pltpu.sync_copy(
            acc_sh.at[pl.ds(sid * rpt, rpt)],
            out_hbm.at[cid, pl.ds(sid * rpt, rpt)])
        if tail:
            @pl.when(sid == _NS - 1)
            def _():
                pltpu.sync_copy(
                    acc_sh.at[pl.ds(_NS * rpt, tail)],
                    out_hbm.at[cid, pl.ds(_NS * rpt, tail)])

    return scat(e2d, dst3d, zeros_nc)



def _node_body(x_ref, p_ref, emb_ref, embW_ref, embb_ref,
               wa_ref, wb_ref, b0_ref, w1_ref, b1_ref,
               w2_ref, b2_ref, w3_ref, b3_ref, out_ref):
    c = jnp.dot(emb_ref[...], embW_ref[...],
                preferred_element_type=F32) + embb_ref[...]
    xc = x_ref[...] + c
    agg = jnp.sum(p_ref[...], axis=0)
    h = (jnp.dot(xc.astype(BF16), wa_ref[...], preferred_element_type=F32)
         + jnp.dot(agg.astype(BF16), wb_ref[...], preferred_element_type=F32)
         + b0_ref[...])
    h = _elu(h)
    h = _elu(jnp.dot(h.astype(BF16), w1_ref[...],
                     preferred_element_type=F32) + b1_ref[...])
    h = _elu(jnp.dot(h.astype(BF16), w2_ref[...],
                     preferred_element_type=F32) + b2_ref[...])
    h = jnp.dot(h.astype(BF16), w3_ref[...],
                preferred_element_type=F32) + b3_ref[...]
    out_ref[...] = xc + h


def _node_mlp(x, parts, emb, emb_W, emb_b, nW0, nb0, nWh, nbh):
    N, C = x.shape
    K = parts.shape[0]
    T = _pick_tile(N, (2000, 1000, 500, 200, 100, 50, 40, 25, 16, 8))
    wa = nW0[0 * C:1 * C].astype(BF16)
    wb = nW0[1 * C:2 * C].astype(BF16)
    w1, w2, w3 = (nWh[i].astype(BF16) for i in range(3))
    b0 = nb0.reshape(1, C)
    b1, b2, b3 = (nbh[i].reshape(1, C) for i in range(3))

    row_spec = pl.BlockSpec((T, C), lambda i: (i, 0))
    full = lambda a: pl.BlockSpec(a.shape, lambda i: (0,) * a.ndim)
    return pl.pallas_call(
        _node_body,
        grid=(N // T,),
        in_specs=[row_spec, pl.BlockSpec((K, T, C), lambda i: (0, i, 0)),
                  full(emb), full(emb_W), full(b0),
                  full(wa), full(wb), full(b0),
                  full(w1), full(b1), full(w2), full(b2), full(w3), full(b3)],
        out_specs=row_spec,
        out_shape=jax.ShapeDtypeStruct((N, C), F32),
        compiler_params=pltpu.CompilerParams(
            dimension_semantics=("arbitrary",)),
    )(x, parts, emb, emb_W, emb_b.reshape(1, C),
      wa, wb, b0, w1, b1, w2, b2, w3, b3)


def kernel(x, e, emb, edge_index, edge_weight, halo_info, mask_send,
           mask_recv, buffer_send, buffer_recv, neighboring_procs, SIZE,
           emb_W, emb_b, eW0, eb0, eWh, ebh, nW0, nb0, nWh, nbh):
    src = edge_index[0]
    dst = edge_index[1]
    E = e.shape[0]
    N, C = x.shape
    u, v = _uv_project(x, eW0)
    ew2 = edge_weight.reshape(1, E)
    E2 = E // 2
    gc = _KG * _CHUNK
    sc = _CHUNK * _K
    if E2 % gc == 0 and E2 % sc == 0 and E2 % _pick_tile(E2, _EDGE_TILES) == 0:
        zeros_nc = jnp.zeros((N, C), F32)
        pre1 = _sc_gather_sum(u, v, src[:E2], dst[:E2])
        pre2 = _sc_gather_sum(u, v, src[E2:], dst[E2:])
        eo1 = _edge_mlp_half(pre1, e, ew2, emb, emb_W, emb_b,
                             eW0, eb0, eWh, ebh, 0)
        p1 = _sc_scatter_add(eo1, dst[:E2].reshape(E2 // sc, _K, _CHUNK),
                             zeros_nc)
        eo2 = _edge_mlp_half(pre2, e, ew2, emb, emb_W, emb_b,
                             eW0, eb0, eWh, ebh, E2)
        p2 = _sc_scatter_add(eo2, dst[E2:].reshape(E2 // sc, _K, _CHUNK),
                             zeros_nc)
        e_out = jnp.concatenate([eo1, eo2], axis=0)
        parts = jnp.concatenate([p1, p2], axis=0)
    else:
        pre = _sc_gather_sum(u, v, src, dst)
        e_out = _edge_mlp_slice(pre, e, ew2, emb, emb_W, emb_b,
                                eW0, eb0, eWh, ebh, 0, None)
        if E % sc == 0:
            dst3d = dst.reshape(E // sc, _K, _CHUNK)
            zeros_nc = jnp.zeros((N, C), F32)
            parts = _sc_scatter_add(e_out, dst3d, zeros_nc)
        else:
            parts = jax.ops.segment_sum(e_out, dst, num_segments=N)[None]
    x_out = _node_mlp(x, parts, emb, emb_W, emb_b, nW0, nb0, nWh, nbh)
    return (x_out, e_out)

# --- scband reference (transcript-rebuilt; emitter-appended) ---
"""Pipeline reference for scband-distributed-dgn-26207890440454 (READ-ONLY COPY).

The authoritative reference and input builder live on the scoring server;
editing this copy changes nothing except your own understanding.
"""

import jax, jax.numpy as jnp
import numpy as np

N = 10000
E = 320000
C = 128
EMB = 16


def _mlp(h, W0, b0, Wh, bh):
    # 4 linear layers: ic=[in,C,C,C], oc=[C,C,C,C]; ELU after first 3 layers
    h = jax.nn.elu(h @ W0 + b0)
    for i in range(3):
        h = h @ Wh[i] + bh[i]
        if i < 2:
            h = jax.nn.elu(h)
    return h


def setup_inputs(seed: int = 0) -> dict:
    key = jax.random.key(seed)
    ks = jax.random.split(key, 12)
    inp = {}
    inp["x"] = jax.random.normal(ks[0], (N, C), dtype=jnp.float32)
    inp["e"] = jax.random.normal(ks[1], (E, C), dtype=jnp.float32)
    inp["emb"] = jax.random.normal(ks[2], (1, EMB), dtype=jnp.float32)
    inp["edge_index"] = jax.random.randint(ks[3], (2, E), 0, N, dtype=jnp.int32)
    inp["edge_weight"] = jax.random.uniform(ks[4], (E,), dtype=jnp.float32)
    # distributed-halo args: unused because SIZE == 1 and halo_swap_mode == 'none'
    inp["halo_info"] = jnp.zeros((1, 2), dtype=jnp.int32)
    inp["mask_send"] = jnp.zeros((1,), dtype=jnp.int32)
    inp["mask_recv"] = jnp.zeros((1,), dtype=jnp.int32)
    inp["buffer_send"] = jnp.zeros((1, 1), dtype=jnp.int32)
    inp["buffer_recv"] = jnp.zeros((1, 1), dtype=jnp.int32)
    inp["neighboring_procs"] = jnp.zeros((1,), dtype=jnp.int32)
    inp["SIZE"] = 1
    # learned parameters
    inp["emb_W"] = jax.random.normal(ks[5], (EMB, C), dtype=jnp.float32) / np.sqrt(EMB)
    inp["emb_b"] = jnp.zeros((C,), dtype=jnp.float32)
    inp["eW0"] = jax.random.normal(ks[6], (3 * C, C), dtype=jnp.float32) / np.sqrt(3 * C)
    inp["eb0"] = jnp.zeros((C,), dtype=jnp.float32)
    inp["eWh"] = jax.random.normal(ks[7], (3, C, C), dtype=jnp.float32) / np.sqrt(C)
    inp["ebh"] = jnp.zeros((3, C), dtype=jnp.float32)
    inp["nW0"] = jax.random.normal(ks[8], (2 * C, C), dtype=jnp.float32) / np.sqrt(2 * C)
    inp["nb0"] = jnp.zeros((C,), dtype=jnp.float32)
    inp["nWh"] = jax.random.normal(ks[9], (3, C, C), dtype=jnp.float32) / np.sqrt(C)
    inp["nbh"] = jnp.zeros((3, C), dtype=jnp.float32)
    return inp


def reference(x, e, emb, edge_index, edge_weight, halo_info, mask_send, mask_recv,
              buffer_send, buffer_recv, neighboring_procs, SIZE,
              emb_W, emb_b, eW0, eb0, eWh, ebh, nW0, nb0, nWh, nbh):
    # batch defaults to all-zeros graph ids
    batch = jnp.zeros((x.shape[0],), dtype=jnp.int32)
    # x += node_emb_linear(emb)[batch]
    x = x + (emb @ emb_W + emb_b)[batch]
    # gather endpoint features
    x_send = x[edge_index[0], :]
    x_recv = x[edge_index[1], :]
    # e += edge_updater(cat(x_send, x_recv, e))
    e = e + _mlp(jnp.concatenate((x_send, x_recv, e), axis=1), eW0, eb0, eWh, ebh)
    # e = e * edge_weight.unsqueeze(1)
    e = e * edge_weight[:, None]
    # EdgeAggregation(aggr='add'): scatter-add edge features to dst nodes (edge_index[1])
    edge_agg = jax.ops.segment_sum(e, edge_index[1], num_segments=x.shape[0])
    # SIZE == 1 -> no halo swap / index_add
    # x += node_updater(cat(x, edge_agg))
    x = x + _mlp(jnp.concatenate((x, edge_agg), axis=1), nW0, nb0, nWh, nbh)
    return (x, e)

if __name__ == "__main__":
    import jax
    _d = setup_inputs()
    print(jax.jit(kernel)(*tuple(_d.values())))

</pallas_src>

<mosaic_0001>
#map = affine_map<(d0, d1) -> (0, 0)>
#map1 = affine_map<(d0, d1) -> (0, 0, 0)>
module attributes {stable_mosaic.version = 14 : i64} {
  func.func @scat(%arg0: i32, %arg1: i32, %arg2: memref<160000x128xf32, #tpu.memory_space<hbm>>, %arg3: memref<625x2x128xi32, #tpu.memory_space<hbm>>, %arg4: memref<10000x128xf32, #tpu.memory_space<hbm>>, %arg5: memref<2x10000x128xf32, #tpu.memory_space<hbm>>, %arg6: memref<2x128xi32, #tpu.memory_space<vmem>>, %arg7: memref<256x128xf32, #tpu.memory_space<vmem>>, %arg8: memref<10000x128xf32, #tpu.memory_space<vmem_shared>>, %arg9: memref<!tpu.dma_semaphore, #tpu.memory_space<semaphore_mem>>) attributes {dimension_semantics = [#tpu.dimension_semantics<core_parallel>, #tpu.dimension_semantics<subcore_parallel>], iteration_bounds = array<i64: 2, 16>, scalar_prefetch = 0 : i64, scratch_operands = 4 : i64, tpu.core_type = #tpu.core_type<sc_vector_subcore>, window_params = [{transform_indices = #map}, {transform_indices = #map1}, {transform_indices = #map}, {transform_indices = #map1}]} {
    %mul3A = arith.constant 2 : i32
    %mul3A_0 = arith.muli %arg1, %mul3A : i32
    %add3A = arith.addi %mul3A_0, %arg0 : i32
    %mul3A_1 = arith.constant 624 : i32
    %mul3A_2 = arith.muli %arg1, %mul3A_1 : i32
    %mul3A_3 = arith.constant 624 : i32
    %mul3A_4 = arith.muli %arg1, %mul3A_3 : i32
    "tpu.region"() ({
      %run_scoped3A = tpu.sem_alloc : memref<!tpu.dma_semaphore, #tpu.memory_space<semaphore_mem>>
      %dma_start3A = arith.constant 0 : i32
      %dma_start3A_22 = tpu.memref_slice %arg8[%mul3A_4, %dma_start3A] : memref<10000x128xf32, #tpu.memory_space<vmem_shared>> -> memref<624x128xf32, #tpu.memory_space<vmem_shared>>
      %dma_start3A_23 = arith.constant 0 : i32
      %dma_start3A_24 = tpu.memref_slice %arg4[%mul3A_2, %dma_start3A_23] : memref<10000x128xf32, #tpu.memory_space<hbm>> -> memref<624x128xf32, #tpu.memory_space<hbm>>
      tpu.enqueue_dma source(%dma_start3A_24 : memref<624x128xf32, #tpu.memory_space<hbm>>) target(%dma_start3A_22 : memref<624x128xf32, #tpu.memory_space<vmem_shared>>) target_semaphore(%run_scoped3A : memref<!tpu.dma_semaphore, #tpu.memory_space<semaphore_mem>>)
      %dma_wait3A = arith.constant 0 : i32
      %dma_wait3A_25 = tpu.memref_slice %arg8[%mul3A_4, %dma_wait3A] : memref<10000x128xf32, #tpu.memory_space<vmem_shared>> -> memref<624x128xf32, #tpu.memory_space<vmem_shared>>
      %dma_wait3A_26 = arith.constant 0 : i32
      %dma_wait3A_27 = tpu.memref_slice %arg4[%mul3A_2, %dma_wait3A_26] : memref<10000x128xf32, #tpu.memory_space<hbm>> -> memref<624x128xf32, #tpu.memory_space<hbm>>
      tpu.wait_dma2 semaphore(%run_scoped3A : memref<!tpu.dma_semaphore, #tpu.memory_space<semaphore_mem>>) src(%dma_wait3A_27 : memref<624x128xf32, #tpu.memory_space<hbm>>) dst(%dma_wait3A_25 : memref<624x128xf32, #tpu.memory_space<vmem_shared>>)
      tpu.yield
    }) : () -> ()
    %eq3A = arith.constant 15 : i32
    %eq3A_5 = arith.cmpi eq, %arg1, %eq3A : i32
    %convert_element_type3A = arith.extui %eq3A_5 : i1 to i32
    %cond3A = arith.constant 0 : i32
    %cond3A_6 = arith.cmpi ne, %convert_element_type3A, %cond3A : i32
    scf.if %cond3A_6 {
      "tpu.region"() ({
        %run_scoped3A = tpu.sem_alloc : memref<!tpu.dma_semaphore, #tpu.memory_space<semaphore_mem>>
        %dma_start3A = arith.constant 9984 : i32
        %dma_start3A_22 = arith.constant 0 : i32
        %dma_start3A_23 = tpu.memref_slice %arg8[%dma_start3A, %dma_start3A_22] : memref<10000x128xf32, #tpu.memory_space<vmem_shared>> -> memref<16x128xf32, #tpu.memory_space<vmem_shared>>
        %dma_start3A_24 = arith.constant 9984 : i32
        %dma_start3A_25 = arith.constant 0 : i32
        %dma_start3A_26 = tpu.memref_slice %arg4[%dma_start3A_24, %dma_start3A_25] : memref<10000x128xf32, #tpu.memory_space<hbm>> -> memref<16x128xf32, #tpu.memory_space<hbm>>
        tpu.enqueue_dma source(%dma_start3A_26 : memref<16x128xf32, #tpu.memory_space<hbm>>) target(%dma_start3A_23 : memref<16x128xf32, #tpu.memory_space<vmem_shared>>) target_semaphore(%run_scoped3A : memref<!tpu.dma_semaphore, #tpu.memory_space<semaphore_mem>>)
        %dma_wait3A = arith.constant 9984 : i32
        %dma_wait3A_27 = arith.constant 0 : i32
        %dma_wait3A_28 = tpu.memref_slice %arg8[%dma_wait3A, %dma_wait3A_27] : memref<10000x128xf32, #tpu.memory_space<vmem_shared>> -> memref<16x128xf32, #tpu.memory_space<vmem_shared>>
        %dma_wait3A_29 = arith.constant 9984 : i32
        %dma_wait3A_30 = arith.constant 0 : i32
        %dma_wait3A_31 = tpu.memref_slice %arg4[%dma_wait3A_29, %dma_wait3A_30] : memref<10000x128xf32, #tpu.memory_space<hbm>> -> memref<16x128xf32, #tpu.memory_space<hbm>>
        tpu.wait_dma2 semaphore(%run_scoped3A : memref<!tpu.dma_semaphore, #tpu.memory_space<semaphore_mem>>) src(%dma_wait3A_31 : memref<16x128xf32, #tpu.memory_space<hbm>>) dst(%dma_wait3A_28 : memref<16x128xf32, #tpu.memory_space<vmem_shared>>)
        tpu.yield
      }) : () -> ()
    } else {
    }
    %barrier3A = arith.constant 0 : index
    tpu.barrier barrier_id(%barrier3A)
    %scan3A = arith.constant 0 : i32
    %scan3A_7 = arith.constant 0 : i32
    %scan3A_8 = arith.constant 20 : i32
    %scan3A_9 = arith.addi %scan3A_7, %scan3A_8 : i32
    %scan3A_10 = arith.constant 1 : i32
    scf.for %scan3A_22 = %scan3A_7 to %scan3A_9 step %scan3A_10  : i32 {
      %mul3A_23 = arith.constant 32 : i32
      %mul3A_24 = arith.muli %scan3A_22, %mul3A_23 : i32
      %add3A_25 = arith.addi %add3A, %mul3A_24 : i32
      %lt3A = arith.constant 625 : i32
      %lt3A_26 = arith.cmpi slt, %add3A_25, %lt3A : i32
      %convert_element_type3A_27 = arith.extui %lt3A_26 : i1 to i32
      %cond3A_28 = arith.constant 0 : i32
      %cond3A_29 = arith.cmpi ne, %convert_element_type3A_27, %cond3A_28 : i32
      scf.if %cond3A_29 {
        "tpu.region"() ({
          %run_scoped3A = tpu.sem_alloc : memref<!tpu.dma_semaphore, #tpu.memory_space<semaphore_mem>>
          %dma_start3A_72 = arith.constant 0 : i32
          %dma_start3A_73 = arith.constant 0 : i32
          %dma_start3A_74 = tpu.memref_slice %arg3[%add3A_25, %dma_start3A_72, %dma_start3A_73] : memref<625x2x128xi32, #tpu.memory_space<hbm>> -> memref<1x2x128xi32, #tpu.memory_space<hbm>>
          %dma_start3A_75 = tpu.memref_squeeze %dma_start3A_74 : memref<1x2x128xi32, #tpu.memory_space<hbm>> -> memref<2x128xi32, #tpu.memory_space<hbm>>
          %dma_start3A_76 = arith.constant 0 : i32
          %dma_start3A_77 = arith.constant 0 : i32
          %dma_start3A_78 = tpu.memref_slice %arg3[%add3A_25, %dma_start3A_76, %dma_start3A_77] : memref<625x2x128xi32, #tpu.memory_space<hbm>> -> memref<1x2x128xi32, #tpu.memory_space<hbm>>
          %dma_start3A_79 = tpu.memref_squeeze %dma_start3A_78 : memref<1x2x128xi32, #tpu.memory_space<hbm>> -> memref<2x128xi32, #tpu.memory_space<hbm>>
          tpu.enqueue_dma source(%dma_start3A_79 : memref<2x128xi32, #tpu.memory_space<hbm>>) target(%arg6 : memref<2x128xi32, #tpu.memory_space<vmem>>) target_semaphore(%run_scoped3A : memref<!tpu.dma_semaphore, #tpu.memory_space<semaphore_mem>>)
          %dma_wait3A_80 = arith.constant 0 : i32
          %dma_wait3A_81 = arith.constant 0 : i32
          %dma_wait3A_82 = tpu.memref_slice %arg3[%add3A_25, %dma_wait3A_80, %dma_wait3A_81] : memref<625x2x128xi32, #tpu.memory_space<hbm>> -> memref<1x2x128xi32, #tpu.memory_space<hbm>>
          %dma_wait3A_83 = tpu.memref_squeeze %dma_wait3A_82 : memref<1x2x128xi32, #tpu.memory_space<hbm>> -> memref<2x128xi32, #tpu.memory_space<hbm>>
          %dma_wait3A_84 = arith.constant 0 : i32
          %dma_wait3A_85 = arith.constant 0 : i32
          %dma_wait3A_86 = tpu.memref_slice %arg3[%add3A_25, %dma_wait3A_84, %dma_wait3A_85] : memref<625x2x128xi32, #tpu.memory_space<hbm>> -> memref<1x2x128xi32, #tpu.memory_space<hbm>>
          %dma_wait3A_87 = tpu.memref_squeeze %dma_wait3A_86 : memref<1x2x128xi32, #tpu.memory_space<hbm>> -> memref<2x128xi32, #tpu.memory_space<hbm>>
          tpu.wait_dma2 semaphore(%run_scoped3A : memref<!tpu.dma_semaphore, #tpu.memory_space<semaphore_mem>>) src(%dma_wait3A_87 : memref<2x128xi32, #tpu.memory_space<hbm>>) dst(%arg6 : memref<2x128xi32, #tpu.memory_space<vmem>>)
          tpu.yield
        }) : () -> ()
        %mul3A_30 = arith.constant 2 : i32
        %mul3A_31 = arith.muli %add3A_25, %mul3A_30 : i32
        %mul3A_32 = arith.constant 128 : i32
        %mul3A_33 = arith.muli %mul3A_31, %mul3A_32 : i32
        "tpu.region"() ({
          %run_scoped3A = tpu.sem_alloc : memref<!tpu.dma_semaphore, #tpu.memory_space<semaphore_mem>>
          %dma_start3A_72 = arith.constant 0 : i32
          %dma_start3A_73 = tpu.memref_slice %arg2[%mul3A_33, %dma_start3A_72] : memref<160000x128xf32, #tpu.memory_space<hbm>> -> memref<256x128xf32, #tpu.memory_space<hbm>>
          %dma_start3A_74 = arith.constant 0 : i32
          %dma_start3A_75 = tpu.memref_slice %arg2[%mul3A_33, %dma_start3A_74] : memref<160000x128xf32, #tpu.memory_space<hbm>> -> memref<256x128xf32, #tpu.memory_space<hbm>>
          tpu.enqueue_dma source(%dma_start3A_75 : memref<256x128xf32, #tpu.memory_space<hbm>>) target(%arg7 : memref<256x128xf32, #tpu.memory_space<vmem>>) target_semaphore(%run_scoped3A : memref<!tpu.dma_semaphore, #tpu.memory_space<semaphore_mem>>)
          %dma_wait3A_76 = arith.constant 0 : i32
          %dma_wait3A_77 = tpu.memref_slice %arg2[%mul3A_33, %dma_wait3A_76] : memref<160000x128xf32, #tpu.memory_space<hbm>> -> memref<256x128xf32, #tpu.memory_space<hbm>>
          %dma_wait3A_78 = arith.constant 0 : i32
          %dma_wait3A_79 = tpu.memref_slice %arg2[%mul3A_33, %dma_wait3A_78] : memref<160000x128xf32, #tpu.memory_space<hbm>> -> memref<256x128xf32, #tpu.memory_space<hbm>>
          tpu.wait_dma2 semaphore(%run_scoped3A : memref<!tpu.dma_semaphore, #tpu.memory_space<semaphore_mem>>) src(%dma_wait3A_79 : memref<256x128xf32, #tpu.memory_space<hbm>>) dst(%arg7 : memref<256x128xf32, #tpu.memory_space<vmem>>)
          tpu.yield
        }) : () -> ()
        %dma_start3A = arith.constant 0 : i32
        %dma_start3A_34 = arith.constant 0 : i32
        %dma_start3A_35 = arith.constant 0 : i32
        %dma_start3A_36 = tpu.memref_slice %arg7[%dma_start3A_34, %dma_start3A_35] : memref<256x128xf32, #tpu.memory_space<vmem>> -> memref<128x128xf32, #tpu.memory_space<vmem>>
        %dma_start3A_37 = arith.constant 0 : i32
        %dma_start3A_38 = tpu.memref_slice %arg6[%dma_start3A, %dma_start3A_37] : memref<2x128xi32, #tpu.memory_space<vmem>> -> memref<1x128xi32, #tpu.memory_space<vmem>>
        %dma_start3A_39 = tpu.memref_squeeze %dma_start3A_38 : memref<1x128xi32, #tpu.memory_space<vmem>> -> memref<128xi32, #tpu.memory_space<vmem>>
        %dma_start3A_40 = arith.constant 0 : i32
        %dma_start3A_41 = arith.constant 0 : i32
        %dma_start3A_42 = tpu.memref_slice %arg8[%dma_start3A_40, %dma_start3A_41] : memref<10000x128xf32, #tpu.memory_space<vmem_shared>> -> memref<10000x128xf32, #tpu.memory_space<vmem_shared>>
        tpu.enqueue_indirect_dma source(%dma_start3A_36 : memref<128x128xf32, #tpu.memory_space<vmem>>) target(%dma_start3A_42 : memref<10000x128xf32, #tpu.memory_space<vmem_shared>>) offsets(%dma_start3A_39 : memref<128xi32, #tpu.memory_space<vmem>>) semaphore(%arg9 : memref<!tpu.dma_semaphore, #tpu.memory_space<semaphore_mem>>) {add = true}
        %dma_start3A_43 = arith.constant 1 : i32
        %dma_start3A_44 = arith.constant 128 : i32
        %dma_start3A_45 = arith.constant 0 : i32
        %dma_start3A_46 = tpu.memref_slice %arg7[%dma_start3A_44, %dma_start3A_45] : memref<256x128xf32, #tpu.memory_space<vmem>> -> memref<128x128xf32, #tpu.memory_space<vmem>>
        %dma_start3A_47 = arith.constant 0 : i32
        %dma_start3A_48 = tpu.memref_slice %arg6[%dma_start3A_43, %dma_start3A_47] : memref<2x128xi32, #tpu.memory_space<vmem>> -> memref<1x128xi32, #tpu.memory_space<vmem>>
        %dma_start3A_49 = tpu.memref_squeeze %dma_start3A_48 : memref<1x128xi32, #tpu.memory_space<vmem>> -> memref<128xi32, #tpu.memory_space<vmem>>
        %dma_start3A_50 = arith.constant 0 : i32
        %dma_start3A_51 = arith.constant 0 : i32
        %dma_start3A_52 = tpu.memref_slice %arg8[%dma_start3A_50, %dma_start3A_51] : memref<10000x128xf32, #tpu.memory_space<vmem_shared>> -> memref<10000x128xf32, #tpu.memory_space<vmem_shared>>
        tpu.enqueue_indirect_dma source(%dma_start3A_46 : memref<128x128xf32, #tpu.memory_space<vmem>>) target(%dma_start3A_52 : memref<10000x128xf32, #tpu.memory_space<vmem_shared>>) offsets(%dma_start3A_49 : memref<128xi32, #tpu.memory_space<vmem>>) semaphore(%arg9 : memref<!tpu.dma_semaphore, #tpu.memory_space<semaphore_mem>>) {add = true}
        %dma_wait3A = arith.constant 0 : i32
        %dma_wait3A_53 = arith.constant 0 : i32
        %dma_wait3A_54 = arith.constant 0 : i32
        %dma_wait3A_55 = tpu.memref_slice %arg7[%dma_wait3A_53, %dma_wait3A_54] : memref<256x128xf32, #tpu.memory_space<vmem>> -> memref<128x128xf32, #tpu.memory_space<vmem>>
        %dma_wait3A_56 = arith.constant 0 : i32
        %dma_wait3A_57 = tpu.memref_slice %arg6[%dma_wait3A, %dma_wait3A_56] : memref<2x128xi32, #tpu.memory_space<vmem>> -> memref<1x128xi32, #tpu.memory_space<vmem>>
        %dma_wait3A_58 = tpu.memref_squeeze %dma_wait3A_57 : memref<1x128xi32, #tpu.memory_space<vmem>> -> memref<128xi32, #tpu.memory_space<vmem>>
        %dma_wait3A_59 = arith.constant 0 : i32
        %dma_wait3A_60 = arith.constant 0 : i32
        %dma_wait3A_61 = tpu.memref_slice %arg8[%dma_wait3A_59, %dma_wait3A_60] : memref<10000x128xf32, #tpu.memory_space<vmem_shared>> -> memref<10000x128xf32, #tpu.memory_space<vmem_shared>>
        tpu.wait_indirect_dma semaphore(%arg9 : memref<!tpu.dma_semaphore, #tpu.memory_space<semaphore_mem>>) src(%dma_wait3A_55 : memref<128x128xf32, #tpu.memory_space<vmem>>) dst(%dma_wait3A_61 : memref<10000x128xf32, #tpu.memory_space<vmem_shared>>)
        %dma_wait3A_62 = arith.constant 1 : i32
        %dma_wait3A_63 = arith.constant 128 : i32
        %dma_wait3A_64 = arith.constant 0 : i32
        %dma_wait3A_65 = tpu.memref_slice %arg7[%dma_wait3A_63, %dma_wait3A_64] : memref<256x128xf32, #tpu.memory_space<vmem>> -> memref<128x128xf32, #tpu.memory_space<vmem>>
        %dma_wait3A_66 = arith.constant 0 : i32
        %dma_wait3A_67 = tpu.memref_slice %arg6[%dma_wait3A_62, %dma_wait3A_66] : memref<2x128xi32, #tpu.memory_space<vmem>> -> memref<1x128xi32, #tpu.memory_space<vmem>>
        %dma_wait3A_68 = tpu.memref_squeeze %dma_wait3A_67 : memref<1x128xi32, #tpu.memory_space<vmem>> -> memref<128xi32, #tpu.memory_space<vmem>>
        %dma_wait3A_69 = arith.constant 0 : i32
        %dma_wait3A_70 = arith.constant 0 : i32
        %dma_wait3A_71 = tpu.memref_slice %arg8[%dma_wait3A_69, %dma_wait3A_70] : memref<10000x128xf32, #tpu.memory_space<vmem_shared>> -> memref<10000x128xf32, #tpu.memory_space<vmem_shared>>
        tpu.wait_indirect_dma semaphore(%arg9 : memref<!tpu.dma_semaphore, #tpu.memory_space<semaphore_mem>>) src(%dma_wait3A_65 : memref<128x128xf32, #tpu.memory_space<vmem>>) dst(%dma_wait3A_71 : memref<10000x128xf32, #tpu.memory_space<vmem_shared>>)
      } else {
      }
    }
    %scan3A_11 = arith.constant 20 : i32
    %barrier3A_12 = arith.constant 0 : index
    tpu.barrier barrier_id(%barrier3A_12)
    %mul3A_13 = arith.constant 624 : i32
    %mul3A_14 = arith.muli %arg1, %mul3A_13 : i32
    %mul3A_15 = arith.constant 624 : i32
    %mul3A_16 = arith.muli %arg1, %mul3A_15 : i32
    "tpu.region"() ({
      %run_scoped3A = tpu.sem_alloc : memref<!tpu.dma_semaphore, #tpu.memory_space<semaphore_mem>>
      %dma_start3A = arith.constant 0 : i32
      %dma_start3A_22 = tpu.memref_slice %arg5[%arg0, %mul3A_16, %dma_start3A] : memref<2x10000x128xf32, #tpu.memory_space<hbm>> -> memref<1x624x128xf32, #tpu.memory_space<hbm>>
      %dma_start3A_23 = tpu.memref_squeeze %dma_start3A_22 : memref<1x624x128xf32, #tpu.memory_space<hbm>> -> memref<624x128xf32, #tpu.memory_space<hbm>>
      %dma_start3A_24 = arith.constant 0 : i32
      %dma_start3A_25 = tpu.memref_slice %arg8[%mul3A_14, %dma_start3A_24] : memref<10000x128xf32, #tpu.memory_space<vmem_shared>> -> memref<624x128xf32, #tpu.memory_space<vmem_shared>>
      tpu.enqueue_dma source(%dma_start3A_25 : memref<624x128xf32, #tpu.memory_space<vmem_shared>>) target(%dma_start3A_23 : memref<624x128xf32, #tpu.memory_space<hbm>>) target_semaphore(%run_scoped3A : memref<!tpu.dma_semaphore, #tpu.memory_space<semaphore_mem>>)
      %dma_wait3A = arith.constant 0 : i32
      %dma_wait3A_26 = tpu.memref_slice %arg5[%arg0, %mul3A_16, %dma_wait3A] : memref<2x10000x128xf32, #tpu.memory_space<hbm>> -> memref<1x624x128xf32, #tpu.memory_space<hbm>>
      %dma_wait3A_27 = tpu.memref_squeeze %dma_wait3A_26 : memref<1x624x128xf32, #tpu.memory_space<hbm>> -> memref<624x128xf32, #tpu.memory_space<hbm>>
      %dma_wait3A_28 = arith.constant 0 : i32
      %dma_wait3A_29 = tpu.memref_slice %arg8[%mul3A_14, %dma_wait3A_28] : memref<10000x128xf32, #tpu.memory_space<vmem_shared>> -> memref<624x128xf32, #tpu.memory_space<vmem_shared>>
      tpu.wait_dma2 semaphore(%run_scoped3A : memref<!tpu.dma_semaphore, #tpu.memory_space<semaphore_mem>>) src(%dma_wait3A_29 : memref<624x128xf32, #tpu.memory_space<vmem_shared>>) dst(%dma_wait3A_27 : memref<624x128xf32, #tpu.memory_space<hbm>>)
      tpu.yield
    }) : () -> ()
    %eq3A_17 = arith.constant 15 : i32
    %eq3A_18 = arith.cmpi eq, %arg1, %eq3A_17 : i32
    %convert_element_type3A_19 = arith.extui %eq3A_18 : i1 to i32
    %cond3A_20 = arith.constant 0 : i32
    %cond3A_21 = arith.cmpi ne, %convert_element_type3A_19, %cond3A_20 : i32
    scf.if %cond3A_21 {
      "tpu.region"() ({
        %run_scoped3A = tpu.sem_alloc : memref<!tpu.dma_semaphore, #tpu.memory_space<semaphore_mem>>
        %dma_start3A = arith.constant 9984 : i32
        %dma_start3A_22 = arith.constant 0 : i32
        %dma_start3A_23 = tpu.memref_slice %arg5[%arg0, %dma_start3A, %dma_start3A_22] : memref<2x10000x128xf32, #tpu.memory_space<hbm>> -> memref<1x16x128xf32, #tpu.memory_space<hbm>>
        %dma_start3A_24 = tpu.memref_squeeze %dma_start3A_23 : memref<1x16x128xf32, #tpu.memory_space<hbm>> -> memref<16x128xf32, #tpu.memory_space<hbm>>
        %dma_start3A_25 = arith.constant 9984 : i32
        %dma_start3A_26 = arith.constant 0 : i32
        %dma_start3A_27 = tpu.memref_slice %arg8[%dma_start3A_25, %dma_start3A_26] : memref<10000x128xf32, #tpu.memory_space<vmem_shared>> -> memref<16x128xf32, #tpu.memory_space<vmem_shared>>
        tpu.enqueue_dma source(%dma_start3A_27 : memref<16x128xf32, #tpu.memory_space<vmem_shared>>) target(%dma_start3A_24 : memref<16x128xf32, #tpu.memory_space<hbm>>) target_semaphore(%run_scoped3A : memref<!tpu.dma_semaphore, #tpu.memory_space<semaphore_mem>>)
        %dma_wait3A = arith.constant 9984 : i32
        %dma_wait3A_28 = arith.constant 0 : i32
        %dma_wait3A_29 = tpu.memref_slice %arg5[%arg0, %dma_wait3A, %dma_wait3A_28] : memref<2x10000x128xf32, #tpu.memory_space<hbm>> -> memref<1x16x128xf32, #tpu.memory_space<hbm>>
        %dma_wait3A_30 = tpu.memref_squeeze %dma_wait3A_29 : memref<1x16x128xf32, #tpu.memory_space<hbm>> -> memref<16x128xf32, #tpu.memory_space<hbm>>
        %dma_wait3A_31 = arith.constant 9984 : i32
        %dma_wait3A_32 = arith.constant 0 : i32
        %dma_wait3A_33 = tpu.memref_slice %arg8[%dma_wait3A_31, %dma_wait3A_32] : memref<10000x128xf32, #tpu.memory_space<vmem_shared>> -> memref<16x128xf32, #tpu.memory_space<vmem_shared>>
        tpu.wait_dma2 semaphore(%run_scoped3A : memref<!tpu.dma_semaphore, #tpu.memory_space<semaphore_mem>>) src(%dma_wait3A_33 : memref<16x128xf32, #tpu.memory_space<vmem_shared>>) dst(%dma_wait3A_30 : memref<16x128xf32, #tpu.memory_space<hbm>>)
        tpu.yield
      }) : () -> ()
    } else {
    }
    return
  }
}

#map = affine_map<(d0, d1) -> (0, 0)>
#map1 = affine_map<(d0, d1) -> (0)>
module attributes {stable_mosaic.version = 14 : i64} {
  func.func @gat(%arg0: i32, %arg1: i32, %arg2: memref<10000x128xf32, #tpu.memory_space<hbm>>, %arg3: memref<10000x128xf32, #tpu.memory_space<hbm>>, %arg4: memref<160000xi32, #tpu.memory_space<hbm>>, %arg5: memref<160000xi32, #tpu.memory_space<hbm>>, %arg6: memref<160000x128xf32, #tpu.memory_space<hbm>>, %arg7: memref<256xi32, #tpu.memory_space<vmem>>, %arg8: memref<256xi32, #tpu.memory_space<vmem>>, %arg9: memref<256xi32, #tpu.memory_space<vmem>>, %arg10: memref<256xi32, #tpu.memory_space<vmem>>, %arg11: memref<256xi32, #tpu.memory_space<vmem>>, %arg12: memref<256xi32, #tpu.memory_space<vmem>>, %arg13: memref<256x128xf32, #tpu.memory_space<vmem>>, %arg14: memref<256x128xf32, #tpu.memory_space<vmem>>, %arg15: memref<256x128xf32, #tpu.memory_space<vmem>>, %arg16: memref<!tpu.dma_semaphore, #tpu.memory_space<semaphore_mem>>, %arg17: memref<!tpu.dma_semaphore, #tpu.memory_space<semaphore_mem>>, %arg18: memref<!tpu.dma_semaphore, #tpu.memory_space<semaphore_mem>>, %arg19: memref<!tpu.dma_semaphore, #tpu.memory_space<semaphore_mem>>, %arg20: memref<!tpu.dma_semaphore, #tpu.memory_space<semaphore_mem>>, %arg21: memref<!tpu.dma_semaphore, #tpu.memory_space<semaphore_mem>>, %arg22: memref<!tpu.dma_semaphore, #tpu.memory_space<semaphore_mem>>, %arg23: memref<!tpu.dma_semaphore, #tpu.memory_space<semaphore_mem>>, %arg24: memref<!tpu.dma_semaphore, #tpu.memory_space<semaphore_mem>>) attributes {dimension_semantics = [#tpu.dimension_semantics<core_parallel>, #tpu.dimension_semantics<subcore_parallel>], iteration_bounds = array<i64: 2, 16>, scalar_prefetch = 0 : i64, scratch_operands = 18 : i64, tpu.core_type = #tpu.core_type<sc_vector_subcore>, window_params = [{transform_indices = #map}, {transform_indices = #map}, {transform_indices = #map1}, {transform_indices = #map1}, {transform_indices = #map}]} {
    %mul3A = arith.constant 2 : i32
    %mul3A_0 = arith.muli %arg1, %mul3A : i32
    %add3A = arith.addi %mul3A_0, %arg0 : i32
    %scan3A = arith.constant 0 : i32
    %scan3A_1 = arith.constant 0 : i32
    %scan3A_2 = arith.constant 7 : i32
    %scan3A_3 = arith.addi %scan3A_1, %scan3A_2 : i32
    %scan3A_4 = arith.constant 1 : i32
    scf.for %scan3A_23 = %scan3A_1 to %scan3A_3 step %scan3A_4  : i32 {
      %mul3A_24 = arith.constant 3 : i32
      %mul3A_25 = arith.muli %scan3A_23, %mul3A_24 : i32
      %add3A_26 = arith.constant 0 : i32
      %add3A_27 = arith.addi %mul3A_25, %add3A_26 : i32
      %mul3A_28 = arith.constant 32 : i32
      %mul3A_29 = arith.muli %add3A_27, %mul3A_28 : i32
      %add3A_30 = arith.addi %add3A, %mul3A_29 : i32
      %lt3A = arith.constant 625 : i32
      %lt3A_31 = arith.cmpi slt, %add3A_30, %lt3A : i32
      %ge3A = arith.constant 1 : i32
      %ge3A_32 = arith.cmpi sge, %scan3A_23, %ge3A : i32
      %and3A = arith.andi %lt3A_31, %ge3A_32 : i1
      %convert_element_type3A = arith.extui %and3A : i1 to i32
      %cond3A = arith.constant 0 : i32
      %cond3A_33 = arith.cmpi ne, %convert_element_type3A, %cond3A : i32
      scf.if %cond3A_33 {
        %dma_wait3A_111 = arith.constant 0 : i32
        %dma_wait3A_112 = arith.constant 0 : i32
        %dma_wait3A_113 = tpu.memref_slice %arg6[%dma_wait3A_111, %dma_wait3A_112] : memref<160000x128xf32, #tpu.memory_space<hbm>> -> memref<256x128xf32, #tpu.memory_space<hbm>>
        %dma_wait3A_114 = arith.constant 0 : i32
        %dma_wait3A_115 = arith.constant 0 : i32
        %dma_wait3A_116 = tpu.memref_slice %arg6[%dma_wait3A_114, %dma_wait3A_115] : memref<160000x128xf32, #tpu.memory_space<hbm>> -> memref<256x128xf32, #tpu.memory_space<hbm>>
        tpu.wait_dma2 semaphore(%arg22 : memref<!tpu.dma_semaphore, #tpu.memory_space<semaphore_mem>>) src(%arg13 : memref<256x128xf32, #tpu.memory_space<vmem>>) dst(%dma_wait3A_116 : memref<256x128xf32, #tpu.memory_space<hbm>>)
      } else {
      }
      %lt3A_34 = arith.constant 625 : i32
      %lt3A_35 = arith.cmpi slt, %add3A_30, %lt3A_34 : i32
      %convert_element_type3A_36 = arith.extui %lt3A_35 : i1 to i32
      %cond3A_37 = arith.constant 0 : i32
      %cond3A_38 = arith.cmpi ne, %convert_element_type3A_36, %cond3A_37 : i32
      scf.if %cond3A_38 {
        %mul3A_111 = arith.constant 256 : i32
        %mul3A_112 = arith.muli %add3A_30, %mul3A_111 : i32
        "tpu.region"() ({
          %run_scoped3A = tpu.sem_alloc : memref<!tpu.dma_semaphore, #tpu.memory_space<semaphore_mem>>
          %dma_start3A_128 = tpu.memref_slice %arg4[%mul3A_112] : memref<160000xi32, #tpu.memory_space<hbm>> -> memref<256xi32, #tpu.memory_space<hbm>>
          %dma_start3A_129 = tpu.memref_slice %arg4[%mul3A_112] : memref<160000xi32, #tpu.memory_space<hbm>> -> memref<256xi32, #tpu.memory_space<hbm>>
          tpu.enqueue_dma source(%dma_start3A_129 : memref<256xi32, #tpu.memory_space<hbm>>) target(%arg7 : memref<256xi32, #tpu.memory_space<vmem>>) target_semaphore(%run_scoped3A : memref<!tpu.dma_semaphore, #tpu.memory_space<semaphore_mem>>)
          %dma_wait3A_130 = tpu.memref_slice %arg4[%mul3A_112] : memref<160000xi32, #tpu.memory_space<hbm>> -> memref<256xi32, #tpu.memory_space<hbm>>
          %dma_wait3A_131 = tpu.memref_slice %arg4[%mul3A_112] : memref<160000xi32, #tpu.memory_space<hbm>> -> memref<256xi32, #tpu.memory_space<hbm>>
          tpu.wait_dma2 semaphore(%run_scoped3A : memref<!tpu.dma_semaphore, #tpu.memory_space<semaphore_mem>>) src(%dma_wait3A_131 : memref<256xi32, #tpu.memory_space<hbm>>) dst(%arg7 : memref<256xi32, #tpu.memory_space<vmem>>)
          tpu.yield
        }) : () -> ()
        "tpu.region"() ({
          %run_scoped3A = tpu.sem_alloc : memref<!tpu.dma_semaphore, #tpu.memory_space<semaphore_mem>>
          %dma_start3A_128 = tpu.memref_slice %arg5[%mul3A_112] : memref<160000xi32, #tpu.memory_space<hbm>> -> memref<256xi32, #tpu.memory_space<hbm>>
          %dma_start3A_129 = tpu.memref_slice %arg5[%mul3A_112] : memref<160000xi32, #tpu.memory_space<hbm>> -> memref<256xi32, #tpu.memory_space<hbm>>
          tpu.enqueue_dma source(%dma_start3A_129 : memref<256xi32, #tpu.memory_space<hbm>>) target(%arg10 : memref<256xi32, #tpu.memory_space<vmem>>) target_semaphore(%run_scoped3A : memref<!tpu.dma_semaphore, #tpu.memory_space<semaphore_mem>>)
          %dma_wait3A_130 = tpu.memref_slice %arg5[%mul3A_112] : memref<160000xi32, #tpu.memory_space<hbm>> -> memref<256xi32, #tpu.memory_space<hbm>>
          %dma_wait3A_131 = tpu.memref_slice %arg5[%mul3A_112] : memref<160000xi32, #tpu.memory_space<hbm>> -> memref<256xi32, #tpu.memory_space<hbm>>
          tpu.wait_dma2 semaphore(%run_scoped3A : memref<!tpu.dma_semaphore, #tpu.memory_space<semaphore_mem>>) src(%dma_wait3A_131 : memref<256xi32, #tpu.memory_space<hbm>>) dst(%arg10 : memref<256xi32, #tpu.memory_space<vmem>>)
          tpu.yield
        }) : () -> ()
        %dma_start3A = arith.constant 0 : i32
        %dma_start3A_113 = arith.constant 0 : i32
        %dma_start3A_114 = tpu.memref_slice %arg13[%dma_start3A, %dma_start3A_113] : memref<256x128xf32, #tpu.memory_space<vmem>> -> memref<128x128xf32, #tpu.memory_space<vmem>>
        %dma_start3A_115 = arith.constant 0 : i32
        %dma_start3A_116 = tpu.memref_slice %arg7[%dma_start3A_115] : memref<256xi32, #tpu.memory_space<vmem>> -> memref<128xi32, #tpu.memory_space<vmem>>
        %dma_start3A_117 = arith.constant 0 : i32
        %dma_start3A_118 = arith.constant 0 : i32
        %dma_start3A_119 = tpu.memref_slice %arg2[%dma_start3A_117, %dma_start3A_118] : memref<10000x128xf32, #tpu.memory_space<hbm>> -> memref<10000x128xf32, #tpu.memory_space<hbm>>
        tpu.enqueue_indirect_dma source(%dma_start3A_119 : memref<10000x128xf32, #tpu.memory_space<hbm>>) target(%dma_start3A_114 : memref<128x128xf32, #tpu.memory_space<vmem>>) offsets(%dma_start3A_116 : memref<128xi32, #tpu.memory_space<vmem>>) semaphore(%arg16 : memref<!tpu.dma_semaphore, #tpu.memory_space<semaphore_mem>>)
        %dma_start3A_120 = arith.constant 128 : i32
        %dma_start3A_121 = arith.constant 0 : i32
        %dma_start3A_122 = tpu.memref_slice %arg13[%dma_start3A_120, %dma_start3A_121] : memref<256x128xf32, #tpu.memory_space<vmem>> -> memref<128x128xf32, #tpu.memory_space<vmem>>
        %dma_start3A_123 = arith.constant 128 : i32
        %dma_start3A_124 = tpu.memref_slice %arg7[%dma_start3A_123] : memref<256xi32, #tpu.memory_space<vmem>> -> memref<128xi32, #tpu.memory_space<vmem>>
        %dma_start3A_125 = arith.constant 0 : i32
        %dma_start3A_126 = arith.constant 0 : i32
        %dma_start3A_127 = tpu.memref_slice %arg2[%dma_start3A_125, %dma_start3A_126] : memref<10000x128xf32, #tpu.memory_space<hbm>> -> memref<10000x128xf32, #tpu.memory_space<hbm>>
        tpu.enqueue_indirect_dma source(%dma_start3A_127 : memref<10000x128xf32, #tpu.memory_space<hbm>>) target(%dma_start3A_122 : memref<128x128xf32, #tpu.memory_space<vmem>>) offsets(%dma_start3A_124 : memref<128xi32, #tpu.memory_space<vmem>>) semaphore(%arg16 : memref<!tpu.dma_semaphore, #tpu.memory_space<semaphore_mem>>)
      } else {
      }
      %sub3A = arith.constant 1 : i32
      %sub3A_39 = arith.subi %add3A_27, %sub3A : i32
      %mul3A_40 = arith.constant 32 : i32
      %mul3A_41 = arith.muli %sub3A_39, %mul3A_40 : i32
      %add3A_42 = arith.addi %add3A, %mul3A_41 : i32
      %lt3A_43 = arith.constant 625 : i32
      %lt3A_44 = arith.cmpi slt, %add3A_42, %lt3A_43 : i32
      %ge3A_45 = arith.constant 1 : i32
      %ge3A_46 = arith.cmpi sge, %scan3A_23, %ge3A_45 : i32
      %and3A_47 = arith.andi %lt3A_44, %ge3A_46 : i1
      %convert_element_type3A_48 = arith.extui %and3A_47 : i1 to i32
      %cond3A_49 = arith.constant 0 : i32
      %cond3A_50 = arith.cmpi ne, %convert_element_type3A_48, %cond3A_49 : i32
      scf.if %cond3A_50 {
        %mul3A_111 = arith.constant 256 : i32
        %mul3A_112 = arith.muli %add3A_42, %mul3A_111 : i32
        %dma_wait3A_113 = arith.constant 0 : i32
        %dma_wait3A_114 = arith.constant 0 : i32
        %dma_wait3A_115 = tpu.memref_slice %arg2[%dma_wait3A_113, %dma_wait3A_114] : memref<10000x128xf32, #tpu.memory_space<hbm>> -> memref<256x128xf32, #tpu.memory_space<hbm>>
        %dma_wait3A_116 = arith.constant 0 : i32
        %dma_wait3A_117 = arith.constant 0 : i32
        %dma_wait3A_118 = tpu.memref_slice %arg2[%dma_wait3A_116, %dma_wait3A_117] : memref<10000x128xf32, #tpu.memory_space<hbm>> -> memref<256x128xf32, #tpu.memory_space<hbm>>
        tpu.wait_dma2 semaphore(%arg18 : memref<!tpu.dma_semaphore, #tpu.memory_space<semaphore_mem>>) src(%dma_wait3A_118 : memref<256x128xf32, #tpu.memory_space<hbm>>) dst(%arg15 : memref<256x128xf32, #tpu.memory_space<vmem>>)
        %dma_start3A = arith.constant 0 : i32
        %dma_start3A_119 = arith.constant 0 : i32
        %dma_start3A_120 = tpu.memref_slice %arg15[%dma_start3A, %dma_start3A_119] : memref<256x128xf32, #tpu.memory_space<vmem>> -> memref<128x128xf32, #tpu.memory_space<vmem>>
        %dma_start3A_121 = arith.constant 0 : i32
        %dma_start3A_122 = tpu.memref_slice %arg12[%dma_start3A_121] : memref<256xi32, #tpu.memory_space<vmem>> -> memref<128xi32, #tpu.memory_space<vmem>>
        %dma_start3A_123 = arith.constant 0 : i32
        %dma_start3A_124 = arith.constant 0 : i32
        %dma_start3A_125 = tpu.memref_slice %arg3[%dma_start3A_123, %dma_start3A_124] : memref<10000x128xf32, #tpu.memory_space<hbm>> -> memref<10000x128xf32, #tpu.memory_space<hbm>>
        tpu.enqueue_indirect_dma source(%dma_start3A_125 : memref<10000x128xf32, #tpu.memory_space<hbm>>) target(%dma_start3A_120 : memref<128x128xf32, #tpu.memory_space<vmem>>) offsets(%dma_start3A_122 : memref<128xi32, #tpu.memory_space<vmem>>) semaphore(%arg21 : memref<!tpu.dma_semaphore, #tpu.memory_space<semaphore_mem>>) {add = true}
        %dma_start3A_126 = arith.constant 128 : i32
        %dma_start3A_127 = arith.constant 0 : i32
        %dma_start3A_128 = tpu.memref_slice %arg15[%dma_start3A_126, %dma_start3A_127] : memref<256x128xf32, #tpu.memory_space<vmem>> -> memref<128x128xf32, #tpu.memory_space<vmem>>
        %dma_start3A_129 = arith.constant 128 : i32
        %dma_start3A_130 = tpu.memref_slice %arg12[%dma_start3A_129] : memref<256xi32, #tpu.memory_space<vmem>> -> memref<128xi32, #tpu.memory_space<vmem>>
        %dma_start3A_131 = arith.constant 0 : i32
        %dma_start3A_132 = arith.constant 0 : i32
        %dma_start3A_133 = tpu.memref_slice %arg3[%dma_start3A_131, %dma_start3A_132] : memref<10000x128xf32, #tpu.memory_space<hbm>> -> memref<10000x128xf32, #tpu.memory_space<hbm>>
        tpu.enqueue_indirect_dma source(%dma_start3A_133 : memref<10000x128xf32, #tpu.memory_space<hbm>>) target(%dma_start3A_128 : memref<128x128xf32, #tpu.memory_space<vmem>>) offsets(%dma_start3A_130 : memref<128xi32, #tpu.memory_space<vmem>>) semaphore(%arg21 : memref<!tpu.dma_semaphore, #tpu.memory_space<semaphore_mem>>) {add = true}
        %dma_wait3A_134 = arith.constant 0 : i32
        %dma_wait3A_135 = arith.constant 0 : i32
        %dma_wait3A_136 = tpu.memref_slice %arg15[%dma_wait3A_134, %dma_wait3A_135] : memref<256x128xf32, #tpu.memory_space<vmem>> -> memref<128x128xf32, #tpu.memory_space<vmem>>
        %dma_wait3A_137 = arith.constant 0 : i32
        %dma_wait3A_138 = tpu.memref_slice %arg12[%dma_wait3A_137] : memref<256xi32, #tpu.memory_space<vmem>> -> memref<128xi32, #tpu.memory_space<vmem>>
        %dma_wait3A_139 = arith.constant 0 : i32
        %dma_wait3A_140 = arith.constant 0 : i32
        %dma_wait3A_141 = tpu.memref_slice %arg3[%dma_wait3A_139, %dma_wait3A_140] : memref<10000x128xf32, #tpu.memory_space<hbm>> -> memref<10000x128xf32, #tpu.memory_space<hbm>>
        tpu.wait_indirect_dma semaphore(%arg21 : memref<!tpu.dma_semaphore, #tpu.memory_space<semaphore_mem>>) src(%dma_wait3A_141 : memref<10000x128xf32, #tpu.memory_space<hbm>>) dst(%dma_wait3A_136 : memref<128x128xf32, #tpu.memory_space<vmem>>)
        %dma_wait3A_142 = arith.constant 128 : i32
        %dma_wait3A_143 = arith.constant 0 : i32
        %dma_wait3A_144 = tpu.memref_slice %arg15[%dma_wait3A_142, %dma_wait3A_143] : memref<256x128xf32, #tpu.memory_space<vmem>> -> memref<128x128xf32, #tpu.memory_space<vmem>>
        %dma_wait3A_145 = arith.constant 128 : i32
        %dma_wait3A_146 = tpu.memref_slice %arg12[%dma_wait3A_145] : memref<256xi32, #tpu.memory_space<vmem>> -> memref<128xi32, #tpu.memory_space<vmem>>
        %dma_wait3A_147 = arith.constant 0 : i32
        %dma_wait3A_148 = arith.constant 0 : i32
        %dma_wait3A_149 = tpu.memref_slice %arg3[%dma_wait3A_147, %dma_wait3A_148] : memref<10000x128xf32, #tpu.memory_space<hbm>> -> memref<10000x128xf32, #tpu.memory_space<hbm>>
        tpu.wait_indirect_dma semaphore(%arg21 : memref<!tpu.dma_semaphore, #tpu.memory_space<semaphore_mem>>) src(%dma_wait3A_149 : memref<10000x128xf32, #tpu.memory_space<hbm>>) dst(%dma_wait3A_144 : memref<128x128xf32, #tpu.memory_space<vmem>>)
        %dma_start3A_150 = arith.constant 0 : i32
        %dma_start3A_151 = tpu.memref_slice %arg6[%mul3A_112, %dma_start3A_150] : memref<160000x128xf32, #tpu.memory_space<hbm>> -> memref<256x128xf32, #tpu.memory_space<hbm>>
        %dma_start3A_152 = arith.constant 0 : i32
        %dma_start3A_153 = tpu.memref_slice %arg6[%mul3A_112, %dma_start3A_152] : memref<160000x128xf32, #tpu.memory_space<hbm>> -> memref<256x128xf32, #tpu.memory_space<hbm>>
        tpu.enqueue_dma source(%arg15 : memref<256x128xf32, #tpu.memory_space<vmem>>) target(%dma_start3A_153 : memref<256x128xf32, #tpu.memory_space<hbm>>) target_semaphore(%arg24 : memref<!tpu.dma_semaphore, #tpu.memory_space<semaphore_mem>>)
      } else {
      }
      %mul3A_51 = arith.constant 3 : i32
      %mul3A_52 = arith.muli %scan3A_23, %mul3A_51 : i32
      %add3A_53 = arith.constant 1 : i32
      %add3A_54 = arith.addi %mul3A_52, %add3A_53 : i32
      %mul3A_55 = arith.constant 32 : i32
      %mul3A_56 = arith.muli %add3A_54, %mul3A_55 : i32
      %add3A_57 = arith.addi %add3A, %mul3A_56 : i32
      %lt3A_58 = arith.constant 625 : i32
      %lt3A_59 = arith.cmpi slt, %add3A_57, %lt3A_58 : i32
      %ge3A_60 = arith.constant 1 : i32
      %ge3A_61 = arith.cmpi sge, %scan3A_23, %ge3A_60 : i32
      %and3A_62 = arith.andi %lt3A_59, %ge3A_61 : i1
      %convert_element_type3A_63 = arith.extui %and3A_62 : i1 to i32
      %cond3A_64 = arith.constant 0 : i32
      %cond3A_65 = arith.cmpi ne, %convert_element_type3A_63, %cond3A_64 : i32
      scf.if %cond3A_65 {
        %dma_wait3A_111 = arith.constant 0 : i32
        %dma_wait3A_112 = arith.constant 0 : i32
        %dma_wait3A_113 = tpu.memref_slice %arg6[%dma_wait3A_111, %dma_wait3A_112] : memref<160000x128xf32, #tpu.memory_space<hbm>> -> memref<256x128xf32, #tpu.memory_space<hbm>>
        %dma_wait3A_114 = arith.constant 0 : i32
        %dma_wait3A_115 = arith.constant 0 : i32
        %dma_wait3A_116 = tpu.memref_slice %arg6[%dma_wait3A_114, %dma_wait3A_115] : memref<160000x128xf32, #tpu.memory_space<hbm>> -> memref<256x128xf32, #tpu.memory_space<hbm>>
        tpu.wait_dma2 semaphore(%arg23 : memref<!tpu.dma_semaphore, #tpu.memory_space<semaphore_mem>>) src(%arg13 : memref<256x128xf32, #tpu.memory_space<vmem>>) dst(%dma_wait3A_116 : memref<256x128xf32, #tpu.memory_space<hbm>>)
      } else {
      }
      %lt3A_66 = arith.constant 625 : i32
      %lt3A_67 = arith.cmpi slt, %add3A_57, %lt3A_66 : i32
      %convert_element_type3A_68 = arith.extui %lt3A_67 : i1 to i32
      %cond3A_69 = arith.constant 0 : i32
      %cond3A_70 = arith.cmpi ne, %convert_element_type3A_68, %cond3A_69 : i32
      scf.if %cond3A_70 {
        %mul3A_111 = arith.constant 256 : i32
        %mul3A_112 = arith.muli %add3A_57, %mul3A_111 : i32
        "tpu.region"() ({
          %run_scoped3A = tpu.sem_alloc : memref<!tpu.dma_semaphore, #tpu.memory_space<semaphore_mem>>
          %dma_start3A_128 = tpu.memref_slice %arg4[%mul3A_112] : memref<160000xi32, #tpu.memory_space<hbm>> -> memref<256xi32, #tpu.memory_space<hbm>>
          %dma_start3A_129 = tpu.memref_slice %arg4[%mul3A_112] : memref<160000xi32, #tpu.memory_space<hbm>> -> memref<256xi32, #tpu.memory_space<hbm>>
          tpu.enqueue_dma source(%dma_start3A_129 : memref<256xi32, #tpu.memory_space<hbm>>) target(%arg8 : memref<256xi32, #tpu.memory_space<vmem>>) target_semaphore(%run_scoped3A : memref<!tpu.dma_semaphore, #tpu.memory_space<semaphore_mem>>)
          %dma_wait3A_130 = tpu.memref_slice %arg4[%mul3A_112] : memref<160000xi32, #tpu.memory_space<hbm>> -> memref<256xi32, #tpu.memory_space<hbm>>
          %dma_wait3A_131 = tpu.memref_slice %arg4[%mul3A_112] : memref<160000xi32, #tpu.memory_space<hbm>> -> memref<256xi32, #tpu.memory_space<hbm>>
          tpu.wait_dma2 semaphore(%run_scoped3A : memref<!tpu.dma_semaphore, #tpu.memory_space<semaphore_mem>>) src(%dma_wait3A_131 : memref<256xi32, #tpu.memory_space<hbm>>) dst(%arg8 : memref<256xi32, #tpu.memory_space<vmem>>)
          tpu.yield
        }) : () -> ()
        "tpu.region"() ({
          %run_scoped3A = tpu.sem_alloc : memref<!tpu.dma_semaphore, #tpu.memory_space<semaphore_mem>>
          %dma_start3A_128 = tpu.memref_slice %arg5[%mul3A_112] : memref<160000xi32, #tpu.memory_space<hbm>> -> memref<256xi32, #tpu.memory_space<hbm>>
          %dma_start3A_129 = tpu.memref_slice %arg5[%mul3A_112] : memref<160000xi32, #tpu.memory_space<hbm>> -> memref<256xi32, #tpu.memory_space<hbm>>
          tpu.enqueue_dma source(%dma_start3A_129 : memref<256xi32, #tpu.memory_space<hbm>>) target(%arg11 : memref<256xi32, #tpu.memory_space<vmem>>) target_semaphore(%run_scoped3A : memref<!tpu.dma_semaphore, #tpu.memory_space<semaphore_mem>>)
          %dma_wait3A_130 = tpu.memref_slice %arg5[%mul3A_112] : memref<160000xi32, #tpu.memory_space<hbm>> -> memref<256xi32, #tpu.memory_space<hbm>>
          %dma_wait3A_131 = tpu.memref_slice %arg5[%mul3A_112] : memref<160000xi32, #tpu.memory_space<hbm>> -> memref<256xi32, #tpu.memory_space<hbm>>
          tpu.wait_dma2 semaphore(%run_scoped3A : memref<!tpu.dma_semaphore, #tpu.memory_space<semaphore_mem>>) src(%dma_wait3A_131 : memref<256xi32, #tpu.memory_space<hbm>>) dst(%arg11 : memref<256xi32, #tpu.memory_space<vmem>>)
          tpu.yield
        }) : () -> ()
        %dma_start3A = arith.constant 0 : i32
        %dma_start3A_113 = arith.constant 0 : i32
        %dma_start3A_114 = tpu.memref_slice %arg14[%dma_start3A, %dma_start3A_113] : memref<256x128xf32, #tpu.memory_space<vmem>> -> memref<128x128xf32, #tpu.memory_space<vmem>>
        %dma_start3A_115 = arith.constant 0 : i32
        %dma_start3A_116 = tpu.memref_slice %arg8[%dma_start3A_115] : memref<256xi32, #tpu.memory_space<vmem>> -> memref<128xi32, #tpu.memory_space<vmem>>
        %dma_start3A_117 = arith.constant 0 : i32
        %dma_start3A_118 = arith.constant 0 : i32
        %dma_start3A_119 = tpu.memref_slice %arg2[%dma_start3A_117, %dma_start3A_118] : memref<10000x128xf32, #tpu.memory_space<hbm>> -> memref<10000x128xf32, #tpu.memory_space<hbm>>
        tpu.enqueue_indirect_dma source(%dma_start3A_119 : memref<10000x128xf32, #tpu.memory_space<hbm>>) target(%dma_start3A_114 : memref<128x128xf32, #tpu.memory_space<vmem>>) offsets(%dma_start3A_116 : memref<128xi32, #tpu.memory_space<vmem>>) semaphore(%arg17 : memref<!tpu.dma_semaphore, #tpu.memory_space<semaphore_mem>>)
        %dma_start3A_120 = arith.constant 128 : i32
        %dma_start3A_121 = arith.constant 0 : i32
        %dma_start3A_122 = tpu.memref_slice %arg14[%dma_start3A_120, %dma_start3A_121] : memref<256x128xf32, #tpu.memory_space<vmem>> -> memref<128x128xf32, #tpu.memory_space<vmem>>
        %dma_start3A_123 = arith.constant 128 : i32
        %dma_start3A_124 = tpu.memref_slice %arg8[%dma_start3A_123] : memref<256xi32, #tpu.memory_space<vmem>> -> memref<128xi32, #tpu.memory_space<vmem>>
        %dma_start3A_125 = arith.constant 0 : i32
        %dma_start3A_126 = arith.constant 0 : i32
        %dma_start3A_127 = tpu.memref_slice %arg2[%dma_start3A_125, %dma_start3A_126] : memref<10000x128xf32, #tpu.memory_space<hbm>> -> memref<10000x128xf32, #tpu.memory_space<hbm>>
        tpu.enqueue_indirect_dma source(%dma_start3A_127 : memref<10000x128xf32, #tpu.memory_space<hbm>>) target(%dma_start3A_122 : memref<128x128xf32, #tpu.memory_space<vmem>>) offsets(%dma_start3A_124 : memref<128xi32, #tpu.memory_space<vmem>>) semaphore(%arg17 : memref<!tpu.dma_semaphore, #tpu.memory_space<semaphore_mem>>)
      } else {
      }
      %sub3A_71 = arith.constant 1 : i32
      %sub3A_72 = arith.subi %add3A_54, %sub3A_71 : i32
      %mul3A_73 = arith.constant 32 : i32
      %mul3A_74 = arith.muli %sub3A_72, %mul3A_73 : i32
      %add3A_75 = arith.addi %add3A, %mul3A_74 : i32
      %lt3A_76 = arith.constant 625 : i32
      %lt3A_77 = arith.cmpi slt, %add3A_75, %lt3A_76 : i32
      %convert_element_type3A_78 = arith.extui %lt3A_77 : i1 to i32
      %cond3A_79 = arith.constant 0 : i32
      %cond3A_80 = arith.cmpi ne, %convert_element_type3A_78, %cond3A_79 : i32
      scf.if %cond3A_80 {
        %mul3A_111 = arith.constant 256 : i32
        %mul3A_112 = arith.muli %add3A_75, %mul3A_111 : i32
        %dma_wait3A_113 = arith.constant 0 : i32
        %dma_wait3A_114 = arith.constant 0 : i32
        %dma_wait3A_115 = tpu.memref_slice %arg2[%dma_wait3A_113, %dma_wait3A_114] : memref<10000x128xf32, #tpu.memory_space<hbm>> -> memref<256x128xf32, #tpu.memory_space<hbm>>
        %dma_wait3A_116 = arith.constant 0 : i32
        %dma_wait3A_117 = arith.constant 0 : i32
        %dma_wait3A_118 = tpu.memref_slice %arg2[%dma_wait3A_116, %dma_wait3A_117] : memref<10000x128xf32, #tpu.memory_space<hbm>> -> memref<256x128xf32, #tpu.memory_space<hbm>>
        tpu.wait_dma2 semaphore(%arg16 : memref<!tpu.dma_semaphore, #tpu.memory_space<semaphore_mem>>) src(%dma_wait3A_118 : memref<256x128xf32, #tpu.memory_space<hbm>>) dst(%arg13 : memref<256x128xf32, #tpu.memory_space<vmem>>)
        %dma_start3A = arith.constant 0 : i32
        %dma_start3A_119 = arith.constant 0 : i32
        %dma_start3A_120 = tpu.memref_slice %arg13[%dma_start3A, %dma_start3A_119] : memref<256x128xf32, #tpu.memory_space<vmem>> -> memref<128x128xf32, #tpu.memory_space<vmem>>
        %dma_start3A_121 = arith.constant 0 : i32
        %dma_start3A_122 = tpu.memref_slice %arg10[%dma_start3A_121] : memref<256xi32, #tpu.memory_space<vmem>> -> memref<128xi32, #tpu.memory_space<vmem>>
        %dma_start3A_123 = arith.constant 0 : i32
        %dma_start3A_124 = arith.constant 0 : i32
        %dma_start3A_125 = tpu.memref_slice %arg3[%dma_start3A_123, %dma_start3A_124] : memref<10000x128xf32, #tpu.memory_space<hbm>> -> memref<10000x128xf32, #tpu.memory_space<hbm>>
        tpu.enqueue_indirect_dma source(%dma_start3A_125 : memref<10000x128xf32, #tpu.memory_space<hbm>>) target(%dma_start3A_120 : memref<128x128xf32, #tpu.memory_space<vmem>>) offsets(%dma_start3A_122 : memref<128xi32, #tpu.memory_space<vmem>>) semaphore(%arg19 : memref<!tpu.dma_semaphore, #tpu.memory_space<semaphore_mem>>) {add = true}
        %dma_start3A_126 = arith.constant 128 : i32
        %dma_start3A_127 = arith.constant 0 : i32
        %dma_start3A_128 = tpu.memref_slice %arg13[%dma_start3A_126, %dma_start3A_127] : memref<256x128xf32, #tpu.memory_space<vmem>> -> memref<128x128xf32, #tpu.memory_space<vmem>>
        %dma_start3A_129 = arith.constant 128 : i32
        %dma_start3A_130 = tpu.memref_slice %arg10[%dma_start3A_129] : memref<256xi32, #tpu.memory_space<vmem>> -> memref<128xi32, #tpu.memory_space<vmem>>
        %dma_start3A_131 = arith.constant 0 : i32
        %dma_start3A_132 = arith.constant 0 : i32
        %dma_start3A_133 = tpu.memref_slice %arg3[%dma_start3A_131, %dma_start3A_132] : memref<10000x128xf32, #tpu.memory_space<hbm>> -> memref<10000x128xf32, #tpu.memory_space<hbm>>
        tpu.enqueue_indirect_dma source(%dma_start3A_133 : memref<10000x128xf32, #tpu.memory_space<hbm>>) target(%dma_start3A_128 : memref<128x128xf32, #tpu.memory_space<vmem>>) offsets(%dma_start3A_130 : memref<128xi32, #tpu.memory_space<vmem>>) semaphore(%arg19 : memref<!tpu.dma_semaphore, #tpu.memory_space<semaphore_mem>>) {add = true}
        %dma_wait3A_134 = arith.constant 0 : i32
        %dma_wait3A_135 = arith.constant 0 : i32
        %dma_wait3A_136 = tpu.memref_slice %arg13[%dma_wait3A_134, %dma_wait3A_135] : memref<256x128xf32, #tpu.memory_space<vmem>> -> memref<128x128xf32, #tpu.memory_space<vmem>>
        %dma_wait3A_137 = arith.constant 0 : i32
        %dma_wait3A_138 = tpu.memref_slice %arg10[%dma_wait3A_137] : memref<256xi32, #tpu.memory_space<vmem>> -> memref<128xi32, #tpu.memory_space<vmem>>
        %dma_wait3A_139 = arith.constant 0 : i32
        %dma_wait3A_140 = arith.constant 0 : i32
        %dma_wait3A_141 = tpu.memref_slice %arg3[%dma_wait3A_139, %dma_wait3A_140] : memref<10000x128xf32, #tpu.memory_space<hbm>> -> memref<10000x128xf32, #tpu.memory_space<hbm>>
        tpu.wait_indirect_dma semaphore(%arg19 : memref<!tpu.dma_semaphore, #tpu.memory_space<semaphore_mem>>) src(%dma_wait3A_141 : memref<10000x128xf32, #tpu.memory_space<hbm>>) dst(%dma_wait3A_136 : memref<128x128xf32, #tpu.memory_space<vmem>>)
        %dma_wait3A_142 = arith.constant 128 : i32
        %dma_wait3A_143 = arith.constant 0 : i32
        %dma_wait3A_144 = tpu.memref_slice %arg13[%dma_wait3A_142, %dma_wait3A_143] : memref<256x128xf32, #tpu.memory_space<vmem>> -> memref<128x128xf32, #tpu.memory_space<vmem>>
        %dma_wait3A_145 = arith.constant 128 : i32
        %dma_wait3A_146 = tpu.memref_slice %arg10[%dma_wait3A_145] : memref<256xi32, #tpu.memory_space<vmem>> -> memref<128xi32, #tpu.memory_space<vmem>>
        %dma_wait3A_147 = arith.constant 0 : i32
        %dma_wait3A_148 = arith.constant 0 : i32
        %dma_wait3A_149 = tpu.memref_slice %arg3[%dma_wait3A_147, %dma_wait3A_148] : memref<10000x128xf32, #tpu.memory_space<hbm>> -> memref<10000x128xf32, #tpu.memory_space<hbm>>
        tpu.wait_indirect_dma semaphore(%arg19 : memref<!tpu.dma_semaphore, #tpu.memory_space<semaphore_mem>>) src(%dma_wait3A_149 : memref<10000x128xf32, #tpu.memory_space<hbm>>) dst(%dma_wait3A_144 : memref<128x128xf32, #tpu.memory_space<vmem>>)
        %dma_start3A_150 = arith.constant 0 : i32
        %dma_start3A_151 = tpu.memref_slice %arg6[%mul3A_112, %dma_start3A_150] : memref<160000x128xf32, #tpu.memory_space<hbm>> -> memref<256x128xf32, #tpu.memory_space<hbm>>
        %dma_start3A_152 = arith.constant 0 : i32
        %dma_start3A_153 = tpu.memref_slice %arg6[%mul3A_112, %dma_start3A_152] : memref<160000x128xf32, #tpu.memory_space<hbm>> -> memref<256x128xf32, #tpu.memory_space<hbm>>
        tpu.enqueue_dma source(%arg13 : memref<256x128xf32, #tpu.memory_space<vmem>>) target(%dma_start3A_153 : memref<256x128xf32, #tpu.memory_space<hbm>>) target_semaphore(%arg22 : memref<!tpu.dma_semaphore, #tpu.memory_space<semaphore_mem>>)
      } else {
      }
      %mul3A_81 = arith.constant 3 : i32
      %mul3A_82 = arith.muli %scan3A_23, %mul3A_81 : i32
      %add3A_83 = arith.constant 2 : i32
      %add3A_84 = arith.addi %mul3A_82, %add3A_83 : i32
      %mul3A_85 = arith.constant 32 : i32
      %mul3A_86 = arith.muli %add3A_84, %mul3A_85 : i32
      %add3A_87 = arith.addi %add3A, %mul3A_86 : i32
      %lt3A_88 = arith.constant 625 : i32
      %lt3A_89 = arith.cmpi slt, %add3A_87, %lt3A_88 : i32
      %ge3A_90 = arith.constant 1 : i32
      %ge3A_91 = arith.cmpi sge, %scan3A_23, %ge3A_90 : i32
      %and3A_92 = arith.andi %lt3A_89, %ge3A_91 : i1
      %convert_element_type3A_93 = arith.extui %and3A_92 : i1 to i32
      %cond3A_94 = arith.constant 0 : i32
      %cond3A_95 = arith.cmpi ne, %convert_element_type3A_93, %cond3A_94 : i32
      scf.if %cond3A_95 {
        %dma_wait3A_111 = arith.constant 0 : i32
        %dma_wait3A_112 = arith.constant 0 : i32
        %dma_wait3A_113 = tpu.memref_slice %arg6[%dma_wait3A_111, %dma_wait3A_112] : memref<160000x128xf32, #tpu.memory_space<hbm>> -> memref<256x128xf32, #tpu.memory_space<hbm>>
        %dma_wait3A_114 = arith.constant 0 : i32
        %dma_wait3A_115 = arith.constant 0 : i32
        %dma_wait3A_116 = tpu.memref_slice %arg6[%dma_wait3A_114, %dma_wait3A_115] : memref<160000x128xf32, #tpu.memory_space<hbm>> -> memref<256x128xf32, #tpu.memory_space<hbm>>
        tpu.wait_dma2 semaphore(%arg24 : memref<!tpu.dma_semaphore, #tpu.memory_space<semaphore_mem>>) src(%arg13 : memref<256x128xf32, #tpu.memory_space<vmem>>) dst(%dma_wait3A_116 : memref<256x128xf32, #tpu.memory_space<hbm>>)
      } else {
      }
      %lt3A_96 = arith.constant 625 : i32
      %lt3A_97 = arith.cmpi slt, %add3A_87, %lt3A_96 : i32
      %convert_element_type3A_98 = arith.extui %lt3A_97 : i1 to i32
      %cond3A_99 = arith.constant 0 : i32
      %cond3A_100 = arith.cmpi ne, %convert_element_type3A_98, %cond3A_99 : i32
      scf.if %cond3A_100 {
        %mul3A_111 = arith.constant 256 : i32
        %mul3A_112 = arith.muli %add3A_87, %mul3A_111 : i32
        "tpu.region"() ({
          %run_scoped3A = tpu.sem_alloc : memref<!tpu.dma_semaphore, #tpu.memory_space<semaphore_mem>>
          %dma_start3A_128 = tpu.memref_slice %arg4[%mul3A_112] : memref<160000xi32, #tpu.memory_space<hbm>> -> memref<256xi32, #tpu.memory_space<hbm>>
          %dma_start3A_129 = tpu.memref_slice %arg4[%mul3A_112] : memref<160000xi32, #tpu.memory_space<hbm>> -> memref<256xi32, #tpu.memory_space<hbm>>
          tpu.enqueue_dma source(%dma_start3A_129 : memref<256xi32, #tpu.memory_space<hbm>>) target(%arg9 : memref<256xi32, #tpu.memory_space<vmem>>) target_semaphore(%run_scoped3A : memref<!tpu.dma_semaphore, #tpu.memory_space<semaphore_mem>>)
          %dma_wait3A_130 = tpu.memref_slice %arg4[%mul3A_112] : memref<160000xi32, #tpu.memory_space<hbm>> -> memref<256xi32, #tpu.memory_space<hbm>>
          %dma_wait3A_131 = tpu.memref_slice %arg4[%mul3A_112] : memref<160000xi32, #tpu.memory_space<hbm>> -> memref<256xi32, #tpu.memory_space<hbm>>
          tpu.wait_dma2 semaphore(%run_scoped3A : memref<!tpu.dma_semaphore, #tpu.memory_space<semaphore_mem>>) src(%dma_wait3A_131 : memref<256xi32, #tpu.memory_space<hbm>>) dst(%arg9 : memref<256xi32, #tpu.memory_space<vmem>>)
          tpu.yield
        }) : () -> ()
        "tpu.region"() ({
          %run_scoped3A = tpu.sem_alloc : memref<!tpu.dma_semaphore, #tpu.memory_space<semaphore_mem>>
          %dma_start3A_128 = tpu.memref_slice %arg5[%mul3A_112] : memref<160000xi32, #tpu.memory_space<hbm>> -> memref<256xi32, #tpu.memory_space<hbm>>
          %dma_start3A_129 = tpu.memref_slice %arg5[%mul3A_112] : memref<160000xi32, #tpu.memory_space<hbm>> -> memref<256xi32, #tpu.memory_space<hbm>>
          tpu.enqueue_dma source(%dma_start3A_129 : memref<256xi32, #tpu.memory_space<hbm>>) target(%arg12 : memref<256xi32, #tpu.memory_space<vmem>>) target_semaphore(%run_scoped3A : memref<!tpu.dma_semaphore, #tpu.memory_space<semaphore_mem>>)
          %dma_wait3A_130 = tpu.memref_slice %arg5[%mul3A_112] : memref<160000xi32, #tpu.memory_space<hbm>> -> memref<256xi32, #tpu.memory_space<hbm>>
          %dma_wait3A_131 = tpu.memref_slice %arg5[%mul3A_112] : memref<160000xi32, #tpu.memory_space<hbm>> -> memref<256xi32, #tpu.memory_space<hbm>>
          tpu.wait_dma2 semaphore(%run_scoped3A : memref<!tpu.dma_semaphore, #tpu.memory_space<semaphore_mem>>) src(%dma_wait3A_131 : memref<256xi32, #tpu.memory_space<hbm>>) dst(%arg12 : memref<256xi32, #tpu.memory_space<vmem>>)
          tpu.yield
        }) : () -> ()
        %dma_start3A = arith.constant 0 : i32
        %dma_start3A_113 = arith.constant 0 : i32
        %dma_start3A_114 = tpu.memref_slice %arg15[%dma_start3A, %dma_start3A_113] : memref<256x128xf32, #tpu.memory_space<vmem>> -> memref<128x128xf32, #tpu.memory_space<vmem>>
        %dma_start3A_115 = arith.constant 0 : i32
        %dma_start3A_116 = tpu.memref_slice %arg9[%dma_start3A_115] : memref<256xi32, #tpu.memory_space<vmem>> -> memref<128xi32, #tpu.memory_space<vmem>>
        %dma_start3A_117 = arith.constant 0 : i32
        %dma_start3A_118 = arith.constant 0 : i32
        %dma_start3A_119 = tpu.memref_slice %arg2[%dma_start3A_117, %dma_start3A_118] : memref<10000x128xf32, #tpu.memory_space<hbm>> -> memref<10000x128xf32, #tpu.memory_space<hbm>>
        tpu.enqueue_indirect_dma source(%dma_start3A_119 : memref<10000x128xf32, #tpu.memory_space<hbm>>) target(%dma_start3A_114 : memref<128x128xf32, #tpu.memory_space<vmem>>) offsets(%dma_start3A_116 : memref<128xi32, #tpu.memory_space<vmem>>) semaphore(%arg18 : memref<!tpu.dma_semaphore, #tpu.memory_space<semaphore_mem>>)
        %dma_start3A_120 = arith.constant 128 : i32
        %dma_start3A_121 = arith.constant 0 : i32
        %dma_start3A_122 = tpu.memref_slice %arg15[%dma_start3A_120, %dma_start3A_121] : memref<256x128xf32, #tpu.memory_space<vmem>> -> memref<128x128xf32, #tpu.memory_space<vmem>>
        %dma_start3A_123 = arith.constant 128 : i32
        %dma_start3A_124 = tpu.memref_slice %arg9[%dma_start3A_123] : memref<256xi32, #tpu.memory_space<vmem>> -> memref<128xi32, #tpu.memory_space<vmem>>
        %dma_start3A_125 = arith.constant 0 : i32
        %dma_start3A_126 = arith.constant 0 : i32
        %dma_start3A_127 = tpu.memref_slice %arg2[%dma_start3A_125, %dma_start3A_126] : memref<10000x128xf32, #tpu.memory_space<hbm>> -> memref<10000x128xf32, #tpu.memory_space<hbm>>
        tpu.enqueue_indirect_dma source(%dma_start3A_127 : memref<10000x128xf32, #tpu.memory_space<hbm>>) target(%dma_start3A_122 : memref<128x128xf32, #tpu.memory_space<vmem>>) offsets(%dma_start3A_124 : memref<128xi32, #tpu.memory_space<vmem>>) semaphore(%arg18 : memref<!tpu.dma_semaphore, #tpu.memory_space<semaphore_mem>>)
      } else {
      }
      %sub3A_101 = arith.constant 1 : i32
      %sub3A_102 = arith.subi %add3A_84, %sub3A_101 : i32
      %mul3A_103 = arith.constant 32 : i32
      %mul3A_104 = arith.muli %sub3A_102, %mul3A_103 : i32
      %add3A_105 = arith.addi %add3A, %mul3A_104 : i32
      %lt3A_106 = arith.constant 625 : i32
      %lt3A_107 = arith.cmpi slt, %add3A_105, %lt3A_106 : i32
      %convert_element_type3A_108 = arith.extui %lt3A_107 : i1 to i32
      %cond3A_109 = arith.constant 0 : i32
      %cond3A_110 = arith.cmpi ne, %convert_element_type3A_108, %cond3A_109 : i32
      scf.if %cond3A_110 {
        %mul3A_111 = arith.constant 256 : i32
        %mul3A_112 = arith.muli %add3A_105, %mul3A_111 : i32
        %dma_wait3A_113 = arith.constant 0 : i32
        %dma_wait3A_114 = arith.constant 0 : i32
        %dma_wait3A_115 = tpu.memref_slice %arg2[%dma_wait3A_113, %dma_wait3A_114] : memref<10000x128xf32, #tpu.memory_space<hbm>> -> memref<256x128xf32, #tpu.memory_space<hbm>>
        %dma_wait3A_116 = arith.constant 0 : i32
        %dma_wait3A_117 = arith.constant 0 : i32
        %dma_wait3A_118 = tpu.memref_slice %arg2[%dma_wait3A_116, %dma_wait3A_117] : memref<10000x128xf32, #tpu.memory_space<hbm>> -> memref<256x128xf32, #tpu.memory_space<hbm>>
        tpu.wait_dma2 semaphore(%arg17 : memref<!tpu.dma_semaphore, #tpu.memory_space<semaphore_mem>>) src(%dma_wait3A_118 : memref<256x128xf32, #tpu.memory_space<hbm>>) dst(%arg14 : memref<256x128xf32, #tpu.memory_space<vmem>>)
        %dma_start3A = arith.constant 0 : i32
        %dma_start3A_119 = arith.constant 0 : i32
        %dma_start3A_120 = tpu.memref_slice %arg14[%dma_start3A, %dma_start3A_119] : memref<256x128xf32, #tpu.memory_space<vmem>> -> memref<128x128xf32, #tpu.memory_space<vmem>>
        %dma_start3A_121 = arith.constant 0 : i32
        %dma_start3A_122 = tpu.memref_slice %arg11[%dma_start3A_121] : memref<256xi32, #tpu.memory_space<vmem>> -> memref<128xi32, #tpu.memory_space<vmem>>
        %dma_start3A_123 = arith.constant 0 : i32
        %dma_start3A_124 = arith.constant 0 : i32
        %dma_start3A_125 = tpu.memref_slice %arg3[%dma_start3A_123, %dma_start3A_124] : memref<10000x128xf32, #tpu.memory_space<hbm>> -> memref<10000x128xf32, #tpu.memory_space<hbm>>
        tpu.enqueue_indirect_dma source(%dma_start3A_125 : memref<10000x128xf32, #tpu.memory_space<hbm>>) target(%dma_start3A_120 : memref<128x128xf32, #tpu.memory_space<vmem>>) offsets(%dma_start3A_122 : memref<128xi32, #tpu.memory_space<vmem>>) semaphore(%arg20 : memref<!tpu.dma_semaphore, #tpu.memory_space<semaphore_mem>>) {add = true}
        %dma_start3A_126 = arith.constant 128 : i32
        %dma_start3A_127 = arith.constant 0 : i32
        %dma_start3A_128 = tpu.memref_slice %arg14[%dma_start3A_126, %dma_start3A_127] : memref<256x128xf32, #tpu.memory_space<vmem>> -> memref<128x128xf32, #tpu.memory_space<vmem>>
        %dma_start3A_129 = arith.constant 128 : i32
        %dma_start3A_130 = tpu.memref_slice %arg11[%dma_start3A_129] : memref<256xi32, #tpu.memory_space<vmem>> -> memref<128xi32, #tpu.memory_space<vmem>>
        %dma_start3A_131 = arith.constant 0 : i32
        %dma_start3A_132 = arith.constant 0 : i32
        %dma_start3A_133 = tpu.memref_slice %arg3[%dma_start3A_131, %dma_start3A_132] : memref<10000x128xf32, #tpu.memory_space<hbm>> -> memref<10000x128xf32, #tpu.memory_space<hbm>>
        tpu.enqueue_indirect_dma source(%dma_start3A_133 : memref<10000x128xf32, #tpu.memory_space<hbm>>) target(%dma_start3A_128 : memref<128x128xf32, #tpu.memory_space<vmem>>) offsets(%dma_start3A_130 : memref<128xi32, #tpu.memory_space<vmem>>) semaphore(%arg20 : memref<!tpu.dma_semaphore, #tpu.memory_space<semaphore_mem>>) {add = true}
        %dma_wait3A_134 = arith.constant 0 : i32
        %dma_wait3A_135 = arith.constant 0 : i32
        %dma_wait3A_136 = tpu.memref_slice %arg14[%dma_wait3A_134, %dma_wait3A_135] : memref<256x128xf32, #tpu.memory_space<vmem>> -> memref<128x128xf32, #tpu.memory_space<vmem>>
        %dma_wait3A_137 = arith.constant 0 : i32
        %dma_wait3A_138 = tpu.memref_slice %arg11[%dma_wait3A_137] : memref<256xi32, #tpu.memory_space<vmem>> -> memref<128xi32, #tpu.memory_space<vmem>>
        %dma_wait3A_139 = arith.constant 0 : i32
        %dma_wait3A_140 = arith.constant 0 : i32
        %dma_wait3A_141 = tpu.memref_slice %arg3[%dma_wait3A_139, %dma_wait3A_140] : memref<10000x128xf32, #tpu.memory_space<hbm>> -> memref<10000x128xf32, #tpu.memory_space<hbm>>
        tpu.wait_indirect_dma semaphore(%arg20 : memref<!tpu.dma_semaphore, #tpu.memory_space<semaphore_mem>>) src(%dma_wait3A_141 : memref<10000x128xf32, #tpu.memory_space<hbm>>) dst(%dma_wait3A_136 : memref<128x128xf32, #tpu.memory_space<vmem>>)
        %dma_wait3A_142 = arith.constant 128 : i32
        %dma_wait3A_143 = arith.constant 0 : i32
        %dma_wait3A_144 = tpu.memref_slice %arg14[%dma_wait3A_142, %dma_wait3A_143] : memref<256x128xf32, #tpu.memory_space<vmem>> -> memref<128x128xf32, #tpu.memory_space<vmem>>
        %dma_wait3A_145 = arith.constant 128 : i32
        %dma_wait3A_146 = tpu.memref_slice %arg11[%dma_wait3A_145] : memref<256xi32, #tpu.memory_space<vmem>> -> memref<128xi32, #tpu.memory_space<vmem>>
        %dma_wait3A_147 = arith.constant 0 : i32
        %dma_wait3A_148 = arith.constant 0 : i32
        %dma_wait3A_149 = tpu.memref_slice %arg3[%dma_wait3A_147, %dma_wait3A_148] : memref<10000x128xf32, #tpu.memory_space<hbm>> -> memref<10000x128xf32, #tpu.memory_space<hbm>>
        tpu.wait_indirect_dma semaphore(%arg20 : memref<!tpu.dma_semaphore, #tpu.memory_space<semaphore_mem>>) src(%dma_wait3A_149 : memref<10000x128xf32, #tpu.memory_space<hbm>>) dst(%dma_wait3A_144 : memref<128x128xf32, #tpu.memory_space<vmem>>)
        %dma_start3A_150 = arith.constant 0 : i32
        %dma_start3A_151 = tpu.memref_slice %arg6[%mul3A_112, %dma_start3A_150] : memref<160000x128xf32, #tpu.memory_space<hbm>> -> memref<256x128xf32, #tpu.memory_space<hbm>>
        %dma_start3A_152 = arith.constant 0 : i32
        %dma_start3A_153 = tpu.memref_slice %arg6[%mul3A_112, %dma_start3A_152] : memref<160000x128xf32, #tpu.memory_space<hbm>> -> memref<256x128xf32, #tpu.memory_space<hbm>>
        tpu.enqueue_dma source(%arg14 : memref<256x128xf32, #tpu.memory_space<vmem>>) target(%dma_start3A_153 : memref<256x128xf32, #tpu.memory_space<hbm>>) target_semaphore(%arg23 : memref<!tpu.dma_semaphore, #tpu.memory_space<semaphore_mem>>)
      } else {
      }
    }
    %scan3A_5 = arith.constant 7 : i32
    %dma_wait3A = arith.constant 0 : i32
    %dma_wait3A_6 = arith.constant 0 : i32
    %dma_wait3A_7 = tpu.memref_slice %arg6[%dma_wait3A, %dma_wait3A_6] : memref<160000x128xf32, #tpu.memory_space<hbm>> -> memref<256x128xf32, #tpu.memory_space<hbm>>
    %dma_wait3A_8 = arith.constant 0 : i32
    %dma_wait3A_9 = arith.constant 0 : i32
    %dma_wait3A_10 = tpu.memref_slice %arg6[%dma_wait3A_8, %dma_wait3A_9] : memref<160000x128xf32, #tpu.memory_space<hbm>> -> memref<256x128xf32, #tpu.memory_space<hbm>>
    tpu.wait_dma2 semaphore(%arg22 : memref<!tpu.dma_semaphore, #tpu.memory_space<semaphore_mem>>) src(%arg13 : memref<256x128xf32, #tpu.memory_space<vmem>>) dst(%dma_wait3A_10 : memref<256x128xf32, #tpu.memory_space<hbm>>)
    %dma_wait3A_11 = arith.constant 0 : i32
    %dma_wait3A_12 = arith.constant 0 : i32
    %dma_wait3A_13 = tpu.memref_slice %arg6[%dma_wait3A_11, %dma_wait3A_12] : memref<160000x128xf32, #tpu.memory_space<hbm>> -> memref<256x128xf32, #tpu.memory_space<hbm>>
    %dma_wait3A_14 = arith.constant 0 : i32
    %dma_wait3A_15 = arith.constant 0 : i32
    %dma_wait3A_16 = tpu.memref_slice %arg6[%dma_wait3A_14, %dma_wait3A_15] : memref<160000x128xf32, #tpu.memory_space<hbm>> -> memref<256x128xf32, #tpu.memory_space<hbm>>
    tpu.wait_dma2 semaphore(%arg23 : memref<!tpu.dma_semaphore, #tpu.memory_space<semaphore_mem>>) src(%arg13 : memref<256x128xf32, #tpu.memory_space<vmem>>) dst(%dma_wait3A_16 : memref<256x128xf32, #tpu.memory_space<hbm>>)
    %dma_wait3A_17 = arith.constant 0 : i32
    %dma_wait3A_18 = arith.constant 0 : i32
    %dma_wait3A_19 = tpu.memref_slice %arg6[%dma_wait3A_17, %dma_wait3A_18] : memref<160000x128xf32, #tpu.memory_space<hbm>> -> memref<256x128xf32, #tpu.memory_space<hbm>>
    %dma_wait3A_20 = arith.constant 0 : i32
    %dma_wait3A_21 = arith.constant 0 : i32
    %dma_wait3A_22 = tpu.memref_slice %arg6[%dma_wait3A_20, %dma_wait3A_21] : memref<160000x128xf32, #tpu.memory_space<hbm>> -> memref<256x128xf32, #tpu.memory_space<hbm>>
    tpu.wait_dma2 semaphore(%arg24 : memref<!tpu.dma_semaphore, #tpu.memory_space<semaphore_mem>>) src(%arg13 : memref<256x128xf32, #tpu.memory_space<vmem>>) dst(%dma_wait3A_22 : memref<256x128xf32, #tpu.memory_space<hbm>>)
    return
  }
}

#map = affine_map<(d0, d1) -> (0, 0)>
#map1 = affine_map<(d0, d1) -> (0)>
module attributes {stable_mosaic.version = 14 : i64} {
  func.func @gat(%arg0: i32, %arg1: i32, %arg2: memref<10000x128xf32, #tpu.memory_space<hbm>>, %arg3: memref<10000x128xf32, #tpu.memory_space<hbm>>, %arg4: memref<160000xi32, #tpu.memory_space<hbm>>, %arg5: memref<160000xi32, #tpu.memory_space<hbm>>, %arg6: memref<160000x128xf32, #tpu.memory_space<hbm>>, %arg7: memref<256xi32, #tpu.memory_space<vmem>>, %arg8: memref<256xi32, #tpu.memory_space<vmem>>, %arg9: memref<256xi32, #tpu.memory_space<vmem>>, %arg10: memref<256xi32, #tpu.memory_space<vmem>>, %arg11: memref<256xi32, #tpu.memory_space<vmem>>, %arg12: memref<256xi32, #tpu.memory_space<vmem>>, %arg13: memref<256x128xf32, #tpu.memory_space<vmem>>, %arg14: memref<256x128xf32, #tpu.memory_space<vmem>>, %arg15: memref<256x128xf32, #tpu.memory_space<vmem>>, %arg16: memref<!tpu.dma_semaphore, #tpu.memory_space<semaphore_mem>>, %arg17: memref<!tpu.dma_semaphore, #tpu.memory_space<semaphore_mem>>, %arg18: memref<!tpu.dma_semaphore, #tpu.memory_space<semaphore_mem>>, %arg19: memref<!tpu.dma_semaphore, #tpu.memory_space<semaphore_mem>>, %arg20: memref<!tpu.dma_semaphore, #tpu.memory_space<semaphore_mem>>, %arg21: memref<!tpu.dma_semaphore, #tpu.memory_space<semaphore_mem>>, %arg22: memref<!tpu.dma_semaphore, #tpu.memory_space<semaphore_mem>>, %arg23: memref<!tpu.dma_semaphore, #tpu.memory_space<semaphore_mem>>, %arg24: memref<!tpu.dma_semaphore, #tpu.memory_space<semaphore_mem>>) attributes {dimension_semantics = [#tpu.dimension_semantics<core_parallel>, #tpu.dimension_semantics<subcore_parallel>], iteration_bounds = array<i64: 2, 16>, scalar_prefetch = 0 : i64, scratch_operands = 18 : i64, tpu.core_type = #tpu.core_type<sc_vector_subcore>, window_params = [{transform_indices = #map}, {transform_indices = #map}, {transform_indices = #map1}, {transform_indices = #map1}, {transform_indices = #map}]} {
    %mul3A = arith.constant 2 : i32
    %mul3A_0 = arith.muli %arg1, %mul3A : i32
    %add3A = arith.addi %mul3A_0, %arg0 : i32
    %scan3A = arith.constant 0 : i32
    %scan3A_1 = arith.constant 0 : i32
    %scan3A_2 = arith.constant 7 : i32
    %scan3A_3 = arith.addi %scan3A_1, %scan3A_2 : i32
    %scan3A_4 = arith.constant 1 : i32
    scf.for %scan3A_23 = %scan3A_1 to %scan3A_3 step %scan3A_4  : i32 {
      %mul3A_24 = arith.constant 3 : i32
      %mul3A_25 = arith.muli %scan3A_23, %mul3A_24 : i32
      %add3A_26 = arith.constant 0 : i32
      %add3A_27 = arith.addi %mul3A_25, %add3A_26 : i32
      %mul3A_28 = arith.constant 32 : i32
      %mul3A_29 = arith.muli %add3A_27, %mul3A_28 : i32
      %add3A_30 = arith.addi %add3A, %mul3A_29 : i32
      %lt3A = arith.constant 625 : i32
      %lt3A_31 = arith.cmpi slt, %add3A_30, %lt3A : i32
      %ge3A = arith.constant 1 : i32
      %ge3A_32 = arith.cmpi sge, %scan3A_23, %ge3A : i32
      %and3A = arith.andi %lt3A_31, %ge3A_32 : i1
      %convert_element_type3A = arith.extui %and3A : i1 to i32
      %cond3A = arith.constant 0 : i32
      %cond3A_33 = arith.cmpi ne, %convert_element_type3A, %cond3A : i32
      scf.if %cond3A_33 {
        %dma_wait3A_111 = arith.constant 0 : i32
        %dma_wait3A_112 = arith.constant 0 : i32
        %dma_wait3A_113 = tpu.memref_slice %arg6[%dma_wait3A_111, %dma_wait3A_112] : memref<160000x128xf32, #tpu.memory_space<hbm>> -> memref<256x128xf32, #tpu.memory_space<hbm>>
        %dma_wait3A_114 = arith.constant 0 : i32
        %dma_wait3A_115 = arith.constant 0 : i32
        %dma_wait3A_116 = tpu.memref_slice %arg6[%dma_wait3A_114, %dma_wait3A_115] : memref<160000x128xf32, #tpu.memory_space<hbm>> -> memref<256x128xf32, #tpu.memory_space<hbm>>
        tpu.wait_dma2 semaphore(%arg22 : memref<!tpu.dma_semaphore, #tpu.memory_space<semaphore_mem>>) src(%arg13 : memref<256x128xf32, #tpu.memory_space<vmem>>) dst(%dma_wait3A_116 : memref<256x128xf32, #tpu.memory_space<hbm>>)
      } else {
      }
      %lt3A_34 = arith.constant 625 : i32
      %lt3A_35 = arith.cmpi slt, %add3A_30, %lt3A_34 : i32
      %convert_element_type3A_36 = arith.extui %lt3A_35 : i1 to i32
      %cond3A_37 = arith.constant 0 : i32
      %cond3A_38 = arith.cmpi ne, %convert_element_type3A_36, %cond3A_37 : i32
      scf.if %cond3A_38 {
        %mul3A_111 = arith.constant 256 : i32
        %mul3A_112 = arith.muli %add3A_30, %mul3A_111 : i32
        "tpu.region"() ({
          %run_scoped3A = tpu.sem_alloc : memref<!tpu.dma_semaphore, #tpu.memory_space<semaphore_mem>>
          %dma_start3A_128 = tpu.memref_slice %arg4[%mul3A_112] : memref<160000xi32, #tpu.memory_space<hbm>> -> memref<256xi32, #tpu.memory_space<hbm>>
          %dma_start3A_129 = tpu.memref_slice %arg4[%mul3A_112] : memref<160000xi32, #tpu.memory_space<hbm>> -> memref<256xi32, #tpu.memory_space<hbm>>
          tpu.enqueue_dma source(%dma_start3A_129 : memref<256xi32, #tpu.memory_space<hbm>>) target(%arg7 : memref<256xi32, #tpu.memory_space<vmem>>) target_semaphore(%run_scoped3A : memref<!tpu.dma_semaphore, #tpu.memory_space<semaphore_mem>>)
          %dma_wait3A_130 = tpu.memref_slice %arg4[%mul3A_112] : memref<160000xi32, #tpu.memory_space<hbm>> -> memref<256xi32, #tpu.memory_space<hbm>>
          %dma_wait3A_131 = tpu.memref_slice %arg4[%mul3A_112] : memref<160000xi32, #tpu.memory_space<hbm>> -> memref<256xi32, #tpu.memory_space<hbm>>
          tpu.wait_dma2 semaphore(%run_scoped3A : memref<!tpu.dma_semaphore, #tpu.memory_space<semaphore_mem>>) src(%dma_wait3A_131 : memref<256xi32, #tpu.memory_space<hbm>>) dst(%arg7 : memref<256xi32, #tpu.memory_space<vmem>>)
          tpu.yield
        }) : () -> ()
        "tpu.region"() ({
          %run_scoped3A = tpu.sem_alloc : memref<!tpu.dma_semaphore, #tpu.memory_space<semaphore_mem>>
          %dma_start3A_128 = tpu.memref_slice %arg5[%mul3A_112] : memref<160000xi32, #tpu.memory_space<hbm>> -> memref<256xi32, #tpu.memory_space<hbm>>
          %dma_start3A_129 = tpu.memref_slice %arg5[%mul3A_112] : memref<160000xi32, #tpu.memory_space<hbm>> -> memref<256xi32, #tpu.memory_space<hbm>>
          tpu.enqueue_dma source(%dma_start3A_129 : memref<256xi32, #tpu.memory_space<hbm>>) target(%arg10 : memref<256xi32, #tpu.memory_space<vmem>>) target_semaphore(%run_scoped3A : memref<!tpu.dma_semaphore, #tpu.memory_space<semaphore_mem>>)
          %dma_wait3A_130 = tpu.memref_slice %arg5[%mul3A_112] : memref<160000xi32, #tpu.memory_space<hbm>> -> memref<256xi32, #tpu.memory_space<hbm>>
          %dma_wait3A_131 = tpu.memref_slice %arg5[%mul3A_112] : memref<160000xi32, #tpu.memory_space<hbm>> -> memref<256xi32, #tpu.memory_space<hbm>>
          tpu.wait_dma2 semaphore(%run_scoped3A : memref<!tpu.dma_semaphore, #tpu.memory_space<semaphore_mem>>) src(%dma_wait3A_131 : memref<256xi32, #tpu.memory_space<hbm>>) dst(%arg10 : memref<256xi32, #tpu.memory_space<vmem>>)
          tpu.yield
        }) : () -> ()
        %dma_start3A = arith.constant 0 : i32
        %dma_start3A_113 = arith.constant 0 : i32
        %dma_start3A_114 = tpu.memref_slice %arg13[%dma_start3A, %dma_start3A_113] : memref<256x128xf32, #tpu.memory_space<vmem>> -> memref<128x128xf32, #tpu.memory_space<vmem>>
        %dma_start3A_115 = arith.constant 0 : i32
        %dma_start3A_116 = tpu.memref_slice %arg7[%dma_start3A_115] : memref<256xi32, #tpu.memory_space<vmem>> -> memref<128xi32, #tpu.memory_space<vmem>>
        %dma_start3A_117 = arith.constant 0 : i32
        %dma_start3A_118 = arith.constant 0 : i32
        %dma_start3A_119 = tpu.memref_slice %arg2[%dma_start3A_117, %dma_start3A_118] : memref<10000x128xf32, #tpu.memory_space<hbm>> -> memref<10000x128xf32, #tpu.memory_space<hbm>>
        tpu.enqueue_indirect_dma source(%dma_start3A_119 : memref<10000x128xf32, #tpu.memory_space<hbm>>) target(%dma_start3A_114 : memref<128x128xf32, #tpu.memory_space<vmem>>) offsets(%dma_start3A_116 : memref<128xi32, #tpu.memory_space<vmem>>) semaphore(%arg16 : memref<!tpu.dma_semaphore, #tpu.memory_space<semaphore_mem>>)
        %dma_start3A_120 = arith.constant 128 : i32
        %dma_start3A_121 = arith.constant 0 : i32
        %dma_start3A_122 = tpu.memref_slice %arg13[%dma_start3A_120, %dma_start3A_121] : memref<256x128xf32, #tpu.memory_space<vmem>> -> memref<128x128xf32, #tpu.memory_space<vmem>>
        %dma_start3A_123 = arith.constant 128 : i32
        %dma_start3A_124 = tpu.memref_slice %arg7[%dma_start3A_123] : memref<256xi32, #tpu.memory_space<vmem>> -> memref<128xi32, #tpu.memory_space<vmem>>
        %dma_start3A_125 = arith.constant 0 : i32
        %dma_start3A_126 = arith.constant 0 : i32
        %dma_start3A_127 = tpu.memref_slice %arg2[%dma_start3A_125, %dma_start3A_126] : memref<10000x128xf32, #tpu.memory_space<hbm>> -> memref<10000x128xf32, #tpu.memory_space<hbm>>
        tpu.enqueue_indirect_dma source(%dma_start3A_127 : memref<10000x128xf32, #tpu.memory_space<hbm>>) target(%dma_start3A_122 : memref<128x128xf32, #tpu.memory_space<vmem>>) offsets(%dma_start3A_124 : memref<128xi32, #tpu.memory_space<vmem>>) semaphore(%arg16 : memref<!tpu.dma_semaphore, #tpu.memory_space<semaphore_mem>>)
      } else {
      }
      %sub3A = arith.constant 1 : i32
      %sub3A_39 = arith.subi %add3A_27, %sub3A : i32
      %mul3A_40 = arith.constant 32 : i32
      %mul3A_41 = arith.muli %sub3A_39, %mul3A_40 : i32
      %add3A_42 = arith.addi %add3A, %mul3A_41 : i32
      %lt3A_43 = arith.constant 625 : i32
      %lt3A_44 = arith.cmpi slt, %add3A_42, %lt3A_43 : i32
      %ge3A_45 = arith.constant 1 : i32
      %ge3A_46 = arith.cmpi sge, %scan3A_23, %ge3A_45 : i32
      %and3A_47 = arith.andi %lt3A_44, %ge3A_46 : i1
      %convert_element_type3A_48 = arith.extui %and3A_47 : i1 to i32
      %cond3A_49 = arith.constant 0 : i32
      %cond3A_50 = arith.cmpi ne, %convert_element_type3A_48, %cond3A_49 : i32
      scf.if %cond3A_50 {
        %mul3A_111 = arith.constant 256 : i32
        %mul3A_112 = arith.muli %add3A_42, %mul3A_111 : i32
        %dma_wait3A_113 = arith.constant 0 : i32
        %dma_wait3A_114 = arith.constant 0 : i32
        %dma_wait3A_115 = tpu.memref_slice %arg2[%dma_wait3A_113, %dma_wait3A_114] : memref<10000x128xf32, #tpu.memory_space<hbm>> -> memref<256x128xf32, #tpu.memory_space<hbm>>
        %dma_wait3A_116 = arith.constant 0 : i32
        %dma_wait3A_117 = arith.constant 0 : i32
        %dma_wait3A_118 = tpu.memref_slice %arg2[%dma_wait3A_116, %dma_wait3A_117] : memref<10000x128xf32, #tpu.memory_space<hbm>> -> memref<256x128xf32, #tpu.memory_space<hbm>>
        tpu.wait_dma2 semaphore(%arg18 : memref<!tpu.dma_semaphore, #tpu.memory_space<semaphore_mem>>) src(%dma_wait3A_118 : memref<256x128xf32, #tpu.memory_space<hbm>>) dst(%arg15 : memref<256x128xf32, #tpu.memory_space<vmem>>)
        %dma_start3A = arith.constant 0 : i32
        %dma_start3A_119 = arith.constant 0 : i32
        %dma_start3A_120 = tpu.memref_slice %arg15[%dma_start3A, %dma_start3A_119] : memref<256x128xf32, #tpu.memory_space<vmem>> -> memref<128x128xf32, #tpu.memory_space<vmem>>
        %dma_start3A_121 = arith.constant 0 : i32
        %dma_start3A_122 = tpu.memref_slice %arg12[%dma_start3A_121] : memref<256xi32, #tpu.memory_space<vmem>> -> memref<128xi32, #tpu.memory_space<vmem>>
        %dma_start3A_123 = arith.constant 0 : i32
        %dma_start3A_124 = arith.constant 0 : i32
        %dma_start3A_125 = tpu.memref_slice %arg3[%dma_start3A_123, %dma_start3A_124] : memref<10000x128xf32, #tpu.memory_space<hbm>> -> memref<10000x128xf32, #tpu.memory_space<hbm>>
        tpu.enqueue_indirect_dma source(%dma_start3A_125 : memref<10000x128xf32, #tpu.memory_space<hbm>>) target(%dma_start3A_120 : memref<128x128xf32, #tpu.memory_space<vmem>>) offsets(%dma_start3A_122 : memref<128xi32, #tpu.memory_space<vmem>>) semaphore(%arg21 : memref<!tpu.dma_semaphore, #tpu.memory_space<semaphore_mem>>) {add = true}
        %dma_start3A_126 = arith.constant 128 : i32
        %dma_start3A_127 = arith.constant 0 : i32
        %dma_start3A_128 = tpu.memref_slice %arg15[%dma_start3A_126, %dma_start3A_127] : memref<256x128xf32, #tpu.memory_space<vmem>> -> memref<128x128xf32, #tpu.memory_space<vmem>>
        %dma_start3A_129 = arith.constant 128 : i32
        %dma_start3A_130 = tpu.memref_slice %arg12[%dma_start3A_129] : memref<256xi32, #tpu.memory_space<vmem>> -> memref<128xi32, #tpu.memory_space<vmem>>
        %dma_start3A_131 = arith.constant 0 : i32
        %dma_start3A_132 = arith.constant 0 : i32
        %dma_start3A_133 = tpu.memref_slice %arg3[%dma_start3A_131, %dma_start3A_132] : memref<10000x128xf32, #tpu.memory_space<hbm>> -> memref<10000x128xf32, #tpu.memory_space<hbm>>
        tpu.enqueue_indirect_dma source(%dma_start3A_133 : memref<10000x128xf32, #tpu.memory_space<hbm>>) target(%dma_start3A_128 : memref<128x128xf32, #tpu.memory_space<vmem>>) offsets(%dma_start3A_130 : memref<128xi32, #tpu.memory_space<vmem>>) semaphore(%arg21 : memref<!tpu.dma_semaphore, #tpu.memory_space<semaphore_mem>>) {add = true}
        %dma_wait3A_134 = arith.constant 0 : i32
        %dma_wait3A_135 = arith.constant 0 : i32
        %dma_wait3A_136 = tpu.memref_slice %arg15[%dma_wait3A_134, %dma_wait3A_135] : memref<256x128xf32, #tpu.memory_space<vmem>> -> memref<128x128xf32, #tpu.memory_space<vmem>>
        %dma_wait3A_137 = arith.constant 0 : i32
        %dma_wait3A_138 = tpu.memref_slice %arg12[%dma_wait3A_137] : memref<256xi32, #tpu.memory_space<vmem>> -> memref<128xi32, #tpu.memory_space<vmem>>
        %dma_wait3A_139 = arith.constant 0 : i32
        %dma_wait3A_140 = arith.constant 0 : i32
        %dma_wait3A_141 = tpu.memref_slice %arg3[%dma_wait3A_139, %dma_wait3A_140] : memref<10000x128xf32, #tpu.memory_space<hbm>> -> memref<10000x128xf32, #tpu.memory_space<hbm>>
        tpu.wait_indirect_dma semaphore(%arg21 : memref<!tpu.dma_semaphore, #tpu.memory_space<semaphore_mem>>) src(%dma_wait3A_141 : memref<10000x128xf32, #tpu.memory_space<hbm>>) dst(%dma_wait3A_136 : memref<128x128xf32, #tpu.memory_space<vmem>>)
        %dma_wait3A_142 = arith.constant 128 : i32
        %dma_wait3A_143 = arith.constant 0 : i32
        %dma_wait3A_144 = tpu.memref_slice %arg15[%dma_wait3A_142, %dma_wait3A_143] : memref<256x128xf32, #tpu.memory_space<vmem>> -> memref<128x128xf32, #tpu.memory_space<vmem>>
        %dma_wait3A_145 = arith.constant 128 : i32
        %dma_wait3A_146 = tpu.memref_slice %arg12[%dma_wait3A_145] : memref<256xi32, #tpu.memory_space<vmem>> -> memref<128xi32, #tpu.memory_space<vmem>>
        %dma_wait3A_147 = arith.constant 0 : i32
        %dma_wait3A_148 = arith.constant 0 : i32
        %dma_wait3A_149 = tpu.memref_slice %arg3[%dma_wait3A_147, %dma_wait3A_148] : memref<10000x128xf32, #tpu.memory_space<hbm>> -> memref<10000x128xf32, #tpu.memory_space<hbm>>
        tpu.wait_indirect_dma semaphore(%arg21 : memref<!tpu.dma_semaphore, #tpu.memory_space<semaphore_mem>>) src(%dma_wait3A_149 : memref<10000x128xf32, #tpu.memory_space<hbm>>) dst(%dma_wait3A_144 : memref<128x128xf32, #tpu.memory_space<vmem>>)
        %dma_start3A_150 = arith.constant 0 : i32
        %dma_start3A_151 = tpu.memref_slice %arg6[%mul3A_112, %dma_start3A_150] : memref<160000x128xf32, #tpu.memory_space<hbm>> -> memref<256x128xf32, #tpu.memory_space<hbm>>
        %dma_start3A_152 = arith.constant 0 : i32
        %dma_start3A_153 = tpu.memref_slice %arg6[%mul3A_112, %dma_start3A_152] : memref<160000x128xf32, #tpu.memory_space<hbm>> -> memref<256x128xf32, #tpu.memory_space<hbm>>
        tpu.enqueue_dma source(%arg15 : memref<256x128xf32, #tpu.memory_space<vmem>>) target(%dma_start3A_153 : memref<256x128xf32, #tpu.memory_space<hbm>>) target_semaphore(%arg24 : memref<!tpu.dma_semaphore, #tpu.memory_space<semaphore_mem>>)
      } else {
      }
      %mul3A_51 = arith.constant 3 : i32
      %mul3A_52 = arith.muli %scan3A_23, %mul3A_51 : i32
      %add3A_53 = arith.constant 1 : i32
      %add3A_54 = arith.addi %mul3A_52, %add3A_53 : i32
      %mul3A_55 = arith.constant 32 : i32
      %mul3A_56 = arith.muli %add3A_54, %mul3A_55 : i32
      %add3A_57 = arith.addi %add3A, %mul3A_56 : i32
      %lt3A_58 = arith.constant 625 : i32
      %lt3A_59 = arith.cmpi slt, %add3A_57, %lt3A_58 : i32
      %ge3A_60 = arith.constant 1 : i32
      %ge3A_61 = arith.cmpi sge, %scan3A_23, %ge3A_60 : i32
      %and3A_62 = arith.andi %lt3A_59, %ge3A_61 : i1
      %convert_element_type3A_63 = arith.extui %and3A_62 : i1 to i32
      %cond3A_64 = arith.constant 0 : i32
      %cond3A_65 = arith.cmpi ne, %convert_element_type3A_63, %cond3A_64 : i32
      scf.if %cond3A_65 {
        %dma_wait3A_111 = arith.constant 0 : i32
        %dma_wait3A_112 = arith.constant 0 : i32
        %dma_wait3A_113 = tpu.memref_slice %arg6[%dma_wait3A_111, %dma_wait3A_112] : memref<160000x128xf32, #tpu.memory_space<hbm>> -> memref<256x128xf32, #tpu.memory_space<hbm>>
        %dma_wait3A_114 = arith.constant 0 : i32
        %dma_wait3A_115 = arith.constant 0 : i32
        %dma_wait3A_116 = tpu.memref_slice %arg6[%dma_wait3A_114, %dma_wait3A_115] : memref<160000x128xf32, #tpu.memory_space<hbm>> -> memref<256x128xf32, #tpu.memory_space<hbm>>
        tpu.wait_dma2 semaphore(%arg23 : memref<!tpu.dma_semaphore, #tpu.memory_space<semaphore_mem>>) src(%arg13 : memref<256x128xf32, #tpu.memory_space<vmem>>) dst(%dma_wait3A_116 : memref<256x128xf32, #tpu.memory_space<hbm>>)
      } else {
      }
      %lt3A_66 = arith.constant 625 : i32
      %lt3A_67 = arith.cmpi slt, %add3A_57, %lt3A_66 : i32
      %convert_element_type3A_68 = arith.extui %lt3A_67 : i1 to i32
      %cond3A_69 = arith.constant 0 : i32
      %cond3A_70 = arith.cmpi ne, %convert_element_type3A_68, %cond3A_69 : i32
      scf.if %cond3A_70 {
        %mul3A_111 = arith.constant 256 : i32
        %mul3A_112 = arith.muli %add3A_57, %mul3A_111 : i32
        "tpu.region"() ({
          %run_scoped3A = tpu.sem_alloc : memref<!tpu.dma_semaphore, #tpu.memory_space<semaphore_mem>>
          %dma_start3A_128 = tpu.memref_slice %arg4[%mul3A_112] : memref<160000xi32, #tpu.memory_space<hbm>> -> memref<256xi32, #tpu.memory_space<hbm>>
          %dma_start3A_129 = tpu.memref_slice %arg4[%mul3A_112] : memref<160000xi32, #tpu.memory_space<hbm>> -> memref<256xi32, #tpu.memory_space<hbm>>
          tpu.enqueue_dma source(%dma_start3A_129 : memref<256xi32, #tpu.memory_space<hbm>>) target(%arg8 : memref<256xi32, #tpu.memory_space<vmem>>) target_semaphore(%run_scoped3A : memref<!tpu.dma_semaphore, #tpu.memory_space<semaphore_mem>>)
          %dma_wait3A_130 = tpu.memref_slice %arg4[%mul3A_112] : memref<160000xi32, #tpu.memory_space<hbm>> -> memref<256xi32, #tpu.memory_space<hbm>>
          %dma_wait3A_131 = tpu.memref_slice %arg4[%mul3A_112] : memref<160000xi32, #tpu.memory_space<hbm>> -> memref<256xi32, #tpu.memory_space<hbm>>
          tpu.wait_dma2 semaphore(%run_scoped3A : memref<!tpu.dma_semaphore, #tpu.memory_space<semaphore_mem>>) src(%dma_wait3A_131 : memref<256xi32, #tpu.memory_space<hbm>>) dst(%arg8 : memref<256xi32, #tpu.memory_space<vmem>>)
          tpu.yield
        }) : () -> ()
        "tpu.region"() ({
          %run_scoped3A = tpu.sem_alloc : memref<!tpu.dma_semaphore, #tpu.memory_space<semaphore_mem>>
          %dma_start3A_128 = tpu.memref_slice %arg5[%mul3A_112] : memref<160000xi32, #tpu.memory_space<hbm>> -> memref<256xi32, #tpu.memory_space<hbm>>
          %dma_start3A_129 = tpu.memref_slice %arg5[%mul3A_112] : memref<160000xi32, #tpu.memory_space<hbm>> -> memref<256xi32, #tpu.memory_space<hbm>>
          tpu.enqueue_dma source(%dma_start3A_129 : memref<256xi32, #tpu.memory_space<hbm>>) target(%arg11 : memref<256xi32, #tpu.memory_space<vmem>>) target_semaphore(%run_scoped3A : memref<!tpu.dma_semaphore, #tpu.memory_space<semaphore_mem>>)
          %dma_wait3A_130 = tpu.memref_slice %arg5[%mul3A_112] : memref<160000xi32, #tpu.memory_space<hbm>> -> memref<256xi32, #tpu.memory_space<hbm>>
          %dma_wait3A_131 = tpu.memref_slice %arg5[%mul3A_112] : memref<160000xi32, #tpu.memory_space<hbm>> -> memref<256xi32, #tpu.memory_space<hbm>>
          tpu.wait_dma2 semaphore(%run_scoped3A : memref<!tpu.dma_semaphore, #tpu.memory_space<semaphore_mem>>) src(%dma_wait3A_131 : memref<256xi32, #tpu.memory_space<hbm>>) dst(%arg11 : memref<256xi32, #tpu.memory_space<vmem>>)
          tpu.yield
        }) : () -> ()
        %dma_start3A = arith.constant 0 : i32
        %dma_start3A_113 = arith.constant 0 : i32
        %dma_start3A_114 = tpu.memref_slice %arg14[%dma_start3A, %dma_start3A_113] : memref<256x128xf32, #tpu.memory_space<vmem>> -> memref<128x128xf32, #tpu.memory_space<vmem>>
        %dma_start3A_115 = arith.constant 0 : i32
        %dma_start3A_116 = tpu.memref_slice %arg8[%dma_start3A_115] : memref<256xi32, #tpu.memory_space<vmem>> -> memref<128xi32, #tpu.memory_space<vmem>>
        %dma_start3A_117 = arith.constant 0 : i32
        %dma_start3A_118 = arith.constant 0 : i32
        %dma_start3A_119 = tpu.memref_slice %arg2[%dma_start3A_117, %dma_start3A_118] : memref<10000x128xf32, #tpu.memory_space<hbm>> -> memref<10000x128xf32, #tpu.memory_space<hbm>>
        tpu.enqueue_indirect_dma source(%dma_start3A_119 : memref<10000x128xf32, #tpu.memory_space<hbm>>) target(%dma_start3A_114 : memref<128x128xf32, #tpu.memory_space<vmem>>) offsets(%dma_start3A_116 : memref<128xi32, #tpu.memory_space<vmem>>) semaphore(%arg17 : memref<!tpu.dma_semaphore, #tpu.memory_space<semaphore_mem>>)
        %dma_start3A_120 = arith.constant 128 : i32
        %dma_start3A_121 = arith.constant 0 : i32
        %dma_start3A_122 = tpu.memref_slice %arg14[%dma_start3A_120, %dma_start3A_121] : memref<256x128xf32, #tpu.memory_space<vmem>> -> memref<128x128xf32, #tpu.memory_space<vmem>>
        %dma_start3A_123 = arith.constant 128 : i32
        %dma_start3A_124 = tpu.memref_slice %arg8[%dma_start3A_123] : memref<256xi32, #tpu.memory_space<vmem>> -> memref<128xi32, #tpu.memory_space<vmem>>
        %dma_start3A_125 = arith.constant 0 : i32
        %dma_start3A_126 = arith.constant 0 : i32
        %dma_start3A_127 = tpu.memref_slice %arg2[%dma_start3A_125, %dma_start3A_126] : memref<10000x128xf32, #tpu.memory_space<hbm>> -> memref<10000x128xf32, #tpu.memory_space<hbm>>
        tpu.enqueue_indirect_dma source(%dma_start3A_127 : memref<10000x128xf32, #tpu.memory_space<hbm>>) target(%dma_start3A_122 : memref<128x128xf32, #tpu.memory_space<vmem>>) offsets(%dma_start3A_124 : memref<128xi32, #tpu.memory_space<vmem>>) semaphore(%arg17 : memref<!tpu.dma_semaphore, #tpu.memory_space<semaphore_mem>>)
      } else {
      }
      %sub3A_71 = arith.constant 1 : i32
      %sub3A_72 = arith.subi %add3A_54, %sub3A_71 : i32
      %mul3A_73 = arith.constant 32 : i32
      %mul3A_74 = arith.muli %sub3A_72, %mul3A_73 : i32
      %add3A_75 = arith.addi %add3A, %mul3A_74 : i32
      %lt3A_76 = arith.constant 625 : i32
      %lt3A_77 = arith.cmpi slt, %add3A_75, %lt3A_76 : i32
      %convert_element_type3A_78 = arith.extui %lt3A_77 : i1 to i32
      %cond3A_79 = arith.constant 0 : i32
      %cond3A_80 = arith.cmpi ne, %convert_element_type3A_78, %cond3A_79 : i32
      scf.if %cond3A_80 {
        %mul3A_111 = arith.constant 256 : i32
        %mul3A_112 = arith.muli %add3A_75, %mul3A_111 : i32
        %dma_wait3A_113 = arith.constant 0 : i32
        %dma_wait3A_114 = arith.constant 0 : i32
        %dma_wait3A_115 = tpu.memref_slice %arg2[%dma_wait3A_113, %dma_wait3A_114] : memref<10000x128xf32, #tpu.memory_space<hbm>> -> memref<256x128xf32, #tpu.memory_space<hbm>>
        %dma_wait3A_116 = arith.constant 0 : i32
        %dma_wait3A_117 = arith.constant 0 : i32
        %dma_wait3A_118 = tpu.memref_slice %arg2[%dma_wait3A_116, %dma_wait3A_117] : memref<10000x128xf32, #tpu.memory_space<hbm>> -> memref<256x128xf32, #tpu.memory_space<hbm>>
        tpu.wait_dma2 semaphore(%arg16 : memref<!tpu.dma_semaphore, #tpu.memory_space<semaphore_mem>>) src(%dma_wait3A_118 : memref<256x128xf32, #tpu.memory_space<hbm>>) dst(%arg13 : memref<256x128xf32, #tpu.memory_space<vmem>>)
        %dma_start3A = arith.constant 0 : i32
        %dma_start3A_119 = arith.constant 0 : i32
        %dma_start3A_120 = tpu.memref_slice %arg13[%dma_start3A, %dma_start3A_119] : memref<256x128xf32, #tpu.memory_space<vmem>> -> memref<128x128xf32, #tpu.memory_space<vmem>>
        %dma_start3A_121 = arith.constant 0 : i32
        %dma_start3A_122 = tpu.memref_slice %arg10[%dma_start3A_121] : memref<256xi32, #tpu.memory_space<vmem>> -> memref<128xi32, #tpu.memory_space<vmem>>
        %dma_start3A_123 = arith.constant 0 : i32
        %dma_start3A_124 = arith.constant 0 : i32
        %dma_start3A_125 = tpu.memref_slice %arg3[%dma_start3A_123, %dma_start3A_124] : memref<10000x128xf32, #tpu.memory_space<hbm>> -> memref<10000x128xf32, #tpu.memory_space<hbm>>
        tpu.enqueue_indirect_dma source(%dma_start3A_125 : memref<10000x128xf32, #tpu.memory_space<hbm>>) target(%dma_start3A_120 : memref<128x128xf32, #tpu.memory_space<vmem>>) offsets(%dma_start3A_122 : memref<128xi32, #tpu.memory_space<vmem>>) semaphore(%arg19 : memref<!tpu.dma_semaphore, #tpu.memory_space<semaphore_mem>>) {add = true}
        %dma_start3A_126 = arith.constant 128 : i32
        %dma_start3A_127 = arith.constant 0 : i32
        %dma_start3A_128 = tpu.memref_slice %arg13[%dma_start3A_126, %dma_start3A_127] : memref<256x128xf32, #tpu.memory_space<vmem>> -> memref<128x128xf32, #tpu.memory_space<vmem>>
        %dma_start3A_129 = arith.constant 128 : i32
        %dma_start3A_130 = tpu.memref_slice %arg10[%dma_start3A_129] : memref<256xi32, #tpu.memory_space<vmem>> -> memref<128xi32, #tpu.memory_space<vmem>>
        %dma_start3A_131 = arith.constant 0 : i32
        %dma_start3A_132 = arith.constant 0 : i32
        %dma_start3A_133 = tpu.memref_slice %arg3[%dma_start3A_131, %dma_start3A_132] : memref<10000x128xf32, #tpu.memory_space<hbm>> -> memref<10000x128xf32, #tpu.memory_space<hbm>>
        tpu.enqueue_indirect_dma source(%dma_start3A_133 : memref<10000x128xf32, #tpu.memory_space<hbm>>) target(%dma_start3A_128 : memref<128x128xf32, #tpu.memory_space<vmem>>) offsets(%dma_start3A_130 : memref<128xi32, #tpu.memory_space<vmem>>) semaphore(%arg19 : memref<!tpu.dma_semaphore, #tpu.memory_space<semaphore_mem>>) {add = true}
        %dma_wait3A_134 = arith.constant 0 : i32
        %dma_wait3A_135 = arith.constant 0 : i32
        %dma_wait3A_136 = tpu.memref_slice %arg13[%dma_wait3A_134, %dma_wait3A_135] : memref<256x128xf32, #tpu.memory_space<vmem>> -> memref<128x128xf32, #tpu.memory_space<vmem>>
        %dma_wait3A_137 = arith.constant 0 : i32
        %dma_wait3A_138 = tpu.memref_slice %arg10[%dma_wait3A_137] : memref<256xi32, #tpu.memory_space<vmem>> -> memref<128xi32, #tpu.memory_space<vmem>>
        %dma_wait3A_139 = arith.constant 0 : i32
        %dma_wait3A_140 = arith.constant 0 : i32
        %dma_wait3A_141 = tpu.memref_slice %arg3[%dma_wait3A_139, %dma_wait3A_140] : memref<10000x128xf32, #tpu.memory_space<hbm>> -> memref<10000x128xf32, #tpu.memory_space<hbm>>
        tpu.wait_indirect_dma semaphore(%arg19 : memref<!tpu.dma_semaphore, #tpu.memory_space<semaphore_mem>>) src(%dma_wait3A_141 : memref<10000x128xf32, #tpu.memory_space<hbm>>) dst(%dma_wait3A_136 : memref<128x128xf32, #tpu.memory_space<vmem>>)
        %dma_wait3A_142 = arith.constant 128 : i32
        %dma_wait3A_143 = arith.constant 0 : i32
        %dma_wait3A_144 = tpu.memref_slice %arg13[%dma_wait3A_142, %dma_wait3A_143] : memref<256x128xf32, #tpu.memory_space<vmem>> -> memref<128x128xf32, #tpu.memory_space<vmem>>
        %dma_wait3A_145 = arith.constant 128 : i32
        %dma_wait3A_146 = tpu.memref_slice %arg10[%dma_wait3A_145] : memref<256xi32, #tpu.memory_space<vmem>> -> memref<128xi32, #tpu.memory_space<vmem>>
        %dma_wait3A_147 = arith.constant 0 : i32
        %dma_wait3A_148 = arith.constant 0 : i32
        %dma_wait3A_149 = tpu.memref_slice %arg3[%dma_wait3A_147, %dma_wait3A_148] : memref<10000x128xf32, #tpu.memory_space<hbm>> -> memref<10000x128xf32, #tpu.memory_space<hbm>>
        tpu.wait_indirect_dma semaphore(%arg19 : memref<!tpu.dma_semaphore, #tpu.memory_space<semaphore_mem>>) src(%dma_wait3A_149 : memref<10000x128xf32, #tpu.memory_space<hbm>>) dst(%dma_wait3A_144 : memref<128x128xf32, #tpu.memory_space<vmem>>)
        %dma_start3A_150 = arith.constant 0 : i32
        %dma_start3A_151 = tpu.memref_slice %arg6[%mul3A_112, %dma_start3A_150] : memref<160000x128xf32, #tpu.memory_space<hbm>> -> memref<256x128xf32, #tpu.memory_space<hbm>>
        %dma_start3A_152 = arith.constant 0 : i32
        %dma_start3A_153 = tpu.memref_slice %arg6[%mul3A_112, %dma_start3A_152] : memref<160000x128xf32, #tpu.memory_space<hbm>> -> memref<256x128xf32, #tpu.memory_space<hbm>>
        tpu.enqueue_dma source(%arg13 : memref<256x128xf32, #tpu.memory_space<vmem>>) target(%dma_start3A_153 : memref<256x128xf32, #tpu.memory_space<hbm>>) target_semaphore(%arg22 : memref<!tpu.dma_semaphore, #tpu.memory_space<semaphore_mem>>)
      } else {
      }
      %mul3A_81 = arith.constant 3 : i32
      %mul3A_82 = arith.muli %scan3A_23, %mul3A_81 : i32
      %add3A_83 = arith.constant 2 : i32
      %add3A_84 = arith.addi %mul3A_82, %add3A_83 : i32
      %mul3A_85 = arith.constant 32 : i32
      %mul3A_86 = arith.muli %add3A_84, %mul3A_85 : i32
      %add3A_87 = arith.addi %add3A, %mul3A_86 : i32
      %lt3A_88 = arith.constant 625 : i32
      %lt3A_89 = arith.cmpi slt, %add3A_87, %lt3A_88 : i32
      %ge3A_90 = arith.constant 1 : i32
      %ge3A_91 = arith.cmpi sge, %scan3A_23, %ge3A_90 : i32
      %and3A_92 = arith.andi %lt3A_89, %ge3A_91 : i1
      %convert_element_type3A_93 = arith.extui %and3A_92 : i1 to i32
      %cond3A_94 = arith.constant 0 : i32
      %cond3A_95 = arith.cmpi ne, %convert_element_type3A_93, %cond3A_94 : i32
      scf.if %cond3A_95 {
        %dma_wait3A_111 = arith.constant 0 : i32
        %dma_wait3A_112 = arith.constant 0 : i32
        %dma_wait3A_113 = tpu.memref_slice %arg6[%dma_wait3A_111, %dma_wait3A_112] : memref<160000x128xf32, #tpu.memory_space<hbm>> -> memref<256x128xf32, #tpu.memory_space<hbm>>
        %dma_wait3A_114 = arith.constant 0 : i32
        %dma_wait3A_115 = arith.constant 0 : i32
        %dma_wait3A_116 = tpu.memref_slice %arg6[%dma_wait3A_114, %dma_wait3A_115] : memref<160000x128xf32, #tpu.memory_space<hbm>> -> memref<256x128xf32, #tpu.memory_space<hbm>>
        tpu.wait_dma2 semaphore(%arg24 : memref<!tpu.dma_semaphore, #tpu.memory_space<semaphore_mem>>) src(%arg13 : memref<256x128xf32, #tpu.memory_space<vmem>>) dst(%dma_wait3A_116 : memref<256x128xf32, #tpu.memory_space<hbm>>)
      } else {
      }
      %lt3A_96 = arith.constant 625 : i32
      %lt3A_97 = arith.cmpi slt, %add3A_87, %lt3A_96 : i32
      %convert_element_type3A_98 = arith.extui %lt3A_97 : i1 to i32
      %cond3A_99 = arith.constant 0 : i32
      %cond3A_100 = arith.cmpi ne, %convert_element_type3A_98, %cond3A_99 : i32
      scf.if %cond3A_100 {
        %mul3A_111 = arith.constant 256 : i32
        %mul3A_112 = arith.muli %add3A_87, %mul3A_111 : i32
        "tpu.region"() ({
          %run_scoped3A = tpu.sem_alloc : memref<!tpu.dma_semaphore, #tpu.memory_space<semaphore_mem>>
          %dma_start3A_128 = tpu.memref_slice %arg4[%mul3A_112] : memref<160000xi32, #tpu.memory_space<hbm>> -> memref<256xi32, #tpu.memory_space<hbm>>
          %dma_start3A_129 = tpu.memref_slice %arg4[%mul3A_112] : memref<160000xi32, #tpu.memory_space<hbm>> -> memref<256xi32, #tpu.memory_space<hbm>>
          tpu.enqueue_dma source(%dma_start3A_129 : memref<256xi32, #tpu.memory_space<hbm>>) target(%arg9 : memref<256xi32, #tpu.memory_space<vmem>>) target_semaphore(%run_scoped3A : memref<!tpu.dma_semaphore, #tpu.memory_space<semaphore_mem>>)
          %dma_wait3A_130 = tpu.memref_slice %arg4[%mul3A_112] : memref<160000xi32, #tpu.memory_space<hbm>> -> memref<256xi32, #tpu.memory_space<hbm>>
          %dma_wait3A_131 = tpu.memref_slice %arg4[%mul3A_112] : memref<160000xi32, #tpu.memory_space<hbm>> -> memref<256xi32, #tpu.memory_space<hbm>>
          tpu.wait_dma2 semaphore(%run_scoped3A : memref<!tpu.dma_semaphore, #tpu.memory_space<semaphore_mem>>) src(%dma_wait3A_131 : memref<256xi32, #tpu.memory_space<hbm>>) dst(%arg9 : memref<256xi32, #tpu.memory_space<vmem>>)
          tpu.yield
        }) : () -> ()
        "tpu.region"() ({
          %run_scoped3A = tpu.sem_alloc : memref<!tpu.dma_semaphore, #tpu.memory_space<semaphore_mem>>
          %dma_start3A_128 = tpu.memref_slice %arg5[%mul3A_112] : memref<160000xi32, #tpu.memory_space<hbm>> -> memref<256xi32, #tpu.memory_space<hbm>>
          %dma_start3A_129 = tpu.memref_slice %arg5[%mul3A_112] : memref<160000xi32, #tpu.memory_space<hbm>> -> memref<256xi32, #tpu.memory_space<hbm>>
          tpu.enqueue_dma source(%dma_start3A_129 : memref<256xi32, #tpu.memory_space<hbm>>) target(%arg12 : memref<256xi32, #tpu.memory_space<vmem>>) target_semaphore(%run_scoped3A : memref<!tpu.dma_semaphore, #tpu.memory_space<semaphore_mem>>)
          %dma_wait3A_130 = tpu.memref_slice %arg5[%mul3A_112] : memref<160000xi32, #tpu.memory_space<hbm>> -> memref<256xi32, #tpu.memory_space<hbm>>
          %dma_wait3A_131 = tpu.memref_slice %arg5[%mul3A_112] : memref<160000xi32, #tpu.memory_space<hbm>> -> memref<256xi32, #tpu.memory_space<hbm>>
          tpu.wait_dma2 semaphore(%run_scoped3A : memref<!tpu.dma_semaphore, #tpu.memory_space<semaphore_mem>>) src(%dma_wait3A_131 : memref<256xi32, #tpu.memory_space<hbm>>) dst(%arg12 : memref<256xi32, #tpu.memory_space<vmem>>)
          tpu.yield
        }) : () -> ()
        %dma_start3A = arith.constant 0 : i32
        %dma_start3A_113 = arith.constant 0 : i32
        %dma_start3A_114 = tpu.memref_slice %arg15[%dma_start3A, %dma_start3A_113] : memref<256x128xf32, #tpu.memory_space<vmem>> -> memref<128x128xf32, #tpu.memory_space<vmem>>
        %dma_start3A_115 = arith.constant 0 : i32
        %dma_start3A_116 = tpu.memref_slice %arg9[%dma_start3A_115] : memref<256xi32, #tpu.memory_space<vmem>> -> memref<128xi32, #tpu.memory_space<vmem>>
        %dma_start3A_117 = arith.constant 0 : i32
        %dma_start3A_118 = arith.constant 0 : i32
        %dma_start3A_119 = tpu.memref_slice %arg2[%dma_start3A_117, %dma_start3A_118] : memref<10000x128xf32, #tpu.memory_space<hbm>> -> memref<10000x128xf32, #tpu.memory_space<hbm>>
        tpu.enqueue_indirect_dma source(%dma_start3A_119 : memref<10000x128xf32, #tpu.memory_space<hbm>>) target(%dma_start3A_114 : memref<128x128xf32, #tpu.memory_space<vmem>>) offsets(%dma_start3A_116 : memref<128xi32, #tpu.memory_space<vmem>>) semaphore(%arg18 : memref<!tpu.dma_semaphore, #tpu.memory_space<semaphore_mem>>)
        %dma_start3A_120 = arith.constant 128 : i32
        %dma_start3A_121 = arith.constant 0 : i32
        %dma_start3A_122 = tpu.memref_slice %arg15[%dma_start3A_120, %dma_start3A_121] : memref<256x128xf32, #tpu.memory_space<vmem>> -> memref<128x128xf32, #tpu.memory_space<vmem>>
        %dma_start3A_123 = arith.constant 128 : i32
        %dma_start3A_124 = tpu.memref_slice %arg9[%dma_start3A_123] : memref<256xi32, #tpu.memory_space<vmem>> -> memref<128xi32, #tpu.memory_space<vmem>>
        %dma_start3A_125 = arith.constant 0 : i32
        %dma_start3A_126 = arith.constant 0 : i32
        %dma_start3A_127 = tpu.memref_slice %arg2[%dma_start3A_125, %dma_start3A_126] : memref<10000x128xf32, #tpu.memory_space<hbm>> -> memref<10000x128xf32, #tpu.memory_space<hbm>>
        tpu.enqueue_indirect_dma source(%dma_start3A_127 : memref<10000x128xf32, #tpu.memory_space<hbm>>) target(%dma_start3A_122 : memref<128x128xf32, #tpu.memory_space<vmem>>) offsets(%dma_start3A_124 : memref<128xi32, #tpu.memory_space<vmem>>) semaphore(%arg18 : memref<!tpu.dma_semaphore, #tpu.memory_space<semaphore_mem>>)
      } else {
      }
      %sub3A_101 = arith.constant 1 : i32
      %sub3A_102 = arith.subi %add3A_84, %sub3A_101 : i32
      %mul3A_103 = arith.constant 32 : i32
      %mul3A_104 = arith.muli %sub3A_102, %mul3A_103 : i32
      %add3A_105 = arith.addi %add3A, %mul3A_104 : i32
      %lt3A_106 = arith.constant 625 : i32
      %lt3A_107 = arith.cmpi slt, %add3A_105, %lt3A_106 : i32
      %convert_element_type3A_108 = arith.extui %lt3A_107 : i1 to i32
      %cond3A_109 = arith.constant 0 : i32
      %cond3A_110 = arith.cmpi ne, %convert_element_type3A_108, %cond3A_109 : i32
      scf.if %cond3A_110 {
        %mul3A_111 = arith.constant 256 : i32
        %mul3A_112 = arith.muli %add3A_105, %mul3A_111 : i32
        %dma_wait3A_113 = arith.constant 0 : i32
        %dma_wait3A_114 = arith.constant 0 : i32
        %dma_wait3A_115 = tpu.memref_slice %arg2[%dma_wait3A_113, %dma_wait3A_114] : memref<10000x128xf32, #tpu.memory_space<hbm>> -> memref<256x128xf32, #tpu.memory_space<hbm>>
        %dma_wait3A_116 = arith.constant 0 : i32
        %dma_wait3A_117 = arith.constant 0 : i32
        %dma_wait3A_118 = tpu.memref_slice %arg2[%dma_wait3A_116, %dma_wait3A_117] : memref<10000x128xf32, #tpu.memory_space<hbm>> -> memref<256x128xf32, #tpu.memory_space<hbm>>
        tpu.wait_dma2 semaphore(%arg17 : memref<!tpu.dma_semaphore, #tpu.memory_space<semaphore_mem>>) src(%dma_wait3A_118 : memref<256x128xf32, #tpu.memory_space<hbm>>) dst(%arg14 : memref<256x128xf32, #tpu.memory_space<vmem>>)
        %dma_start3A = arith.constant 0 : i32
        %dma_start3A_119 = arith.constant 0 : i32
        %dma_start3A_120 = tpu.memref_slice %arg14[%dma_start3A, %dma_start3A_119] : memref<256x128xf32, #tpu.memory_space<vmem>> -> memref<128x128xf32, #tpu.memory_space<vmem>>
        %dma_start3A_121 = arith.constant 0 : i32
        %dma_start3A_122 = tpu.memref_slice %arg11[%dma_start3A_121] : memref<256xi32, #tpu.memory_space<vmem>> -> memref<128xi32, #tpu.memory_space<vmem>>
        %dma_start3A_123 = arith.constant 0 : i32
        %dma_start3A_124 = arith.constant 0 : i32
        %dma_start3A_125 = tpu.memref_slice %arg3[%dma_start3A_123, %dma_start3A_124] : memref<10000x128xf32, #tpu.memory_space<hbm>> -> memref<10000x128xf32, #tpu.memory_space<hbm>>
        tpu.enqueue_indirect_dma source(%dma_start3A_125 : memref<10000x128xf32, #tpu.memory_space<hbm>>) target(%dma_start3A_120 : memref<128x128xf32, #tpu.memory_space<vmem>>) offsets(%dma_start3A_122 : memref<128xi32, #tpu.memory_space<vmem>>) semaphore(%arg20 : memref<!tpu.dma_semaphore, #tpu.memory_space<semaphore_mem>>) {add = true}
        %dma_start3A_126 = arith.constant 128 : i32
        %dma_start3A_127 = arith.constant 0 : i32
        %dma_start3A_128 = tpu.memref_slice %arg14[%dma_start3A_126, %dma_start3A_127] : memref<256x128xf32, #tpu.memory_space<vmem>> -> memref<128x128xf32, #tpu.memory_space<vmem>>
        %dma_start3A_129 = arith.constant 128 : i32
        %dma_start3A_130 = tpu.memref_slice %arg11[%dma_start3A_129] : memref<256xi32, #tpu.memory_space<vmem>> -> memref<128xi32, #tpu.memory_space<vmem>>
        %dma_start3A_131 = arith.constant 0 : i32
        %dma_start3A_132 = arith.constant 0 : i32
        %dma_start3A_133 = tpu.memref_slice %arg3[%dma_start3A_131, %dma_start3A_132] : memref<10000x128xf32, #tpu.memory_space<hbm>> -> memref<10000x128xf32, #tpu.memory_space<hbm>>
        tpu.enqueue_indirect_dma source(%dma_start3A_133 : memref<10000x128xf32, #tpu.memory_space<hbm>>) target(%dma_start3A_128 : memref<128x128xf32, #tpu.memory_space<vmem>>) offsets(%dma_start3A_130 : memref<128xi32, #tpu.memory_space<vmem>>) semaphore(%arg20 : memref<!tpu.dma_semaphore, #tpu.memory_space<semaphore_mem>>) {add = true}
        %dma_wait3A_134 = arith.constant 0 : i32
        %dma_wait3A_135 = arith.constant 0 : i32
        %dma_wait3A_136 = tpu.memref_slice %arg14[%dma_wait3A_134, %dma_wait3A_135] : memref<256x128xf32, #tpu.memory_space<vmem>> -> memref<128x128xf32, #tpu.memory_space<vmem>>
        %dma_wait3A_137 = arith.constant 0 : i32
        %dma_wait3A_138 = tpu.memref_slice %arg11[%dma_wait3A_137] : memref<256xi32, #tpu.memory_space<vmem>> -> memref<128xi32, #tpu.memory_space<vmem>>
        %dma_wait3A_139 = arith.constant 0 : i32
        %dma_wait3A_140 = arith.constant 0 : i32
        %dma_wait3A_141 = tpu.memref_slice %arg3[%dma_wait3A_139, %dma_wait3A_140] : memref<10000x128xf32, #tpu.memory_space<hbm>> -> memref<10000x128xf32, #tpu.memory_space<hbm>>
        tpu.wait_indirect_dma semaphore(%arg20 : memref<!tpu.dma_semaphore, #tpu.memory_space<semaphore_mem>>) src(%dma_wait3A_141 : memref<10000x128xf32, #tpu.memory_space<hbm>>) dst(%dma_wait3A_136 : memref<128x128xf32, #tpu.memory_space<vmem>>)
        %dma_wait3A_142 = arith.constant 128 : i32
        %dma_wait3A_143 = arith.constant 0 : i32
        %dma_wait3A_144 = tpu.memref_slice %arg14[%dma_wait3A_142, %dma_wait3A_143] : memref<256x128xf32, #tpu.memory_space<vmem>> -> memref<128x128xf32, #tpu.memory_space<vmem>>
        %dma_wait3A_145 = arith.constant 128 : i32
        %dma_wait3A_146 = tpu.memref_slice %arg11[%dma_wait3A_145] : memref<256xi32, #tpu.memory_space<vmem>> -> memref<128xi32, #tpu.memory_space<vmem>>
        %dma_wait3A_147 = arith.constant 0 : i32
        %dma_wait3A_148 = arith.constant 0 : i32
        %dma_wait3A_149 = tpu.memref_slice %arg3[%dma_wait3A_147, %dma_wait3A_148] : memref<10000x128xf32, #tpu.memory_space<hbm>> -> memref<10000x128xf32, #tpu.memory_space<hbm>>
        tpu.wait_indirect_dma semaphore(%arg20 : memref<!tpu.dma_semaphore, #tpu.memory_space<semaphore_mem>>) src(%dma_wait3A_149 : memref<10000x128xf32, #tpu.memory_space<hbm>>) dst(%dma_wait3A_144 : memref<128x128xf32, #tpu.memory_space<vmem>>)
        %dma_start3A_150 = arith.constant 0 : i32
        %dma_start3A_151 = tpu.memref_slice %arg6[%mul3A_112, %dma_start3A_150] : memref<160000x128xf32, #tpu.memory_space<hbm>> -> memref<256x128xf32, #tpu.memory_space<hbm>>
        %dma_start3A_152 = arith.constant 0 : i32
        %dma_start3A_153 = tpu.memref_slice %arg6[%mul3A_112, %dma_start3A_152] : memref<160000x128xf32, #tpu.memory_space<hbm>> -> memref<256x128xf32, #tpu.memory_space<hbm>>
        tpu.enqueue_dma source(%arg14 : memref<256x128xf32, #tpu.memory_space<vmem>>) target(%dma_start3A_153 : memref<256x128xf32, #tpu.memory_space<hbm>>) target_semaphore(%arg23 : memref<!tpu.dma_semaphore, #tpu.memory_space<semaphore_mem>>)
      } else {
      }
    }
    %scan3A_5 = arith.constant 7 : i32
    %dma_wait3A = arith.constant 0 : i32
    %dma_wait3A_6 = arith.constant 0 : i32
    %dma_wait3A_7 = tpu.memref_slice %arg6[%dma_wait3A, %dma_wait3A_6] : memref<160000x128xf32, #tpu.memory_space<hbm>> -> memref<256x128xf32, #tpu.memory_space<hbm>>
    %dma_wait3A_8 = arith.constant 0 : i32
    %dma_wait3A_9 = arith.constant 0 : i32
    %dma_wait3A_10 = tpu.memref_slice %arg6[%dma_wait3A_8, %dma_wait3A_9] : memref<160000x128xf32, #tpu.memory_space<hbm>> -> memref<256x128xf32, #tpu.memory_space<hbm>>
    tpu.wait_dma2 semaphore(%arg22 : memref<!tpu.dma_semaphore, #tpu.memory_space<semaphore_mem>>) src(%arg13 : memref<256x128xf32, #tpu.memory_space<vmem>>) dst(%dma_wait3A_10 : memref<256x128xf32, #tpu.memory_space<hbm>>)
    %dma_wait3A_11 = arith.constant 0 : i32
    %dma_wait3A_12 = arith.constant 0 : i32
    %dma_wait3A_13 = tpu.memref_slice %arg6[%dma_wait3A_11, %dma_wait3A_12] : memref<160000x128xf32, #tpu.memory_space<hbm>> -> memref<256x128xf32, #tpu.memory_space<hbm>>
    %dma_wait3A_14 = arith.constant 0 : i32
    %dma_wait3A_15 = arith.constant 0 : i32
    %dma_wait3A_16 = tpu.memref_slice %arg6[%dma_wait3A_14, %dma_wait3A_15] : memref<160000x128xf32, #tpu.memory_space<hbm>> -> memref<256x128xf32, #tpu.memory_space<hbm>>
    tpu.wait_dma2 semaphore(%arg23 : memref<!tpu.dma_semaphore, #tpu.memory_space<semaphore_mem>>) src(%arg13 : memref<256x128xf32, #tpu.memory_space<vmem>>) dst(%dma_wait3A_16 : memref<256x128xf32, #tpu.memory_space<hbm>>)
    %dma_wait3A_17 = arith.constant 0 : i32
    %dma_wait3A_18 = arith.constant 0 : i32
    %dma_wait3A_19 = tpu.memref_slice %arg6[%dma_wait3A_17, %dma_wait3A_18] : memref<160000x128xf32, #tpu.memory_space<hbm>> -> memref<256x128xf32, #tpu.memory_space<hbm>>
    %dma_wait3A_20 = arith.constant 0 : i32
    %dma_wait3A_21 = arith.constant 0 : i32
    %dma_wait3A_22 = tpu.memref_slice %arg6[%dma_wait3A_20, %dma_wait3A_21] : memref<160000x128xf32, #tpu.memory_space<hbm>> -> memref<256x128xf32, #tpu.memory_space<hbm>>
    tpu.wait_dma2 semaphore(%arg24 : memref<!tpu.dma_semaphore, #tpu.memory_space<semaphore_mem>>) src(%arg13 : memref<256x128xf32, #tpu.memory_space<vmem>>) dst(%dma_wait3A_22 : memref<256x128xf32, #tpu.memory_space<hbm>>)
    return
  }
}

#map = affine_map<(d0, d1) -> (0, 0)>
#map1 = affine_map<(d0, d1) -> (0, 0, 0)>
module attributes {stable_mosaic.version = 14 : i64} {
  func.func @scat(%arg0: i32, %arg1: i32, %arg2: memref<160000x128xf32, #tpu.memory_space<hbm>>, %arg3: memref<625x2x128xi32, #tpu.memory_space<hbm>>, %arg4: memref<10000x128xf32, #tpu.memory_space<hbm>>, %arg5: memref<2x10000x128xf32, #tpu.memory_space<hbm>>, %arg6: memref<2x128xi32, #tpu.memory_space<vmem>>, %arg7: memref<256x128xf32, #tpu.memory_space<vmem>>, %arg8: memref<10000x128xf32, #tpu.memory_space<vmem_shared>>, %arg9: memref<!tpu.dma_semaphore, #tpu.memory_space<semaphore_mem>>) attributes {dimension_semantics = [#tpu.dimension_semantics<core_parallel>, #tpu.dimension_semantics<subcore_parallel>], iteration_bounds = array<i64: 2, 16>, scalar_prefetch = 0 : i64, scratch_operands = 4 : i64, tpu.core_type = #tpu.core_type<sc_vector_subcore>, window_params = [{transform_indices = #map}, {transform_indices = #map1}, {transform_indices = #map}, {transform_indices = #map1}]} {
    %mul3A = arith.constant 2 : i32
    %mul3A_0 = arith.muli %arg1, %mul3A : i32
    %add3A = arith.addi %mul3A_0, %arg0 : i32
    %mul3A_1 = arith.constant 624 : i32
    %mul3A_2 = arith.muli %arg1, %mul3A_1 : i32
    %mul3A_3 = arith.constant 624 : i32
    %mul3A_4 = arith.muli %arg1, %mul3A_3 : i32
    "tpu.region"() ({
      %run_scoped3A = tpu.sem_alloc : memref<!tpu.dma_semaphore, #tpu.memory_space<semaphore_mem>>
      %dma_start3A = arith.constant 0 : i32
      %dma_start3A_22 = tpu.memref_slice %arg8[%mul3A_4, %dma_start3A] : memref<10000x128xf32, #tpu.memory_space<vmem_shared>> -> memref<624x128xf32, #tpu.memory_space<vmem_shared>>
      %dma_start3A_23 = arith.constant 0 : i32
      %dma_start3A_24 = tpu.memref_slice %arg4[%mul3A_2, %dma_start3A_23] : memref<10000x128xf32, #tpu.memory_space<hbm>> -> memref<624x128xf32, #tpu.memory_space<hbm>>
      tpu.enqueue_dma source(%dma_start3A_24 : memref<624x128xf32, #tpu.memory_space<hbm>>) target(%dma_start3A_22 : memref<624x128xf32, #tpu.memory_space<vmem_shared>>) target_semaphore(%run_scoped3A : memref<!tpu.dma_semaphore, #tpu.memory_space<semaphore_mem>>)
      %dma_wait3A = arith.constant 0 : i32
      %dma_wait3A_25 = tpu.memref_slice %arg8[%mul3A_4, %dma_wait3A] : memref<10000x128xf32, #tpu.memory_space<vmem_shared>> -> memref<624x128xf32, #tpu.memory_space<vmem_shared>>
      %dma_wait3A_26 = arith.constant 0 : i32
      %dma_wait3A_27 = tpu.memref_slice %arg4[%mul3A_2, %dma_wait3A_26] : memref<10000x128xf32, #tpu.memory_space<hbm>> -> memref<624x128xf32, #tpu.memory_space<hbm>>
      tpu.wait_dma2 semaphore(%run_scoped3A : memref<!tpu.dma_semaphore, #tpu.memory_space<semaphore_mem>>) src(%dma_wait3A_27 : memref<624x128xf32, #tpu.memory_space<hbm>>) dst(%dma_wait3A_25 : memref<624x128xf32, #tpu.memory_space<vmem_shared>>)
      tpu.yield
    }) : () -> ()
    %eq3A = arith.constant 15 : i32
    %eq3A_5 = arith.cmpi eq, %arg1, %eq3A : i32
    %convert_element_type3A = arith.extui %eq3A_5 : i1 to i32
    %cond3A = arith.constant 0 : i32
    %cond3A_6 = arith.cmpi ne, %convert_element_type3A, %cond3A : i32
    scf.if %cond3A_6 {
      "tpu.region"() ({
        %run_scoped3A = tpu.sem_alloc : memref<!tpu.dma_semaphore, #tpu.memory_space<semaphore_mem>>
        %dma_start3A = arith.constant 9984 : i32
        %dma_start3A_22 = arith.constant 0 : i32
        %dma_start3A_23 = tpu.memref_slice %arg8[%dma_start3A, %dma_start3A_22] : memref<10000x128xf32, #tpu.memory_space<vmem_shared>> -> memref<16x128xf32, #tpu.memory_space<vmem_shared>>
        %dma_start3A_24 = arith.constant 9984 : i32
        %dma_start3A_25 = arith.constant 0 : i32
        %dma_start3A_26 = tpu.memref_slice %arg4[%dma_start3A_24, %dma_start3A_25] : memref<10000x128xf32, #tpu.memory_space<hbm>> -> memref<16x128xf32, #tpu.memory_space<hbm>>
        tpu.enqueue_dma source(%dma_start3A_26 : memref<16x128xf32, #tpu.memory_space<hbm>>) target(%dma_start3A_23 : memref<16x128xf32, #tpu.memory_space<vmem_shared>>) target_semaphore(%run_scoped3A : memref<!tpu.dma_semaphore, #tpu.memory_space<semaphore_mem>>)
        %dma_wait3A = arith.constant 9984 : i32
        %dma_wait3A_27 = arith.constant 0 : i32
        %dma_wait3A_28 = tpu.memref_slice %arg8[%dma_wait3A, %dma_wait3A_27] : memref<10000x128xf32, #tpu.memory_space<vmem_shared>> -> memref<16x128xf32, #tpu.memory_space<vmem_shared>>
        %dma_wait3A_29 = arith.constant 9984 : i32
        %dma_wait3A_30 = arith.constant 0 : i32
        %dma_wait3A_31 = tpu.memref_slice %arg4[%dma_wait3A_29, %dma_wait3A_30] : memref<10000x128xf32, #tpu.memory_space<hbm>> -> memref<16x128xf32, #tpu.memory_space<hbm>>
        tpu.wait_dma2 semaphore(%run_scoped3A : memref<!tpu.dma_semaphore, #tpu.memory_space<semaphore_mem>>) src(%dma_wait3A_31 : memref<16x128xf32, #tpu.memory_space<hbm>>) dst(%dma_wait3A_28 : memref<16x128xf32, #tpu.memory_space<vmem_shared>>)
        tpu.yield
      }) : () -> ()
    } else {
    }
    %barrier3A = arith.constant 0 : index
    tpu.barrier barrier_id(%barrier3A)
    %scan3A = arith.constant 0 : i32
    %scan3A_7 = arith.constant 0 : i32
    %scan3A_8 = arith.constant 20 : i32
    %scan3A_9 = arith.addi %scan3A_7, %scan3A_8 : i32
    %scan3A_10 = arith.constant 1 : i32
    scf.for %scan3A_22 = %scan3A_7 to %scan3A_9 step %scan3A_10  : i32 {
      %mul3A_23 = arith.constant 32 : i32
      %mul3A_24 = arith.muli %scan3A_22, %mul3A_23 : i32
      %add3A_25 = arith.addi %add3A, %mul3A_24 : i32
      %lt3A = arith.constant 625 : i32
      %lt3A_26 = arith.cmpi slt, %add3A_25, %lt3A : i32
      %convert_element_type3A_27 = arith.extui %lt3A_26 : i1 to i32
      %cond3A_28 = arith.constant 0 : i32
      %cond3A_29 = arith.cmpi ne, %convert_element_type3A_27, %cond3A_28 : i32
      scf.if %cond3A_29 {
        "tpu.region"() ({
          %run_scoped3A = tpu.sem_alloc : memref<!tpu.dma_semaphore, #tpu.memory_space<semaphore_mem>>
          %dma_start3A_72 = arith.constant 0 : i32
          %dma_start3A_73 = arith.constant 0 : i32
          %dma_start3A_74 = tpu.memref_slice %arg3[%add3A_25, %dma_start3A_72, %dma_start3A_73] : memref<625x2x128xi32, #tpu.memory_space<hbm>> -> memref<1x2x128xi32, #tpu.memory_space<hbm>>
          %dma_start3A_75 = tpu.memref_squeeze %dma_start3A_74 : memref<1x2x128xi32, #tpu.memory_space<hbm>> -> memref<2x128xi32, #tpu.memory_space<hbm>>
          %dma_start3A_76 = arith.constant 0 : i32
          %dma_start3A_77 = arith.constant 0 : i32
          %dma_start3A_78 = tpu.memref_slice %arg3[%add3A_25, %dma_start3A_76, %dma_start3A_77] : memref<625x2x128xi32, #tpu.memory_space<hbm>> -> memref<1x2x128xi32, #tpu.memory_space<hbm>>
          %dma_start3A_79 = tpu.memref_squeeze %dma_start3A_78 : memref<1x2x128xi32, #tpu.memory_space<hbm>> -> memref<2x128xi32, #tpu.memory_space<hbm>>
          tpu.enqueue_dma source(%dma_start3A_79 : memref<2x128xi32, #tpu.memory_space<hbm>>) target(%arg6 : memref<2x128xi32, #tpu.memory_space<vmem>>) target_semaphore(%run_scoped3A : memref<!tpu.dma_semaphore, #tpu.memory_space<semaphore_mem>>)
          %dma_wait3A_80 = arith.constant 0 : i32
          %dma_wait3A_81 = arith.constant 0 : i32
          %dma_wait3A_82 = tpu.memref_slice %arg3[%add3A_25, %dma_wait3A_80, %dma_wait3A_81] : memref<625x2x128xi32, #tpu.memory_space<hbm>> -> memref<1x2x128xi32, #tpu.memory_space<hbm>>
          %dma_wait3A_83 = tpu.memref_squeeze %dma_wait3A_82 : memref<1x2x128xi32, #tpu.memory_space<hbm>> -> memref<2x128xi32, #tpu.memory_space<hbm>>
          %dma_wait3A_84 = arith.constant 0 : i32
          %dma_wait3A_85 = arith.constant 0 : i32
          %dma_wait3A_86 = tpu.memref_slice %arg3[%add3A_25, %dma_wait3A_84, %dma_wait3A_85] : memref<625x2x128xi32, #tpu.memory_space<hbm>> -> memref<1x2x128xi32, #tpu.memory_space<hbm>>
          %dma_wait3A_87 = tpu.memref_squeeze %dma_wait3A_86 : memref<1x2x128xi32, #tpu.memory_space<hbm>> -> memref<2x128xi32, #tpu.memory_space<hbm>>
          tpu.wait_dma2 semaphore(%run_scoped3A : memref<!tpu.dma_semaphore, #tpu.memory_space<semaphore_mem>>) src(%dma_wait3A_87 : memref<2x128xi32, #tpu.memory_space<hbm>>) dst(%arg6 : memref<2x128xi32, #tpu.memory_space<vmem>>)
          tpu.yield
        }) : () -> ()
        %mul3A_30 = arith.constant 2 : i32
        %mul3A_31 = arith.muli %add3A_25, %mul3A_30 : i32
        %mul3A_32 = arith.constant 128 : i32
        %mul3A_33 = arith.muli %mul3A_31, %mul3A_32 : i32
        "tpu.region"() ({
          %run_scoped3A = tpu.sem_alloc : memref<!tpu.dma_semaphore, #tpu.memory_space<semaphore_mem>>
          %dma_start3A_72 = arith.constant 0 : i32
          %dma_start3A_73 = tpu.memref_slice %arg2[%mul3A_33, %dma_start3A_72] : memref<160000x128xf32, #tpu.memory_space<hbm>> -> memref<256x128xf32, #tpu.memory_space<hbm>>
          %dma_start3A_74 = arith.constant 0 : i32
          %dma_start3A_75 = tpu.memref_slice %arg2[%mul3A_33, %dma_start3A_74] : memref<160000x128xf32, #tpu.memory_space<hbm>> -> memref<256x128xf32, #tpu.memory_space<hbm>>
          tpu.enqueue_dma source(%dma_start3A_75 : memref<256x128xf32, #tpu.memory_space<hbm>>) target(%arg7 : memref<256x128xf32, #tpu.memory_space<vmem>>) target_semaphore(%run_scoped3A : memref<!tpu.dma_semaphore, #tpu.memory_space<semaphore_mem>>)
          %dma_wait3A_76 = arith.constant 0 : i32
          %dma_wait3A_77 = tpu.memref_slice %arg2[%mul3A_33, %dma_wait3A_76] : memref<160000x128xf32, #tpu.memory_space<hbm>> -> memref<256x128xf32, #tpu.memory_space<hbm>>
          %dma_wait3A_78 = arith.constant 0 : i32
          %dma_wait3A_79 = tpu.memref_slice %arg2[%mul3A_33, %dma_wait3A_78] : memref<160000x128xf32, #tpu.memory_space<hbm>> -> memref<256x128xf32, #tpu.memory_space<hbm>>
          tpu.wait_dma2 semaphore(%run_scoped3A : memref<!tpu.dma_semaphore, #tpu.memory_space<semaphore_mem>>) src(%dma_wait3A_79 : memref<256x128xf32, #tpu.memory_space<hbm>>) dst(%arg7 : memref<256x128xf32, #tpu.memory_space<vmem>>)
          tpu.yield
        }) : () -> ()
        %dma_start3A = arith.constant 0 : i32
        %dma_start3A_34 = arith.constant 0 : i32
        %dma_start3A_35 = arith.constant 0 : i32
        %dma_start3A_36 = tpu.memref_slice %arg7[%dma_start3A_34, %dma_start3A_35] : memref<256x128xf32, #tpu.memory_space<vmem>> -> memref<128x128xf32, #tpu.memory_space<vmem>>
        %dma_start3A_37 = arith.constant 0 : i32
        %dma_start3A_38 = tpu.memref_slice %arg6[%dma_start3A, %dma_start3A_37] : memref<2x128xi32, #tpu.memory_space<vmem>> -> memref<1x128xi32, #tpu.memory_space<vmem>>
        %dma_start3A_39 = tpu.memref_squeeze %dma_start3A_38 : memref<1x128xi32, #tpu.memory_space<vmem>> -> memref<128xi32, #tpu.memory_space<vmem>>
        %dma_start3A_40 = arith.constant 0 : i32
        %dma_start3A_41 = arith.constant 0 : i32
        %dma_start3A_42 = tpu.memref_slice %arg8[%dma_start3A_40, %dma_start3A_41] : memref<10000x128xf32, #tpu.memory_space<vmem_shared>> -> memref<10000x128xf32, #tpu.memory_space<vmem_shared>>
        tpu.enqueue_indirect_dma source(%dma_start3A_36 : memref<128x128xf32, #tpu.memory_space<vmem>>) target(%dma_start3A_42 : memref<10000x128xf32, #tpu.memory_space<vmem_shared>>) offsets(%dma_start3A_39 : memref<128xi32, #tpu.memory_space<vmem>>) semaphore(%arg9 : memref<!tpu.dma_semaphore, #tpu.memory_space<semaphore_mem>>) {add = true}
        %dma_start3A_43 = arith.constant 1 : i32
        %dma_start3A_44 = arith.constant 128 : i32
        %dma_start3A_45 = arith.constant 0 : i32
        %dma_start3A_46 = tpu.memref_slice %arg7[%dma_start3A_44, %dma_start3A_45] : memref<256x128xf32, #tpu.memory_space<vmem>> -> memref<128x128xf32, #tpu.memory_space<vmem>>
        %dma_start3A_47 = arith.constant 0 : i32
        %dma_start3A_48 = tpu.memref_slice %arg6[%dma_start3A_43, %dma_start3A_47] : memref<2x128xi32, #tpu.memory_space<vmem>> -> memref<1x128xi32, #tpu.memory_space<vmem>>
        %dma_start3A_49 = tpu.memref_squeeze %dma_start3A_48 : memref<1x128xi32, #tpu.memory_space<vmem>> -> memref<128xi32, #tpu.memory_space<vmem>>
        %dma_start3A_50 = arith.constant 0 : i32
        %dma_start3A_51 = arith.constant 0 : i32
        %dma_start3A_52 = tpu.memref_slice %arg8[%dma_start3A_50, %dma_start3A_51] : memref<10000x128xf32, #tpu.memory_space<vmem_shared>> -> memref<10000x128xf32, #tpu.memory_space<vmem_shared>>
        tpu.enqueue_indirect_dma source(%dma_start3A_46 : memref<128x128xf32, #tpu.memory_space<vmem>>) target(%dma_start3A_52 : memref<10000x128xf32, #tpu.memory_space<vmem_shared>>) offsets(%dma_start3A_49 : memref<128xi32, #tpu.memory_space<vmem>>) semaphore(%arg9 : memref<!tpu.dma_semaphore, #tpu.memory_space<semaphore_mem>>) {add = true}
        %dma_wait3A = arith.constant 0 : i32
        %dma_wait3A_53 = arith.constant 0 : i32
        %dma_wait3A_54 = arith.constant 0 : i32
        %dma_wait3A_55 = tpu.memref_slice %arg7[%dma_wait3A_53, %dma_wait3A_54] : memref<256x128xf32, #tpu.memory_space<vmem>> -> memref<128x128xf32, #tpu.memory_space<vmem>>
        %dma_wait3A_56 = arith.constant 0 : i32
        %dma_wait3A_57 = tpu.memref_slice %arg6[%dma_wait3A, %dma_wait3A_56] : memref<2x128xi32, #tpu.memory_space<vmem>> -> memref<1x128xi32, #tpu.memory_space<vmem>>
        %dma_wait3A_58 = tpu.memref_squeeze %dma_wait3A_57 : memref<1x128xi32, #tpu.memory_space<vmem>> -> memref<128xi32, #tpu.memory_space<vmem>>
        %dma_wait3A_59 = arith.constant 0 : i32
        %dma_wait3A_60 = arith.constant 0 : i32
        %dma_wait3A_61 = tpu.memref_slice %arg8[%dma_wait3A_59, %dma_wait3A_60] : memref<10000x128xf32, #tpu.memory_space<vmem_shared>> -> memref<10000x128xf32, #tpu.memory_space<vmem_shared>>
        tpu.wait_indirect_dma semaphore(%arg9 : memref<!tpu.dma_semaphore, #tpu.memory_space<semaphore_mem>>) src(%dma_wait3A_55 : memref<128x128xf32, #tpu.memory_space<vmem>>) dst(%dma_wait3A_61 : memref<10000x128xf32, #tpu.memory_space<vmem_shared>>)
        %dma_wait3A_62 = arith.constant 1 : i32
        %dma_wait3A_63 = arith.constant 128 : i32
        %dma_wait3A_64 = arith.constant 0 : i32
        %dma_wait3A_65 = tpu.memref_slice %arg7[%dma_wait3A_63, %dma_wait3A_64] : memref<256x128xf32, #tpu.memory_space<vmem>> -> memref<128x128xf32, #tpu.memory_space<vmem>>
        %dma_wait3A_66 = arith.constant 0 : i32
        %dma_wait3A_67 = tpu.memref_slice %arg6[%dma_wait3A_62, %dma_wait3A_66] : memref<2x128xi32, #tpu.memory_space<vmem>> -> memref<1x128xi32, #tpu.memory_space<vmem>>
        %dma_wait3A_68 = tpu.memref_squeeze %dma_wait3A_67 : memref<1x128xi32, #tpu.memory_space<vmem>> -> memref<128xi32, #tpu.memory_space<vmem>>
        %dma_wait3A_69 = arith.constant 0 : i32
        %dma_wait3A_70 = arith.constant 0 : i32
        %dma_wait3A_71 = tpu.memref_slice %arg8[%dma_wait3A_69, %dma_wait3A_70] : memref<10000x128xf32, #tpu.memory_space<vmem_shared>> -> memref<10000x128xf32, #tpu.memory_space<vmem_shared>>
        tpu.wait_indirect_dma semaphore(%arg9 : memref<!tpu.dma_semaphore, #tpu.memory_space<semaphore_mem>>) src(%dma_wait3A_65 : memref<128x128xf32, #tpu.memory_space<vmem>>) dst(%dma_wait3A_71 : memref<10000x128xf32, #tpu.memory_space<vmem_shared>>)
      } else {
      }
    }
    %scan3A_11 = arith.constant 20 : i32
    %barrier3A_12 = arith.constant 0 : index
    tpu.barrier barrier_id(%barrier3A_12)
    %mul3A_13 = arith.constant 624 : i32
    %mul3A_14 = arith.muli %arg1, %mul3A_13 : i32
    %mul3A_15 = arith.constant 624 : i32
    %mul3A_16 = arith.muli %arg1, %mul3A_15 : i32
    "tpu.region"() ({
      %run_scoped3A = tpu.sem_alloc : memref<!tpu.dma_semaphore, #tpu.memory_space<semaphore_mem>>
      %dma_start3A = arith.constant 0 : i32
      %dma_start3A_22 = tpu.memref_slice %arg5[%arg0, %mul3A_16, %dma_start3A] : memref<2x10000x128xf32, #tpu.memory_space<hbm>> -> memref<1x624x128xf32, #tpu.memory_space<hbm>>
      %dma_start3A_23 = tpu.memref_squeeze %dma_start3A_22 : memref<1x624x128xf32, #tpu.memory_space<hbm>> -> memref<624x128xf32, #tpu.memory_space<hbm>>
      %dma_start3A_24 = arith.constant 0 : i32
      %dma_start3A_25 = tpu.memref_slice %arg8[%mul3A_14, %dma_start3A_24] : memref<10000x128xf32, #tpu.memory_space<vmem_shared>> -> memref<624x128xf32, #tpu.memory_space<vmem_shared>>
      tpu.enqueue_dma source(%dma_start3A_25 : memref<624x128xf32, #tpu.memory_space<vmem_shared>>) target(%dma_start3A_23 : memref<624x128xf32, #tpu.memory_space<hbm>>) target_semaphore(%run_scoped3A : memref<!tpu.dma_semaphore, #tpu.memory_space<semaphore_mem>>)
      %dma_wait3A = arith.constant 0 : i32
      %dma_wait3A_26 = tpu.memref_slice %arg5[%arg0, %mul3A_16, %dma_wait3A] : memref<2x10000x128xf32, #tpu.memory_space<hbm>> -> memref<1x624x128xf32, #tpu.memory_space<hbm>>
      %dma_wait3A_27 = tpu.memref_squeeze %dma_wait3A_26 : memref<1x624x128xf32, #tpu.memory_space<hbm>> -> memref<624x128xf32, #tpu.memory_space<hbm>>
      %dma_wait3A_28 = arith.constant 0 : i32
      %dma_wait3A_29 = tpu.memref_slice %arg8[%mul3A_14, %dma_wait3A_28] : memref<10000x128xf32, #tpu.memory_space<vmem_shared>> -> memref<624x128xf32, #tpu.memory_space<vmem_shared>>
      tpu.wait_dma2 semaphore(%run_scoped3A : memref<!tpu.dma_semaphore, #tpu.memory_space<semaphore_mem>>) src(%dma_wait3A_29 : memref<624x128xf32, #tpu.memory_space<vmem_shared>>) dst(%dma_wait3A_27 : memref<624x128xf32, #tpu.memory_space<hbm>>)
      tpu.yield
    }) : () -> ()
    %eq3A_17 = arith.constant 15 : i32
    %eq3A_18 = arith.cmpi eq, %arg1, %eq3A_17 : i32
    %convert_element_type3A_19 = arith.extui %eq3A_18 : i1 to i32
    %cond3A_20 = arith.constant 0 : i32
    %cond3A_21 = arith.cmpi ne, %convert_element_type3A_19, %cond3A_20 : i32
    scf.if %cond3A_21 {
      "tpu.region"() ({
        %run_scoped3A = tpu.sem_alloc : memref<!tpu.dma_semaphore, #tpu.memory_space<semaphore_mem>>
        %dma_start3A = arith.constant 9984 : i32
        %dma_start3A_22 = arith.constant 0 : i32
        %dma_start3A_23 = tpu.memref_slice %arg5[%arg0, %dma_start3A, %dma_start3A_22] : memref<2x10000x128xf32, #tpu.memory_space<hbm>> -> memref<1x16x128xf32, #tpu.memory_space<hbm>>
        %dma_start3A_24 = tpu.memref_squeeze %dma_start3A_23 : memref<1x16x128xf32, #tpu.memory_space<hbm>> -> memref<16x128xf32, #tpu.memory_space<hbm>>
        %dma_start3A_25 = arith.constant 9984 : i32
        %dma_start3A_26 = arith.constant 0 : i32
        %dma_start3A_27 = tpu.memref_slice %arg8[%dma_start3A_25, %dma_start3A_26] : memref<10000x128xf32, #tpu.memory_space<vmem_shared>> -> memref<16x128xf32, #tpu.memory_space<vmem_shared>>
        tpu.enqueue_dma source(%dma_start3A_27 : memref<16x128xf32, #tpu.memory_space<vmem_shared>>) target(%dma_start3A_24 : memref<16x128xf32, #tpu.memory_space<hbm>>) target_semaphore(%run_scoped3A : memref<!tpu.dma_semaphore, #tpu.memory_space<semaphore_mem>>)
        %dma_wait3A = arith.constant 9984 : i32
        %dma_wait3A_28 = arith.constant 0 : i32
        %dma_wait3A_29 = tpu.memref_slice %arg5[%arg0, %dma_wait3A, %dma_wait3A_28] : memref<2x10000x128xf32, #tpu.memory_space<hbm>> -> memref<1x16x128xf32, #tpu.memory_space<hbm>>
        %dma_wait3A_30 = tpu.memref_squeeze %dma_wait3A_29 : memref<1x16x128xf32, #tpu.memory_space<hbm>> -> memref<16x128xf32, #tpu.memory_space<hbm>>
        %dma_wait3A_31 = arith.constant 9984 : i32
        %dma_wait3A_32 = arith.constant 0 : i32
        %dma_wait3A_33 = tpu.memref_slice %arg8[%dma_wait3A_31, %dma_wait3A_32] : memref<10000x128xf32, #tpu.memory_space<vmem_shared>> -> memref<16x128xf32, #tpu.memory_space<vmem_shared>>
        tpu.wait_dma2 semaphore(%run_scoped3A : memref<!tpu.dma_semaphore, #tpu.memory_space<semaphore_mem>>) src(%dma_wait3A_33 : memref<16x128xf32, #tpu.memory_space<vmem_shared>>) dst(%dma_wait3A_30 : memref<16x128xf32, #tpu.memory_space<hbm>>)
        tpu.yield
      }) : () -> ()
    } else {
    }
    return
  }
}

module attributes {stable_mosaic.version = 14 : i64} {
  func.func @_uv_body(%arg0: i32, %arg1: memref<2000x128xf32, #tpu.memory_space<vmem>>, %arg2: memref<128x128xbf16, #tpu.memory_space<vmem>>, %arg3: memref<128x128xbf16, #tpu.memory_space<vmem>>, %arg4: memref<2000x128xf32, #tpu.memory_space<vmem>>, %arg5: memref<2000x128xf32, #tpu.memory_space<vmem>>) attributes {dimension_semantics = [#tpu.dimension_semantics<arbitrary>], iteration_bounds = array<i64: 5>, scalar_prefetch = 0 : i64, scratch_operands = 0 : i64, tpu.core_type = #tpu.core_type<tc>, window_params = [{transform_indices = @transform_0, window_bounds = array<i64: 2000, 128>}, {pipeline_mode = #tpu.pipeline_mode<synchronous>, transform_indices = @transform_1, window_bounds = array<i64: 128, 128>}, {pipeline_mode = #tpu.pipeline_mode<synchronous>, transform_indices = @transform_2, window_bounds = array<i64: 128, 128>}, {transform_indices = @transform_3, window_bounds = array<i64: 2000, 128>}, {transform_indices = @transform_4, window_bounds = array<i64: 2000, 128>}]} {
    %get3A = arith.constant 0 : index
    %get3A_0 = arith.constant 0 : index
    %get3A_1 = vector.load %arg1[%get3A, %get3A_0] : memref<2000x128xf32, #tpu.memory_space<vmem>>, vector<2000x128xf32>
    %convert_element_type3A = arith.truncf %get3A_1 : vector<2000x128xf32> to vector<2000x128xbf16>
    %get3A_2 = arith.constant 0 : index
    %get3A_3 = arith.constant 0 : index
    %get3A_4 = vector.load %arg2[%get3A_2, %get3A_3] : memref<128x128xbf16, #tpu.memory_space<vmem>>, vector<128x128xbf16>
    %dot_general3A = arith.constant dense<0.000000e+00> : vector<2000x128xf32>
    %dot_general3A_5 = tpu.matmul %convert_element_type3A, %get3A_4, %dot_general3A {dimension_numbers = #tpu.dot_dimension_numbers<[1], [0], [0], [1], [0, 0, 1, 1], [], []>, transpose_lhs_hint = false} : vector<2000x128xbf16>, vector<128x128xbf16>, vector<2000x128xf32> -> vector<2000x128xf32>
    %swap3A = arith.constant 0 : index
    %swap3A_6 = arith.constant 0 : index
    %swap3A_7 = vector.load %arg4[%swap3A, %swap3A_6] : memref<2000x128xf32, #tpu.memory_space<vmem>>, vector<2000x128xf32>
    tpu.vector_store %arg4[%swap3A, %swap3A_6], %dot_general3A_5 {strides = array<i32>} : memref<2000x128xf32, #tpu.memory_space<vmem>>, vector<2000x128xf32>,
    %get3A_8 = arith.constant 0 : index
    %get3A_9 = arith.constant 0 : index
    %get3A_10 = vector.load %arg3[%get3A_8, %get3A_9] : memref<128x128xbf16, #tpu.memory_space<vmem>>, vector<128x128xbf16>
    %dot_general3A_11 = arith.constant dense<0.000000e+00> : vector<2000x128xf32>
    %dot_general3A_12 = tpu.matmul %convert_element_type3A, %get3A_10, %dot_general3A_11 {dimension_numbers = #tpu.dot_dimension_numbers<[1], [0], [0], [1], [0, 0, 1, 1], [], []>, transpose_lhs_hint = false} : vector<2000x128xbf16>, vector<128x128xbf16>, vector<2000x128xf32> -> vector<2000x128xf32>
    %swap3A_13 = arith.constant 0 : index
    %swap3A_14 = arith.constant 0 : index
    %swap3A_15 = vector.load %arg5[%swap3A_13, %swap3A_14] : memref<2000x128xf32, #tpu.memory_space<vmem>>, vector<2000x128xf32>
    tpu.vector_store %arg5[%swap3A_13, %swap3A_14], %dot_general3A_12 {strides = array<i32>} : memref<2000x128xf32, #tpu.memory_space<vmem>>, vector<2000x128xf32>,
    return
  }
  func.func @transform_0(%arg0: i32) -> (i32, i32) {
    %c0_i32 = arith.constant 0 : i32
    %c0_i32_0 = arith.constant 0 : i32
    return %arg0, %c0_i32 : i32, i32
  }
  func.func @transform_1(%arg0: i32) -> (i32, i32) {
    %c0_i32 = arith.constant 0 : i32
    %c0_i32_0 = arith.constant 0 : i32
    %c0_i32_1 = arith.constant 0 : i32
    return %c0_i32, %c0_i32_0 : i32, i32
  }
  func.func @transform_2(%arg0: i32) -> (i32, i32) {
    %c0_i32 = arith.constant 0 : i32
    %c0_i32_0 = arith.constant 0 : i32
    %c0_i32_1 = arith.constant 0 : i32
    return %c0_i32, %c0_i32_0 : i32, i32
  }
  func.func @transform_3(%arg0: i32) -> (i32, i32) {
    %c0_i32 = arith.constant 0 : i32
    %c0_i32_0 = arith.constant 0 : i32
    return %arg0, %c0_i32 : i32, i32
  }
  func.func @transform_4(%arg0: i32) -> (i32, i32) {
    %c0_i32 = arith.constant 0 : i32
    %c0_i32_0 = arith.constant 0 : i32
    return %arg0, %c0_i32 : i32, i32
  }
}

module attributes {stable_mosaic.version = 14 : i64} {
  func.func @_edge_body(%arg0: i32, %arg1: memref<1280x128xf32, #tpu.memory_space<vmem>>, %arg2: memref<1280x128xf32, #tpu.memory_space<vmem>>, %arg3: memref<1x1280xf32, #tpu.memory_space<vmem>>, %arg4: memref<1x16xf32, #tpu.memory_space<vmem>>, %arg5: memref<16x128xf32, #tpu.memory_space<vmem>>, %arg6: memref<1x128xf32, #tpu.memory_space<vmem>>, %arg7: memref<128x128xbf16, #tpu.memory_space<vmem>>, %arg8: memref<128x128xbf16, #tpu.memory_space<vmem>>, %arg9: memref<128x128xbf16, #tpu.memory_space<vmem>>, %arg10: memref<1x128xf32, #tpu.memory_space<vmem>>, %arg11: memref<128x128xbf16, #tpu.memory_space<vmem>>, %arg12: memref<1x128xf32, #tpu.memory_space<vmem>>, %arg13: memref<128x128xbf16, #tpu.memory_space<vmem>>, %arg14: memref<1x128xf32, #tpu.memory_space<vmem>>, %arg15: memref<128x128xbf16, #tpu.memory_space<vmem>>, %arg16: memref<1x128xf32, #tpu.memory_space<vmem>>, %arg17: memref<1280x128xf32, #tpu.memory_space<vmem>>) attributes {dimension_semantics = [#tpu.dimension_semantics<arbitrary>], iteration_bounds = array<i64: 125>, scalar_prefetch = 0 : i64, scratch_operands = 0 : i64, tpu.core_type = #tpu.core_type<tc>, window_params = [{transform_indices = @transform_0, window_bounds = array<i64: 1280, 128>}, {transform_indices = @transform_1, window_bounds = array<i64: 1280, 128>}, {transform_indices = @transform_2, window_bounds = array<i64: 1, 1280>}, {pipeline_mode = #tpu.pipeline_mode<synchronous>, transform_indices = @transform_3, window_bounds = array<i64: 1, 16>}, {pipeline_mode = #tpu.pipeline_mode<synchronous>, transform_indices = @transform_4, window_bounds = array<i64: 16, 128>}, {pipeline_mode = #tpu.pipeline_mode<synchronous>, transform_indices = @transform_5, window_bounds = array<i64: 1, 128>}, {pipeline_mode = #tpu.pipeline_mode<synchronous>, transform_indices = @transform_6, window_bounds = array<i64: 128, 128>}, {pipeline_mode = #tpu.pipeline_mode<synchronous>, transform_indices = @transform_7, window_bounds = array<i64: 128, 128>}, {pipeline_mode = #tpu.pipeline_mode<synchronous>, transform_indices = @transform_8, window_bounds = array<i64: 128, 128>}, {pipeline_mode = #tpu.pipeline_mode<synchronous>, transform_indices = @transform_9, window_bounds = array<i64: 1, 128>}, {pipeline_mode = #tpu.pipeline_mode<synchronous>, transform_indices = @transform_10, window_bounds = array<i64: 128, 128>}, {pipeline_mode = #tpu.pipeline_mode<synchronous>, transform_indices = @transform_11, window_bounds = array<i64: 1, 128>}, {pipeline_mode = #tpu.pipeline_mode<synchronous>, transform_indices = @transform_12, window_bounds = array<i64: 128, 128>}, {pipeline_mode = #tpu.pipeline_mode<synchronous>, transform_indices = @transform_13, window_bounds = array<i64: 1, 128>}, {pipeline_mode = #tpu.pipeline_mode<synchronous>, transform_indices = @transform_14, window_bounds = array<i64: 128, 128>}, {pipeline_mode = #tpu.pipeline_mode<synchronous>, transform_indices = @transform_15, window_bounds = array<i64: 1, 128>}, {transform_indices = @transform_16, window_bounds = array<i64: 1280, 128>}]} {
    %get3A = arith.constant 0 : index
    %get3A_0 = arith.constant 0 : index
    %get3A_1 = vector.load %arg4[%get3A, %get3A_0] : memref<1x16xf32, #tpu.memory_space<vmem>>, vector<1x16xf32>
    %get3A_2 = arith.constant 0 : index
    %get3A_3 = arith.constant 0 : index
    %get3A_4 = vector.load %arg5[%get3A_2, %get3A_3] : memref<16x128xf32, #tpu.memory_space<vmem>>, vector<16x128xf32>
    %dot_general3A = arith.constant dense<0.000000e+00> : vector<1x128xf32>
    %dot_general3A_5 = tpu.matmul %get3A_1, %get3A_4, %dot_general3A {dimension_numbers = #tpu.dot_dimension_numbers<[1], [0], [0], [1], [0, 0, 1, 1], [], []>, transpose_lhs_hint = false} : vector<1x16xf32>, vector<16x128xf32>, vector<1x128xf32> -> vector<1x128xf32>
    %get3A_6 = arith.constant 0 : index
    %get3A_7 = arith.constant 0 : index
    %get3A_8 = vector.load %arg6[%get3A_6, %get3A_7] : memref<1x128xf32, #tpu.memory_space<vmem>>, vector<1x128xf32>
    %add3A = arith.addf %dot_general3A_5, %get3A_8 : vector<1x128xf32>
    %convert_element_type3A = arith.truncf %add3A : vector<1x128xf32> to vector<1x128xbf16>
    %get3A_9 = arith.constant 0 : index
    %get3A_10 = arith.constant 0 : index
    %get3A_11 = vector.load %arg10[%get3A_9, %get3A_10] : memref<1x128xf32, #tpu.memory_space<vmem>>, vector<1x128xf32>
    %get3A_12 = arith.constant 0 : index
    %get3A_13 = arith.constant 0 : index
    %get3A_14 = vector.load %arg7[%get3A_12, %get3A_13] : memref<128x128xbf16, #tpu.memory_space<vmem>>, vector<128x128xbf16>
    %dot_general3A_15 = arith.constant dense<0.000000e+00> : vector<1x128xf32>
    %dot_general3A_16 = tpu.matmul %convert_element_type3A, %get3A_14, %dot_general3A_15 {dimension_numbers = #tpu.dot_dimension_numbers<[1], [0], [0], [1], [0, 0, 1, 1], [], []>, transpose_lhs_hint = false} : vector<1x128xbf16>, vector<128x128xbf16>, vector<1x128xf32> -> vector<1x128xf32>
    %add3A_17 = arith.addf %get3A_11, %dot_general3A_16 : vector<1x128xf32>
    %get3A_18 = arith.constant 0 : index
    %get3A_19 = arith.constant 0 : index
    %get3A_20 = vector.load %arg8[%get3A_18, %get3A_19] : memref<128x128xbf16, #tpu.memory_space<vmem>>, vector<128x128xbf16>
    %dot_general3A_21 = arith.constant dense<0.000000e+00> : vector<1x128xf32>
    %dot_general3A_22 = tpu.matmul %convert_element_type3A, %get3A_20, %dot_general3A_21 {dimension_numbers = #tpu.dot_dimension_numbers<[1], [0], [0], [1], [0, 0, 1, 1], [], []>, transpose_lhs_hint = false} : vector<1x128xbf16>, vector<128x128xbf16>, vector<1x128xf32> -> vector<1x128xf32>
    %add3A_23 = arith.addf %add3A_17, %dot_general3A_22 : vector<1x128xf32>
    %get3A_24 = arith.constant 0 : index
    %get3A_25 = arith.constant 0 : index
    %get3A_26 = vector.load %arg2[%get3A_24, %get3A_25] : memref<1280x128xf32, #tpu.memory_space<vmem>>, vector<1280x128xf32>
    %get3A_27 = arith.constant 0 : index
    %get3A_28 = arith.constant 0 : index
    %get3A_29 = vector.load %arg1[%get3A_27, %get3A_28] : memref<1280x128xf32, #tpu.memory_space<vmem>>, vector<1280x128xf32>
    %convert_element_type3A_30 = arith.truncf %get3A_26 : vector<1280x128xf32> to vector<1280x128xbf16>
    %get3A_31 = arith.constant 0 : index
    %get3A_32 = arith.constant 0 : index
    %get3A_33 = vector.load %arg9[%get3A_31, %get3A_32] : memref<128x128xbf16, #tpu.memory_space<vmem>>, vector<128x128xbf16>
    %dot_general3A_34 = arith.constant dense<0.000000e+00> : vector<1280x128xf32>
    %dot_general3A_35 = tpu.matmul %convert_element_type3A_30, %get3A_33, %dot_general3A_34 {dimension_numbers = #tpu.dot_dimension_numbers<[1], [0], [0], [1], [0, 0, 1, 1], [], []>, transpose_lhs_hint = false} : vector<1280x128xbf16>, vector<128x128xbf16>, vector<1280x128xf32> -> vector<1280x128xf32>
    %add3A_36 = arith.addf %get3A_29, %dot_general3A_35 : vector<1280x128xf32>
    %add3A_37 = vector.broadcast %add3A_23 : vector<1x128xf32> to vector<1280x128xf32>
    %add3A_38 = arith.addf %add3A_36, %add3A_37 : vector<1280x128xf32>
    %gt3A = arith.constant 0.000000e+00 : f32
    %gt3A_39 = vector.broadcast %gt3A : f32 to vector<1280x128xf32>
    %gt3A_40 = arith.cmpf ogt, %add3A_38, %gt3A_39 : vector<1280x128xf32>
    %exp3A = math.exp %add3A_38 : vector<1280x128xf32>
    %sub3A = arith.constant 1.000000e+00 : f32
    %sub3A_41 = vector.broadcast %sub3A : f32 to vector<1280x128xf32>
    %sub3A_42 = arith.subf %exp3A, %sub3A_41 : vector<1280x128xf32>
    %select_n3A = arith.select %gt3A_40, %add3A_38, %sub3A_42 : vector<1280x128xi1>, vector<1280x128xf32>
    %convert_element_type3A_43 = arith.truncf %select_n3A : vector<1280x128xf32> to vector<1280x128xbf16>
    %get3A_44 = arith.constant 0 : index
    %get3A_45 = arith.constant 0 : index
    %get3A_46 = vector.load %arg11[%get3A_44, %get3A_45] : memref<128x128xbf16, #tpu.memory_space<vmem>>, vector<128x128xbf16>
    %dot_general3A_47 = arith.constant dense<0.000000e+00> : vector<1280x128xf32>
    %dot_general3A_48 = tpu.matmul %convert_element_type3A_43, %get3A_46, %dot_general3A_47 {dimension_numbers = #tpu.dot_dimension_numbers<[1], [0], [0], [1], [0, 0, 1, 1], [], []>, transpose_lhs_hint = false} : vector<1280x128xbf16>, vector<128x128xbf16>, vector<1280x128xf32> -> vector<1280x128xf32>
    %get3A_49 = arith.constant 0 : index
    %get3A_50 = arith.constant 0 : index
    %get3A_51 = vector.load %arg12[%get3A_49, %get3A_50] : memref<1x128xf32, #tpu.memory_space<vmem>>, vector<1x128xf32>
    %add3A_52 = vector.broadcast %get3A_51 : vector<1x128xf32> to vector<1280x128xf32>
    %add3A_53 = arith.addf %dot_general3A_48, %add3A_52 : vector<1280x128xf32>
    %gt3A_54 = arith.constant 0.000000e+00 : f32
    %gt3A_55 = vector.broadcast %gt3A_54 : f32 to vector<1280x128xf32>
    %gt3A_56 = arith.cmpf ogt, %add3A_53, %gt3A_55 : vector<1280x128xf32>
    %exp3A_57 = math.exp %add3A_53 : vector<1280x128xf32>
    %sub3A_58 = arith.constant 1.000000e+00 : f32
    %sub3A_59 = vector.broadcast %sub3A_58 : f32 to vector<1280x128xf32>
    %sub3A_60 = arith.subf %exp3A_57, %sub3A_59 : vector<1280x128xf32>
    %select_n3A_61 = arith.select %gt3A_56, %add3A_53, %sub3A_60 : vector<1280x128xi1>, vector<1280x128xf32>
    %convert_element_type3A_62 = arith.truncf %select_n3A_61 : vector<1280x128xf32> to vector<1280x128xbf16>
    %get3A_63 = arith.constant 0 : index
    %get3A_64 = arith.constant 0 : index
    %get3A_65 = vector.load %arg13[%get3A_63, %get3A_64] : memref<128x128xbf16, #tpu.memory_space<vmem>>, vector<128x128xbf16>
    %dot_general3A_66 = arith.constant dense<0.000000e+00> : vector<1280x128xf32>
    %dot_general3A_67 = tpu.matmul %convert_element_type3A_62, %get3A_65, %dot_general3A_66 {dimension_numbers = #tpu.dot_dimension_numbers<[1], [0], [0], [1], [0, 0, 1, 1], [], []>, transpose_lhs_hint = false} : vector<1280x128xbf16>, vector<128x128xbf16>, vector<1280x128xf32> -> vector<1280x128xf32>
    %get3A_68 = arith.constant 0 : index
    %get3A_69 = arith.constant 0 : index
    %get3A_70 = vector.load %arg14[%get3A_68, %get3A_69] : memref<1x128xf32, #tpu.memory_space<vmem>>, vector<1x128xf32>
    %add3A_71 = vector.broadcast %get3A_70 : vector<1x128xf32> to vector<1280x128xf32>
    %add3A_72 = arith.addf %dot_general3A_67, %add3A_71 : vector<1280x128xf32>
    %gt3A_73 = arith.constant 0.000000e+00 : f32
    %gt3A_74 = vector.broadcast %gt3A_73 : f32 to vector<1280x128xf32>
    %gt3A_75 = arith.cmpf ogt, %add3A_72, %gt3A_74 : vector<1280x128xf32>
    %exp3A_76 = math.exp %add3A_72 : vector<1280x128xf32>
    %sub3A_77 = arith.constant 1.000000e+00 : f32
    %sub3A_78 = vector.broadcast %sub3A_77 : f32 to vector<1280x128xf32>
    %sub3A_79 = arith.subf %exp3A_76, %sub3A_78 : vector<1280x128xf32>
    %select_n3A_80 = arith.select %gt3A_75, %add3A_72, %sub3A_79 : vector<1280x128xi1>, vector<1280x128xf32>
    %convert_element_type3A_81 = arith.truncf %select_n3A_80 : vector<1280x128xf32> to vector<1280x128xbf16>
    %get3A_82 = arith.constant 0 : index
    %get3A_83 = arith.constant 0 : index
    %get3A_84 = vector.load %arg15[%get3A_82, %get3A_83] : memref<128x128xbf16, #tpu.memory_space<vmem>>, vector<128x128xbf16>
    %dot_general3A_85 = arith.constant dense<0.000000e+00> : vector<1280x128xf32>
    %dot_general3A_86 = tpu.matmul %convert_element_type3A_81, %get3A_84, %dot_general3A_85 {dimension_numbers = #tpu.dot_dimension_numbers<[1], [0], [0], [1], [0, 0, 1, 1], [], []>, transpose_lhs_hint = false} : vector<1280x128xbf16>, vector<128x128xbf16>, vector<1280x128xf32> -> vector<1280x128xf32>
    %get3A_87 = arith.constant 0 : index
    %get3A_88 = arith.constant 0 : index
    %get3A_89 = vector.load %arg16[%get3A_87, %get3A_88] : memref<1x128xf32, #tpu.memory_space<vmem>>, vector<1x128xf32>
    %add3A_90 = vector.broadcast %get3A_89 : vector<1x128xf32> to vector<1280x128xf32>
    %add3A_91 = arith.addf %dot_general3A_86, %add3A_90 : vector<1280x128xf32>
    %add3A_92 = arith.addf %get3A_26, %add3A_91 : vector<1280x128xf32>
    %get3A_93 = arith.constant 0 : index
    %get3A_94 = arith.constant 0 : index
    %get3A_95 = vector.load %arg3[%get3A_93, %get3A_94] : memref<1x1280xf32, #tpu.memory_space<vmem>>, vector<1x1280xf32>
    %transpose3A = tpu.transpose %get3A_95, [1, 0] : vector<1x1280xf32> -> vector<1280x1xf32>
    %mul3A = vector.broadcast %transpose3A : vector<1280x1xf32> to vector<1280x128xf32>
    %mul3A_96 = arith.mulf %add3A_92, %mul3A : vector<1280x128xf32>
    %swap3A = arith.constant 0 : index
    %swap3A_97 = arith.constant 0 : index
    %swap3A_98 = vector.load %arg17[%swap3A, %swap3A_97] : memref<1280x128xf32, #tpu.memory_space<vmem>>, vector<1280x128xf32>
    tpu.vector_store %arg17[%swap3A, %swap3A_97], %mul3A_96 {strides = array<i32>} : memref<1280x128xf32, #tpu.memory_space<vmem>>, vector<1280x128xf32>,
    return
  }
  func.func @transform_0(%arg0: i32) -> (i32, i32) {
    %c0_i32 = arith.constant 0 : i32
    %c0_i32_0 = arith.constant 0 : i32
    return %arg0, %c0_i32 : i32, i32
  }
  func.func @transform_1(%arg0: i32) -> (i32, i32) {
    %add3A = arith.constant 125 : i32
    %add3A_0 = arith.addi %arg0, %add3A : i32
    %c0_i32 = arith.constant 0 : i32
    %c0_i32_1 = arith.constant 0 : i32
    return %add3A_0, %c0_i32 : i32, i32
  }
  func.func @transform_2(%arg0: i32) -> (i32, i32) {
    %add3A = arith.constant 125 : i32
    %add3A_0 = arith.addi %arg0, %add3A : i32
    %c0_i32 = arith.constant 0 : i32
    %c0_i32_1 = arith.constant 0 : i32
    return %c0_i32, %add3A_0 : i32, i32
  }
  func.func @transform_3(%arg0: i32) -> (i32, i32) {
    %c0_i32 = arith.constant 0 : i32
    %c0_i32_0 = arith.constant 0 : i32
    %c0_i32_1 = arith.constant 0 : i32
    return %c0_i32, %c0_i32_0 : i32, i32
  }
  func.func @transform_4(%arg0: i32) -> (i32, i32) {
    %c0_i32 = arith.constant 0 : i32
    %c0_i32_0 = arith.constant 0 : i32
    %c0_i32_1 = arith.constant 0 : i32
    return %c0_i32, %c0_i32_0 : i32, i32
  }
  func.func @transform_5(%arg0: i32) -> (i32, i32) {
    %c0_i32 = arith.constant 0 : i32
    %c0_i32_0 = arith.constant 0 : i32
    %c0_i32_1 = arith.constant 0 : i32
    return %c0_i32, %c0_i32_0 : i32, i32
  }
  func.func @transform_6(%arg0: i32) -> (i32, i32) {
    %c0_i32 = arith.constant 0 : i32
    %c0_i32_0 = arith.constant 0 : i32
    %c0_i32_1 = arith.constant 0 : i32
    return %c0_i32, %c0_i32_0 : i32, i32
  }
  func.func @transform_7(%arg0: i32) -> (i32, i32) {
    %c0_i32 = arith.constant 0 : i32
    %c0_i32_0 = arith.constant 0 : i32
    %c0_i32_1 = arith.constant 0 : i32
    return %c0_i32, %c0_i32_0 : i32, i32
  }
  func.func @transform_8(%arg0: i32) -> (i32, i32) {
    %c0_i32 = arith.constant 0 : i32
    %c0_i32_0 = arith.constant 0 : i32
    %c0_i32_1 = arith.constant 0 : i32
    return %c0_i32, %c0_i32_0 : i32, i32
  }
  func.func @transform_9(%arg0: i32) -> (i32, i32) {
    %c0_i32 = arith.constant 0 : i32
    %c0_i32_0 = arith.constant 0 : i32
    %c0_i32_1 = arith.constant 0 : i32
    return %c0_i32, %c0_i32_0 : i32, i32
  }
  func.func @transform_10(%arg0: i32) -> (i32, i32) {
    %c0_i32 = arith.constant 0 : i32
    %c0_i32_0 = arith.constant 0 : i32
    %c0_i32_1 = arith.constant 0 : i32
    return %c0_i32, %c0_i32_0 : i32, i32
  }
  func.func @transform_11(%arg0: i32) -> (i32, i32) {
    %c0_i32 = arith.constant 0 : i32
    %c0_i32_0 = arith.constant 0 : i32
    %c0_i32_1 = arith.constant 0 : i32
    return %c0_i32, %c0_i32_0 : i32, i32
  }
  func.func @transform_12(%arg0: i32) -> (i32, i32) {
    %c0_i32 = arith.constant 0 : i32
    %c0_i32_0 = arith.constant 0 : i32
    %c0_i32_1 = arith.constant 0 : i32
    return %c0_i32, %c0_i32_0 : i32, i32
  }
  func.func @transform_13(%arg0: i32) -> (i32, i32) {
    %c0_i32 = arith.constant 0 : i32
    %c0_i32_0 = arith.constant 0 : i32
    %c0_i32_1 = arith.constant 0 : i32
    return %c0_i32, %c0_i32_0 : i32, i32
  }
  func.func @transform_14(%arg0: i32) -> (i32, i32) {
    %c0_i32 = arith.constant 0 : i32
    %c0_i32_0 = arith.constant 0 : i32
    %c0_i32_1 = arith.constant 0 : i32
    return %c0_i32, %c0_i32_0 : i32, i32
  }
  func.func @transform_15(%arg0: i32) -> (i32, i32) {
    %c0_i32 = arith.constant 0 : i32
    %c0_i32_0 = arith.constant 0 : i32
    %c0_i32_1 = arith.constant 0 : i32
    return %c0_i32, %c0_i32_0 : i32, i32
  }
  func.func @transform_16(%arg0: i32) -> (i32, i32) {
    %c0_i32 = arith.constant 0 : i32
    %c0_i32_0 = arith.constant 0 : i32
    return %arg0, %c0_i32 : i32, i32
  }
}

module attributes {stable_mosaic.version = 14 : i64} {
  func.func @_edge_body(%arg0: i32, %arg1: memref<1280x128xf32, #tpu.memory_space<vmem>>, %arg2: memref<1280x128xf32, #tpu.memory_space<vmem>>, %arg3: memref<1x1280xf32, #tpu.memory_space<vmem>>, %arg4: memref<1x16xf32, #tpu.memory_space<vmem>>, %arg5: memref<16x128xf32, #tpu.memory_space<vmem>>, %arg6: memref<1x128xf32, #tpu.memory_space<vmem>>, %arg7: memref<128x128xbf16, #tpu.memory_space<vmem>>, %arg8: memref<128x128xbf16, #tpu.memory_space<vmem>>, %arg9: memref<128x128xbf16, #tpu.memory_space<vmem>>, %arg10: memref<1x128xf32, #tpu.memory_space<vmem>>, %arg11: memref<128x128xbf16, #tpu.memory_space<vmem>>, %arg12: memref<1x128xf32, #tpu.memory_space<vmem>>, %arg13: memref<128x128xbf16, #tpu.memory_space<vmem>>, %arg14: memref<1x128xf32, #tpu.memory_space<vmem>>, %arg15: memref<128x128xbf16, #tpu.memory_space<vmem>>, %arg16: memref<1x128xf32, #tpu.memory_space<vmem>>, %arg17: memref<1280x128xf32, #tpu.memory_space<vmem>>) attributes {dimension_semantics = [#tpu.dimension_semantics<arbitrary>], iteration_bounds = array<i64: 125>, scalar_prefetch = 0 : i64, scratch_operands = 0 : i64, tpu.core_type = #tpu.core_type<tc>, window_params = [{transform_indices = @transform_0, window_bounds = array<i64: 1280, 128>}, {transform_indices = @transform_1, window_bounds = array<i64: 1280, 128>}, {transform_indices = @transform_2, window_bounds = array<i64: 1, 1280>}, {pipeline_mode = #tpu.pipeline_mode<synchronous>, transform_indices = @transform_3, window_bounds = array<i64: 1, 16>}, {pipeline_mode = #tpu.pipeline_mode<synchronous>, transform_indices = @transform_4, window_bounds = array<i64: 16, 128>}, {pipeline_mode = #tpu.pipeline_mode<synchronous>, transform_indices = @transform_5, window_bounds = array<i64: 1, 128>}, {pipeline_mode = #tpu.pipeline_mode<synchronous>, transform_indices = @transform_6, window_bounds = array<i64: 128, 128>}, {pipeline_mode = #tpu.pipeline_mode<synchronous>, transform_indices = @transform_7, window_bounds = array<i64: 128, 128>}, {pipeline_mode = #tpu.pipeline_mode<synchronous>, transform_indices = @transform_8, window_bounds = array<i64: 128, 128>}, {pipeline_mode = #tpu.pipeline_mode<synchronous>, transform_indices = @transform_9, window_bounds = array<i64: 1, 128>}, {pipeline_mode = #tpu.pipeline_mode<synchronous>, transform_indices = @transform_10, window_bounds = array<i64: 128, 128>}, {pipeline_mode = #tpu.pipeline_mode<synchronous>, transform_indices = @transform_11, window_bounds = array<i64: 1, 128>}, {pipeline_mode = #tpu.pipeline_mode<synchronous>, transform_indices = @transform_12, window_bounds = array<i64: 128, 128>}, {pipeline_mode = #tpu.pipeline_mode<synchronous>, transform_indices = @transform_13, window_bounds = array<i64: 1, 128>}, {pipeline_mode = #tpu.pipeline_mode<synchronous>, transform_indices = @transform_14, window_bounds = array<i64: 128, 128>}, {pipeline_mode = #tpu.pipeline_mode<synchronous>, transform_indices = @transform_15, window_bounds = array<i64: 1, 128>}, {transform_indices = @transform_16, window_bounds = array<i64: 1280, 128>}]} {
    %get3A = arith.constant 0 : index
    %get3A_0 = arith.constant 0 : index
    %get3A_1 = vector.load %arg4[%get3A, %get3A_0] : memref<1x16xf32, #tpu.memory_space<vmem>>, vector<1x16xf32>
    %get3A_2 = arith.constant 0 : index
    %get3A_3 = arith.constant 0 : index
    %get3A_4 = vector.load %arg5[%get3A_2, %get3A_3] : memref<16x128xf32, #tpu.memory_space<vmem>>, vector<16x128xf32>
    %dot_general3A = arith.constant dense<0.000000e+00> : vector<1x128xf32>
    %dot_general3A_5 = tpu.matmul %get3A_1, %get3A_4, %dot_general3A {dimension_numbers = #tpu.dot_dimension_numbers<[1], [0], [0], [1], [0, 0, 1, 1], [], []>, transpose_lhs_hint = false} : vector<1x16xf32>, vector<16x128xf32>, vector<1x128xf32> -> vector<1x128xf32>
    %get3A_6 = arith.constant 0 : index
    %get3A_7 = arith.constant 0 : index
    %get3A_8 = vector.load %arg6[%get3A_6, %get3A_7] : memref<1x128xf32, #tpu.memory_space<vmem>>, vector<1x128xf32>
    %add3A = arith.addf %dot_general3A_5, %get3A_8 : vector<1x128xf32>
    %convert_element_type3A = arith.truncf %add3A : vector<1x128xf32> to vector<1x128xbf16>
    %get3A_9 = arith.constant 0 : index
    %get3A_10 = arith.constant 0 : index
    %get3A_11 = vector.load %arg10[%get3A_9, %get3A_10] : memref<1x128xf32, #tpu.memory_space<vmem>>, vector<1x128xf32>
    %get3A_12 = arith.constant 0 : index
    %get3A_13 = arith.constant 0 : index
    %get3A_14 = vector.load %arg7[%get3A_12, %get3A_13] : memref<128x128xbf16, #tpu.memory_space<vmem>>, vector<128x128xbf16>
    %dot_general3A_15 = arith.constant dense<0.000000e+00> : vector<1x128xf32>
    %dot_general3A_16 = tpu.matmul %convert_element_type3A, %get3A_14, %dot_general3A_15 {dimension_numbers = #tpu.dot_dimension_numbers<[1], [0], [0], [1], [0, 0, 1, 1], [], []>, transpose_lhs_hint = false} : vector<1x128xbf16>, vector<128x128xbf16>, vector<1x128xf32> -> vector<1x128xf32>
    %add3A_17 = arith.addf %get3A_11, %dot_general3A_16 : vector<1x128xf32>
    %get3A_18 = arith.constant 0 : index
    %get3A_19 = arith.constant 0 : index
    %get3A_20 = vector.load %arg8[%get3A_18, %get3A_19] : memref<128x128xbf16, #tpu.memory_space<vmem>>, vector<128x128xbf16>
    %dot_general3A_21 = arith.constant dense<0.000000e+00> : vector<1x128xf32>
    %dot_general3A_22 = tpu.matmul %convert_element_type3A, %get3A_20, %dot_general3A_21 {dimension_numbers = #tpu.dot_dimension_numbers<[1], [0], [0], [1], [0, 0, 1, 1], [], []>, transpose_lhs_hint = false} : vector<1x128xbf16>, vector<128x128xbf16>, vector<1x128xf32> -> vector<1x128xf32>
    %add3A_23 = arith.addf %add3A_17, %dot_general3A_22 : vector<1x128xf32>
    %get3A_24 = arith.constant 0 : index
    %get3A_25 = arith.constant 0 : index
    %get3A_26 = vector.load %arg2[%get3A_24, %get3A_25] : memref<1280x128xf32, #tpu.memory_space<vmem>>, vector<1280x128xf32>
    %get3A_27 = arith.constant 0 : index
    %get3A_28 = arith.constant 0 : index
    %get3A_29 = vector.load %arg1[%get3A_27, %get3A_28] : memref<1280x128xf32, #tpu.memory_space<vmem>>, vector<1280x128xf32>
    %convert_element_type3A_30 = arith.truncf %get3A_26 : vector<1280x128xf32> to vector<1280x128xbf16>
    %get3A_31 = arith.constant 0 : index
    %get3A_32 = arith.constant 0 : index
    %get3A_33 = vector.load %arg9[%get3A_31, %get3A_32] : memref<128x128xbf16, #tpu.memory_space<vmem>>, vector<128x128xbf16>
    %dot_general3A_34 = arith.constant dense<0.000000e+00> : vector<1280x128xf32>
    %dot_general3A_35 = tpu.matmul %convert_element_type3A_30, %get3A_33, %dot_general3A_34 {dimension_numbers = #tpu.dot_dimension_numbers<[1], [0], [0], [1], [0, 0, 1, 1], [], []>, transpose_lhs_hint = false} : vector<1280x128xbf16>, vector<128x128xbf16>, vector<1280x128xf32> -> vector<1280x128xf32>
    %add3A_36 = arith.addf %get3A_29, %dot_general3A_35 : vector<1280x128xf32>
    %add3A_37 = vector.broadcast %add3A_23 : vector<1x128xf32> to vector<1280x128xf32>
    %add3A_38 = arith.addf %add3A_36, %add3A_37 : vector<1280x128xf32>
    %gt3A = arith.constant 0.000000e+00 : f32
    %gt3A_39 = vector.broadcast %gt3A : f32 to vector<1280x128xf32>
    %gt3A_40 = arith.cmpf ogt, %add3A_38, %gt3A_39 : vector<1280x128xf32>
    %exp3A = math.exp %add3A_38 : vector<1280x128xf32>
    %sub3A = arith.constant 1.000000e+00 : f32
    %sub3A_41 = vector.broadcast %sub3A : f32 to vector<1280x128xf32>
    %sub3A_42 = arith.subf %exp3A, %sub3A_41 : vector<1280x128xf32>
    %select_n3A = arith.select %gt3A_40, %add3A_38, %sub3A_42 : vector<1280x128xi1>, vector<1280x128xf32>
    %convert_element_type3A_43 = arith.truncf %select_n3A : vector<1280x128xf32> to vector<1280x128xbf16>
    %get3A_44 = arith.constant 0 : index
    %get3A_45 = arith.constant 0 : index
    %get3A_46 = vector.load %arg11[%get3A_44, %get3A_45] : memref<128x128xbf16, #tpu.memory_space<vmem>>, vector<128x128xbf16>
    %dot_general3A_47 = arith.constant dense<0.000000e+00> : vector<1280x128xf32>
    %dot_general3A_48 = tpu.matmul %convert_element_type3A_43, %get3A_46, %dot_general3A_47 {dimension_numbers = #tpu.dot_dimension_numbers<[1], [0], [0], [1], [0, 0, 1, 1], [], []>, transpose_lhs_hint = false} : vector<1280x128xbf16>, vector<128x128xbf16>, vector<1280x128xf32> -> vector<1280x128xf32>
    %get3A_49 = arith.constant 0 : index
    %get3A_50 = arith.constant 0 : index
    %get3A_51 = vector.load %arg12[%get3A_49, %get3A_50] : memref<1x128xf32, #tpu.memory_space<vmem>>, vector<1x128xf32>
    %add3A_52 = vector.broadcast %get3A_51 : vector<1x128xf32> to vector<1280x128xf32>
    %add3A_53 = arith.addf %dot_general3A_48, %add3A_52 : vector<1280x128xf32>
    %gt3A_54 = arith.constant 0.000000e+00 : f32
    %gt3A_55 = vector.broadcast %gt3A_54 : f32 to vector<1280x128xf32>
    %gt3A_56 = arith.cmpf ogt, %add3A_53, %gt3A_55 : vector<1280x128xf32>
    %exp3A_57 = math.exp %add3A_53 : vector<1280x128xf32>
    %sub3A_58 = arith.constant 1.000000e+00 : f32
    %sub3A_59 = vector.broadcast %sub3A_58 : f32 to vector<1280x128xf32>
    %sub3A_60 = arith.subf %exp3A_57, %sub3A_59 : vector<1280x128xf32>
    %select_n3A_61 = arith.select %gt3A_56, %add3A_53, %sub3A_60 : vector<1280x128xi1>, vector<1280x128xf32>
    %convert_element_type3A_62 = arith.truncf %select_n3A_61 : vector<1280x128xf32> to vector<1280x128xbf16>
    %get3A_63 = arith.constant 0 : index
    %get3A_64 = arith.constant 0 : index
    %get3A_65 = vector.load %arg13[%get3A_63, %get3A_64] : memref<128x128xbf16, #tpu.memory_space<vmem>>, vector<128x128xbf16>
    %dot_general3A_66 = arith.constant dense<0.000000e+00> : vector<1280x128xf32>
    %dot_general3A_67 = tpu.matmul %convert_element_type3A_62, %get3A_65, %dot_general3A_66 {dimension_numbers = #tpu.dot_dimension_numbers<[1], [0], [0], [1], [0, 0, 1, 1], [], []>, transpose_lhs_hint = false} : vector<1280x128xbf16>, vector<128x128xbf16>, vector<1280x128xf32> -> vector<1280x128xf32>
    %get3A_68 = arith.constant 0 : index
    %get3A_69 = arith.constant 0 : index
    %get3A_70 = vector.load %arg14[%get3A_68, %get3A_69] : memref<1x128xf32, #tpu.memory_space<vmem>>, vector<1x128xf32>
    %add3A_71 = vector.broadcast %get3A_70 : vector<1x128xf32> to vector<1280x128xf32>
    %add3A_72 = arith.addf %dot_general3A_67, %add3A_71 : vector<1280x128xf32>
    %gt3A_73 = arith.constant 0.000000e+00 : f32
    %gt3A_74 = vector.broadcast %gt3A_73 : f32 to vector<1280x128xf32>
    %gt3A_75 = arith.cmpf ogt, %add3A_72, %gt3A_74 : vector<1280x128xf32>
    %exp3A_76 = math.exp %add3A_72 : vector<1280x128xf32>
    %sub3A_77 = arith.constant 1.000000e+00 : f32
    %sub3A_78 = vector.broadcast %sub3A_77 : f32 to vector<1280x128xf32>
    %sub3A_79 = arith.subf %exp3A_76, %sub3A_78 : vector<1280x128xf32>
    %select_n3A_80 = arith.select %gt3A_75, %add3A_72, %sub3A_79 : vector<1280x128xi1>, vector<1280x128xf32>
    %convert_element_type3A_81 = arith.truncf %select_n3A_80 : vector<1280x128xf32> to vector<1280x128xbf16>
    %get3A_82 = arith.constant 0 : index
    %get3A_83 = arith.constant 0 : index
    %get3A_84 = vector.load %arg15[%get3A_82, %get3A_83] : memref<128x128xbf16, #tpu.memory_space<vmem>>, vector<128x128xbf16>
    %dot_general3A_85 = arith.constant dense<0.000000e+00> : vector<1280x128xf32>
    %dot_general3A_86 = tpu.matmul %convert_element_type3A_81, %get3A_84, %dot_general3A_85 {dimension_numbers = #tpu.dot_dimension_numbers<[1], [0], [0], [1], [0, 0, 1, 1], [], []>, transpose_lhs_hint = false} : vector<1280x128xbf16>, vector<128x128xbf16>, vector<1280x128xf32> -> vector<1280x128xf32>
    %get3A_87 = arith.constant 0 : index
    %get3A_88 = arith.constant 0 : index
    %get3A_89 = vector.load %arg16[%get3A_87, %get3A_88] : memref<1x128xf32, #tpu.memory_space<vmem>>, vector<1x128xf32>
    %add3A_90 = vector.broadcast %get3A_89 : vector<1x128xf32> to vector<1280x128xf32>
    %add3A_91 = arith.addf %dot_general3A_86, %add3A_90 : vector<1280x128xf32>
    %add3A_92 = arith.addf %get3A_26, %add3A_91 : vector<1280x128xf32>
    %get3A_93 = arith.constant 0 : index
    %get3A_94 = arith.constant 0 : index
    %get3A_95 = vector.load %arg3[%get3A_93, %get3A_94] : memref<1x1280xf32, #tpu.memory_space<vmem>>, vector<1x1280xf32>
    %transpose3A = tpu.transpose %get3A_95, [1, 0] : vector<1x1280xf32> -> vector<1280x1xf32>
    %mul3A = vector.broadcast %transpose3A : vector<1280x1xf32> to vector<1280x128xf32>
    %mul3A_96 = arith.mulf %add3A_92, %mul3A : vector<1280x128xf32>
    %swap3A = arith.constant 0 : index
    %swap3A_97 = arith.constant 0 : index
    %swap3A_98 = vector.load %arg17[%swap3A, %swap3A_97] : memref<1280x128xf32, #tpu.memory_space<vmem>>, vector<1280x128xf32>
    tpu.vector_store %arg17[%swap3A, %swap3A_97], %mul3A_96 {strides = array<i32>} : memref<1280x128xf32, #tpu.memory_space<vmem>>, vector<1280x128xf32>,
    return
  }
  func.func @transform_0(%arg0: i32) -> (i32, i32) {
    %c0_i32 = arith.constant 0 : i32
    %c0_i32_0 = arith.constant 0 : i32
    return %arg0, %c0_i32 : i32, i32
  }
  func.func @transform_1(%arg0: i32) -> (i32, i32) {
    %add3A = arith.constant 0 : i32
    %add3A_0 = arith.addi %arg0, %add3A : i32
    %c0_i32 = arith.constant 0 : i32
    %c0_i32_1 = arith.constant 0 : i32
    return %add3A_0, %c0_i32 : i32, i32
  }
  func.func @transform_2(%arg0: i32) -> (i32, i32) {
    %add3A = arith.constant 0 : i32
    %add3A_0 = arith.addi %arg0, %add3A : i32
    %c0_i32 = arith.constant 0 : i32
    %c0_i32_1 = arith.constant 0 : i32
    return %c0_i32, %add3A_0 : i32, i32
  }
  func.func @transform_3(%arg0: i32) -> (i32, i32) {
    %c0_i32 = arith.constant 0 : i32
    %c0_i32_0 = arith.constant 0 : i32
    %c0_i32_1 = arith.constant 0 : i32
    return %c0_i32, %c0_i32_0 : i32, i32
  }
  func.func @transform_4(%arg0: i32) -> (i32, i32) {
    %c0_i32 = arith.constant 0 : i32
    %c0_i32_0 = arith.constant 0 : i32
    %c0_i32_1 = arith.constant 0 : i32
    return %c0_i32, %c0_i32_0 : i32, i32
  }
  func.func @transform_5(%arg0: i32) -> (i32, i32) {
    %c0_i32 = arith.constant 0 : i32
    %c0_i32_0 = arith.constant 0 : i32
    %c0_i32_1 = arith.constant 0 : i32
    return %c0_i32, %c0_i32_0 : i32, i32
  }
  func.func @transform_6(%arg0: i32) -> (i32, i32) {
    %c0_i32 = arith.constant 0 : i32
    %c0_i32_0 = arith.constant 0 : i32
    %c0_i32_1 = arith.constant 0 : i32
    return %c0_i32, %c0_i32_0 : i32, i32
  }
  func.func @transform_7(%arg0: i32) -> (i32, i32) {
    %c0_i32 = arith.constant 0 : i32
    %c0_i32_0 = arith.constant 0 : i32
    %c0_i32_1 = arith.constant 0 : i32
    return %c0_i32, %c0_i32_0 : i32, i32
  }
  func.func @transform_8(%arg0: i32) -> (i32, i32) {
    %c0_i32 = arith.constant 0 : i32
    %c0_i32_0 = arith.constant 0 : i32
    %c0_i32_1 = arith.constant 0 : i32
    return %c0_i32, %c0_i32_0 : i32, i32
  }
  func.func @transform_9(%arg0: i32) -> (i32, i32) {
    %c0_i32 = arith.constant 0 : i32
    %c0_i32_0 = arith.constant 0 : i32
    %c0_i32_1 = arith.constant 0 : i32
    return %c0_i32, %c0_i32_0 : i32, i32
  }
  func.func @transform_10(%arg0: i32) -> (i32, i32) {
    %c0_i32 = arith.constant 0 : i32
    %c0_i32_0 = arith.constant 0 : i32
    %c0_i32_1 = arith.constant 0 : i32
    return %c0_i32, %c0_i32_0 : i32, i32
  }
  func.func @transform_11(%arg0: i32) -> (i32, i32) {
    %c0_i32 = arith.constant 0 : i32
    %c0_i32_0 = arith.constant 0 : i32
    %c0_i32_1 = arith.constant 0 : i32
    return %c0_i32, %c0_i32_0 : i32, i32
  }
  func.func @transform_12(%arg0: i32) -> (i32, i32) {
    %c0_i32 = arith.constant 0 : i32
    %c0_i32_0 = arith.constant 0 : i32
    %c0_i32_1 = arith.constant 0 : i32
    return %c0_i32, %c0_i32_0 : i32, i32
  }
  func.func @transform_13(%arg0: i32) -> (i32, i32) {
    %c0_i32 = arith.constant 0 : i32
    %c0_i32_0 = arith.constant 0 : i32
    %c0_i32_1 = arith.constant 0 : i32
    return %c0_i32, %c0_i32_0 : i32, i32
  }
  func.func @transform_14(%arg0: i32) -> (i32, i32) {
    %c0_i32 = arith.constant 0 : i32
    %c0_i32_0 = arith.constant 0 : i32
    %c0_i32_1 = arith.constant 0 : i32
    return %c0_i32, %c0_i32_0 : i32, i32
  }
  func.func @transform_15(%arg0: i32) -> (i32, i32) {
    %c0_i32 = arith.constant 0 : i32
    %c0_i32_0 = arith.constant 0 : i32
    %c0_i32_1 = arith.constant 0 : i32
    return %c0_i32, %c0_i32_0 : i32, i32
  }
  func.func @transform_16(%arg0: i32) -> (i32, i32) {
    %c0_i32 = arith.constant 0 : i32
    %c0_i32_0 = arith.constant 0 : i32
    return %arg0, %c0_i32 : i32, i32
  }
}

module attributes {stable_mosaic.version = 14 : i64} {
  func.func @_node_body(%arg0: i32, %arg1: memref<2000x128xf32, #tpu.memory_space<vmem>>, %arg2: memref<4x2000x128xf32, #tpu.memory_space<vmem>>, %arg3: memref<1x16xf32, #tpu.memory_space<vmem>>, %arg4: memref<16x128xf32, #tpu.memory_space<vmem>>, %arg5: memref<1x128xf32, #tpu.memory_space<vmem>>, %arg6: memref<128x128xbf16, #tpu.memory_space<vmem>>, %arg7: memref<128x128xbf16, #tpu.memory_space<vmem>>, %arg8: memref<1x128xf32, #tpu.memory_space<vmem>>, %arg9: memref<128x128xbf16, #tpu.memory_space<vmem>>, %arg10: memref<1x128xf32, #tpu.memory_space<vmem>>, %arg11: memref<128x128xbf16, #tpu.memory_space<vmem>>, %arg12: memref<1x128xf32, #tpu.memory_space<vmem>>, %arg13: memref<128x128xbf16, #tpu.memory_space<vmem>>, %arg14: memref<1x128xf32, #tpu.memory_space<vmem>>, %arg15: memref<2000x128xf32, #tpu.memory_space<vmem>>) attributes {dimension_semantics = [#tpu.dimension_semantics<arbitrary>], iteration_bounds = array<i64: 5>, scalar_prefetch = 0 : i64, scratch_operands = 0 : i64, tpu.core_type = #tpu.core_type<tc>, window_params = [{transform_indices = @transform_0, window_bounds = array<i64: 2000, 128>}, {transform_indices = @transform_1, window_bounds = array<i64: 4, 2000, 128>}, {pipeline_mode = #tpu.pipeline_mode<synchronous>, transform_indices = @transform_2, window_bounds = array<i64: 1, 16>}, {pipeline_mode = #tpu.pipeline_mode<synchronous>, transform_indices = @transform_3, window_bounds = array<i64: 16, 128>}, {pipeline_mode = #tpu.pipeline_mode<synchronous>, transform_indices = @transform_4, window_bounds = array<i64: 1, 128>}, {pipeline_mode = #tpu.pipeline_mode<synchronous>, transform_indices = @transform_5, window_bounds = array<i64: 128, 128>}, {pipeline_mode = #tpu.pipeline_mode<synchronous>, transform_indices = @transform_6, window_bounds = array<i64: 128, 128>}, {pipeline_mode = #tpu.pipeline_mode<synchronous>, transform_indices = @transform_7, window_bounds = array<i64: 1, 128>}, {pipeline_mode = #tpu.pipeline_mode<synchronous>, transform_indices = @transform_8, window_bounds = array<i64: 128, 128>}, {pipeline_mode = #tpu.pipeline_mode<synchronous>, transform_indices = @transform_9, window_bounds = array<i64: 1, 128>}, {pipeline_mode = #tpu.pipeline_mode<synchronous>, transform_indices = @transform_10, window_bounds = array<i64: 128, 128>}, {pipeline_mode = #tpu.pipeline_mode<synchronous>, transform_indices = @transform_11, window_bounds = array<i64: 1, 128>}, {pipeline_mode = #tpu.pipeline_mode<synchronous>, transform_indices = @transform_12, window_bounds = array<i64: 128, 128>}, {pipeline_mode = #tpu.pipeline_mode<synchronous>, transform_indices = @transform_13, window_bounds = array<i64: 1, 128>}, {transform_indices = @transform_14, window_bounds = array<i64: 2000, 128>}]} {
    %get3A = arith.constant 0 : index
    %get3A_0 = arith.constant 0 : index
    %get3A_1 = vector.load %arg3[%get3A, %get3A_0] : memref<1x16xf32, #tpu.memory_space<vmem>>, vector<1x16xf32>
    %get3A_2 = arith.constant 0 : index
    %get3A_3 = arith.constant 0 : index
    %get3A_4 = vector.load %arg4[%get3A_2, %get3A_3] : memref<16x128xf32, #tpu.memory_space<vmem>>, vector<16x128xf32>
    %dot_general3A = arith.constant dense<0.000000e+00> : vector<1x128xf32>
    %dot_general3A_5 = tpu.matmul %get3A_1, %get3A_4, %dot_general3A {dimension_numbers = #tpu.dot_dimension_numbers<[1], [0], [0], [1], [0, 0, 1, 1], [], []>, transpose_lhs_hint = false} : vector<1x16xf32>, vector<16x128xf32>, vector<1x128xf32> -> vector<1x128xf32>
    %get3A_6 = arith.constant 0 : index
    %get3A_7 = arith.constant 0 : index
    %get3A_8 = vector.load %arg5[%get3A_6, %get3A_7] : memref<1x128xf32, #tpu.memory_space<vmem>>, vector<1x128xf32>
    %add3A = arith.addf %dot_general3A_5, %get3A_8 : vector<1x128xf32>
    %get3A_9 = arith.constant 0 : index
    %get3A_10 = arith.constant 0 : index
    %get3A_11 = vector.load %arg1[%get3A_9, %get3A_10] : memref<2000x128xf32, #tpu.memory_space<vmem>>, vector<2000x128xf32>
    %add3A_12 = vector.broadcast %add3A : vector<1x128xf32> to vector<2000x128xf32>
    %add3A_13 = arith.addf %get3A_11, %add3A_12 : vector<2000x128xf32>
    %get3A_14 = arith.constant 0 : index
    %get3A_15 = arith.constant 0 : index
    %get3A_16 = arith.constant 0 : index
    %get3A_17 = vector.load %arg2[%get3A_14, %get3A_15, %get3A_16] : memref<4x2000x128xf32, #tpu.memory_space<vmem>>, vector<4x2000x128xf32>
    %reduce_sum3A = arith.constant dense<0.000000e+00> : vector<2000x128xf32>
    %reduce_sum3A_18 = vector.multi_reduction <add>, %get3A_17, %reduce_sum3A [0] : vector<4x2000x128xf32> to vector<2000x128xf32>
    %convert_element_type3A = arith.truncf %add3A_13 : vector<2000x128xf32> to vector<2000x128xbf16>
    %get3A_19 = arith.constant 0 : index
    %get3A_20 = arith.constant 0 : index
    %get3A_21 = vector.load %arg6[%get3A_19, %get3A_20] : memref<128x128xbf16, #tpu.memory_space<vmem>>, vector<128x128xbf16>
    %dot_general3A_22 = arith.constant dense<0.000000e+00> : vector<2000x128xf32>
    %dot_general3A_23 = tpu.matmul %convert_element_type3A, %get3A_21, %dot_general3A_22 {dimension_numbers = #tpu.dot_dimension_numbers<[1], [0], [0], [1], [0, 0, 1, 1], [], []>, transpose_lhs_hint = false} : vector<2000x128xbf16>, vector<128x128xbf16>, vector<2000x128xf32> -> vector<2000x128xf32>
    %convert_element_type3A_24 = arith.truncf %reduce_sum3A_18 : vector<2000x128xf32> to vector<2000x128xbf16>
    %get3A_25 = arith.constant 0 : index
    %get3A_26 = arith.constant 0 : index
    %get3A_27 = vector.load %arg7[%get3A_25, %get3A_26] : memref<128x128xbf16, #tpu.memory_space<vmem>>, vector<128x128xbf16>
    %dot_general3A_28 = arith.constant dense<0.000000e+00> : vector<2000x128xf32>
    %dot_general3A_29 = tpu.matmul %convert_element_type3A_24, %get3A_27, %dot_general3A_28 {dimension_numbers = #tpu.dot_dimension_numbers<[1], [0], [0], [1], [0, 0, 1, 1], [], []>, transpose_lhs_hint = false} : vector<2000x128xbf16>, vector<128x128xbf16>, vector<2000x128xf32> -> vector<2000x128xf32>
    %add3A_30 = arith.addf %dot_general3A_23, %dot_general3A_29 : vector<2000x128xf32>
    %get3A_31 = arith.constant 0 : index
    %get3A_32 = arith.constant 0 : index
    %get3A_33 = vector.load %arg8[%get3A_31, %get3A_32] : memref<1x128xf32, #tpu.memory_space<vmem>>, vector<1x128xf32>
    %add3A_34 = vector.broadcast %get3A_33 : vector<1x128xf32> to vector<2000x128xf32>
    %add3A_35 = arith.addf %add3A_30, %add3A_34 : vector<2000x128xf32>
    %gt3A = arith.constant 0.000000e+00 : f32
    %gt3A_36 = vector.broadcast %gt3A : f32 to vector<2000x128xf32>
    %gt3A_37 = arith.cmpf ogt, %add3A_35, %gt3A_36 : vector<2000x128xf32>
    %exp3A = math.exp %add3A_35 : vector<2000x128xf32>
    %sub3A = arith.constant 1.000000e+00 : f32
    %sub3A_38 = vector.broadcast %sub3A : f32 to vector<2000x128xf32>
    %sub3A_39 = arith.subf %exp3A, %sub3A_38 : vector<2000x128xf32>
    %select_n3A = arith.select %gt3A_37, %add3A_35, %sub3A_39 : vector<2000x128xi1>, vector<2000x128xf32>
    %convert_element_type3A_40 = arith.truncf %select_n3A : vector<2000x128xf32> to vector<2000x128xbf16>
    %get3A_41 = arith.constant 0 : index
    %get3A_42 = arith.constant 0 : index
    %get3A_43 = vector.load %arg9[%get3A_41, %get3A_42] : memref<128x128xbf16, #tpu.memory_space<vmem>>, vector<128x128xbf16>
    %dot_general3A_44 = arith.constant dense<0.000000e+00> : vector<2000x128xf32>
    %dot_general3A_45 = tpu.matmul %convert_element_type3A_40, %get3A_43, %dot_general3A_44 {dimension_numbers = #tpu.dot_dimension_numbers<[1], [0], [0], [1], [0, 0, 1, 1], [], []>, transpose_lhs_hint = false} : vector<2000x128xbf16>, vector<128x128xbf16>, vector<2000x128xf32> -> vector<2000x128xf32>
    %get3A_46 = arith.constant 0 : index
    %get3A_47 = arith.constant 0 : index
    %get3A_48 = vector.load %arg10[%get3A_46, %get3A_47] : memref<1x128xf32, #tpu.memory_space<vmem>>, vector<1x128xf32>
    %add3A_49 = vector.broadcast %get3A_48 : vector<1x128xf32> to vector<2000x128xf32>
    %add3A_50 = arith.addf %dot_general3A_45, %add3A_49 : vector<2000x128xf32>
    %gt3A_51 = arith.constant 0.000000e+00 : f32
    %gt3A_52 = vector.broadcast %gt3A_51 : f32 to vector<2000x128xf32>
    %gt3A_53 = arith.cmpf ogt, %add3A_50, %gt3A_52 : vector<2000x128xf32>
    %exp3A_54 = math.exp %add3A_50 : vector<2000x128xf32>
    %sub3A_55 = arith.constant 1.000000e+00 : f32
    %sub3A_56 = vector.broadcast %sub3A_55 : f32 to vector<2000x128xf32>
    %sub3A_57 = arith.subf %exp3A_54, %sub3A_56 : vector<2000x128xf32>
    %select_n3A_58 = arith.select %gt3A_53, %add3A_50, %sub3A_57 : vector<2000x128xi1>, vector<2000x128xf32>
    %convert_element_type3A_59 = arith.truncf %select_n3A_58 : vector<2000x128xf32> to vector<2000x128xbf16>
    %get3A_60 = arith.constant 0 : index
    %get3A_61 = arith.constant 0 : index
    %get3A_62 = vector.load %arg11[%get3A_60, %get3A_61] : memref<128x128xbf16, #tpu.memory_space<vmem>>, vector<128x128xbf16>
    %dot_general3A_63 = arith.constant dense<0.000000e+00> : vector<2000x128xf32>
    %dot_general3A_64 = tpu.matmul %convert_element_type3A_59, %get3A_62, %dot_general3A_63 {dimension_numbers = #tpu.dot_dimension_numbers<[1], [0], [0], [1], [0, 0, 1, 1], [], []>, transpose_lhs_hint = false} : vector<2000x128xbf16>, vector<128x128xbf16>, vector<2000x128xf32> -> vector<2000x128xf32>
    %get3A_65 = arith.constant 0 : index
    %get3A_66 = arith.constant 0 : index
    %get3A_67 = vector.load %arg12[%get3A_65, %get3A_66] : memref<1x128xf32, #tpu.memory_space<vmem>>, vector<1x128xf32>
    %add3A_68 = vector.broadcast %get3A_67 : vector<1x128xf32> to vector<2000x128xf32>
    %add3A_69 = arith.addf %dot_general3A_64, %add3A_68 : vector<2000x128xf32>
    %gt3A_70 = arith.constant 0.000000e+00 : f32
    %gt3A_71 = vector.broadcast %gt3A_70 : f32 to vector<2000x128xf32>
    %gt3A_72 = arith.cmpf ogt, %add3A_69, %gt3A_71 : vector<2000x128xf32>
    %exp3A_73 = math.exp %add3A_69 : vector<2000x128xf32>
    %sub3A_74 = arith.constant 1.000000e+00 : f32
    %sub3A_75 = vector.broadcast %sub3A_74 : f32 to vector<2000x128xf32>
    %sub3A_76 = arith.subf %exp3A_73, %sub3A_75 : vector<2000x128xf32>
    %select_n3A_77 = arith.select %gt3A_72, %add3A_69, %sub3A_76 : vector<2000x128xi1>, vector<2000x128xf32>
    %convert_element_type3A_78 = arith.truncf %select_n3A_77 : vector<2000x128xf32> to vector<2000x128xbf16>
    %get3A_79 = arith.constant 0 : index
    %get3A_80 = arith.constant 0 : index
    %get3A_81 = vector.load %arg13[%get3A_79, %get3A_80] : memref<128x128xbf16, #tpu.memory_space<vmem>>, vector<128x128xbf16>
    %dot_general3A_82 = arith.constant dense<0.000000e+00> : vector<2000x128xf32>
    %dot_general3A_83 = tpu.matmul %convert_element_type3A_78, %get3A_81, %dot_general3A_82 {dimension_numbers = #tpu.dot_dimension_numbers<[1], [0], [0], [1], [0, 0, 1, 1], [], []>, transpose_lhs_hint = false} : vector<2000x128xbf16>, vector<128x128xbf16>, vector<2000x128xf32> -> vector<2000x128xf32>
    %get3A_84 = arith.constant 0 : index
    %get3A_85 = arith.constant 0 : index
    %get3A_86 = vector.load %arg14[%get3A_84, %get3A_85] : memref<1x128xf32, #tpu.memory_space<vmem>>, vector<1x128xf32>
    %add3A_87 = vector.broadcast %get3A_86 : vector<1x128xf32> to vector<2000x128xf32>
    %add3A_88 = arith.addf %dot_general3A_83, %add3A_87 : vector<2000x128xf32>
    %add3A_89 = arith.addf %add3A_13, %add3A_88 : vector<2000x128xf32>
    %swap3A = arith.constant 0 : index
    %swap3A_90 = arith.constant 0 : index
    %swap3A_91 = vector.load %arg15[%swap3A, %swap3A_90] : memref<2000x128xf32, #tpu.memory_space<vmem>>, vector<2000x128xf32>
    tpu.vector_store %arg15[%swap3A, %swap3A_90], %add3A_89 {strides = array<i32>} : memref<2000x128xf32, #tpu.memory_space<vmem>>, vector<2000x128xf32>,
    return
  }
  func.func @transform_0(%arg0: i32) -> (i32, i32) {
    %c0_i32 = arith.constant 0 : i32
    %c0_i32_0 = arith.constant 0 : i32
    return %arg0, %c0_i32 : i32, i32
  }
  func.func @transform_1(%arg0: i32) -> (i32, i32, i32) {
    %c0_i32 = arith.constant 0 : i32
    %c0_i32_0 = arith.constant 0 : i32
    %c0_i32_1 = arith.constant 0 : i32
    return %c0_i32, %arg0, %c0_i32_0 : i32, i32, i32
  }
  func.func @transform_2(%arg0: i32) -> (i32, i32) {
    %c0_i32 = arith.constant 0 : i32
    %c0_i32_0 = arith.constant 0 : i32
    %c0_i32_1 = arith.constant 0 : i32
    return %c0_i32, %c0_i32_0 : i32, i32
  }
  func.func @transform_3(%arg0: i32) -> (i32, i32) {
    %c0_i32 = arith.constant 0 : i32
    %c0_i32_0 = arith.constant 0 : i32
    %c0_i32_1 = arith.constant 0 : i32
    return %c0_i32, %c0_i32_0 : i32, i32
  }
  func.func @transform_4(%arg0: i32) -> (i32, i32) {
    %c0_i32 = arith.constant 0 : i32
    %c0_i32_0 = arith.constant 0 : i32
    %c0_i32_1 = arith.constant 0 : i32
    return %c0_i32, %c0_i32_0 : i32, i32
  }
  func.func @transform_5(%arg0: i32) -> (i32, i32) {
    %c0_i32 = arith.constant 0 : i32
    %c0_i32_0 = arith.constant 0 : i32
    %c0_i32_1 = arith.constant 0 : i32
    return %c0_i32, %c0_i32_0 : i32, i32
  }
  func.func @transform_6(%arg0: i32) -> (i32, i32) {
    %c0_i32 = arith.constant 0 : i32
    %c0_i32_0 = arith.constant 0 : i32
    %c0_i32_1 = arith.constant 0 : i32
    return %c0_i32, %c0_i32_0 : i32, i32
  }
  func.func @transform_7(%arg0: i32) -> (i32, i32) {
    %c0_i32 = arith.constant 0 : i32
    %c0_i32_0 = arith.constant 0 : i32
    %c0_i32_1 = arith.constant 0 : i32
    return %c0_i32, %c0_i32_0 : i32, i32
  }
  func.func @transform_8(%arg0: i32) -> (i32, i32) {
    %c0_i32 = arith.constant 0 : i32
    %c0_i32_0 = arith.constant 0 : i32
    %c0_i32_1 = arith.constant 0 : i32
    return %c0_i32, %c0_i32_0 : i32, i32
  }
  func.func @transform_9(%arg0: i32) -> (i32, i32) {
    %c0_i32 = arith.constant 0 : i32
    %c0_i32_0 = arith.constant 0 : i32
    %c0_i32_1 = arith.constant 0 : i32
    return %c0_i32, %c0_i32_0 : i32, i32
  }
  func.func @transform_10(%arg0: i32) -> (i32, i32) {
    %c0_i32 = arith.constant 0 : i32
    %c0_i32_0 = arith.constant 0 : i32
    %c0_i32_1 = arith.constant 0 : i32
    return %c0_i32, %c0_i32_0 : i32, i32
  }
  func.func @transform_11(%arg0: i32) -> (i32, i32) {
    %c0_i32 = arith.constant 0 : i32
    %c0_i32_0 = arith.constant 0 : i32
    %c0_i32_1 = arith.constant 0 : i32
    return %c0_i32, %c0_i32_0 : i32, i32
  }
  func.func @transform_12(%arg0: i32) -> (i32, i32) {
    %c0_i32 = arith.constant 0 : i32
    %c0_i32_0 = arith.constant 0 : i32
    %c0_i32_1 = arith.constant 0 : i32
    return %c0_i32, %c0_i32_0 : i32, i32
  }
  func.func @transform_13(%arg0: i32) -> (i32, i32) {
    %c0_i32 = arith.constant 0 : i32
    %c0_i32_0 = arith.constant 0 : i32
    %c0_i32_1 = arith.constant 0 : i32
    return %c0_i32, %c0_i32_0 : i32, i32
  }
  func.func @transform_14(%arg0: i32) -> (i32, i32) {
    %c0_i32 = arith.constant 0 : i32
    %c0_i32_0 = arith.constant 0 : i32
    return %arg0, %c0_i32 : i32, i32
  }
}

</mosaic_0001>

<sc_bundles>
// kernel: kernel.10.cloned.1.call-start
scs
__scs_entry_jumppad:
0x0: {  	(pc) =	sbr.rel $0x88, $3  }
0x1: {  	(tag) =	ssettag $0x0;
	lr =	simm.s32 $0x1  }
0x2: {  	[smem:$0x3F92] =	sst lr;
	_ =	strace $0xD0000000  }
0x3: {  	_ = 	snop  }
0x4: {  	_ = 	snop  }
0x5: {  	_ = 	snop  }
0x6: {  	_ = 	snop  }
0x7: {  	_ = 	snop  }
__scs_overlays_trampoline_lowered:
0x8: {  	[smem:$0x3FA1] =	sst s0  }
0x9: {  	[smem:$0x3FA2] =	sst s1  }
0xa: {  	[smem:$0x3FA3] =	sst s2  }
0xb: {  	[smem:$0x3FA4] =	sst s3  }
0xc: {  	[smem:$0x3FA5] =	sst s4  }
0xd: {  	[smem:$0x3FA6] =	sst s5  }
0xe: {  	[smem:$0x3FA7] =	sst s6  }
0xf: {  	[smem:$0x3FA8] =	sst s7  }
0x10: {  	[smem:$0x3FA9] =	sst s8  }
0x11: {  	[smem:$0x3FAA] =	sst s9;
	s0 =	simm.s32 @!p0 $0x0  }
0x12: {  	s1 =	sld [smem:$0x3F90];
	s0 =	simm.s32 @p0 $0x1  }
0x13: {  	[smem:$0x3FAB] =	sst s0;
	s0 =	simm.s32 @!p1 $0x0  }
0x14: {  	s2 =	sld [smem:$0x3F8F];
	s0 =	simm.s32 @p1 $0x1  }
0x15: {  	[smem:$0x3FAC] =	sst s0;
	s0 =	simm.s32 @!p2 $0x0  }
0x16: {  	s3 =	sld [smem:$0x3FDB];
	s0 =	simm.s32 @p2 $0x1  }
0x17: {  	s4 =	simm.s32 $0x1BF5;
	[smem:$0x3FAE] =	sst s0  }
0x18: {  	s0 =	sld [smem:$0x3F91];
	_ =	swait.ge [sflag:s4], $0x0  }
0x19: {  	s7 =	sld [smem:$0x3F92]  }
0x1a: {  	s8 =	sadd.s32 $0xFFFFE003, lr  }
0x1b: {  	s9 =	sadd.s32 $0xFFFFFEF7, lr;
	s5 =	simm.s32 $0xFFFFFFFF;
	p2 =	slt.u32 s8, $0xFFFFF086  }
0x1c: {  	p1 =	slt.u32 s9, $0xF7A;
	s5 =	simm.s32 @!p2 $0x0  }
0x1d: {  	s5 =	simm.s32 @p1 $0x1;
	p0 =	seq.s32 s7, s2  }
0x1e: {  	s7 =	smul.u32 @!p0 $0xF7A, s2;
	p2 =	seq.s32 @!p0 s5, $0x0  }
0x1f: {  	s9 =	smul.u32 $0xF7A, s1;
	s8 =	simm.s32 @!p0 $0x1BF5;
	p2 =	por !p2, p0  }
0x20: {  	[sflag:s8] =	ssyncset.s32 @!p0 $0xFFFFF086;
	s6 =	sadd.s32 @!p0 s3, s7;
	s7 =	simm.s32 @!p0 $0x108  }
0x21: {  	s3 =	sadd.s32 s3, s9;
	s6 =	sadd.s32 @!p0 $0x88, s6;
	s7 =	simm.s32 @p2 $0x1082  }
0x22: {  	[simem:s7], [sflag:s8] =	dma.local @!p0 [hbm:s6], $0xF7A  }
0x23: {  	s9 =	sor.u32 $0xD0000000, s2;
	s6 =	simm.s32 $0x108;
	_ =	swait.ge @!p0 [sflag:s8], $0x0  }
0x24: {  	s3 =	sadd.s32 $0x88, s3;
	s6 =	simm.s32 @!p1 $0x1082;
	[sflag:s4] =	ssyncset.s32 $0xFFFFF086  }
0x25: {  	[simem:s6], [sflag:s4] =	dma.local [hbm:s3], $0xF7A  }
0x26: {  	[smem:$0x3F92] =	sst s1;
	(tag) =	ssettag s2;
	_ =	strace s9  }
0x27: {  	s1 =	sld [smem:$0x3FA2]  }
0x28: {  	s2 =	sld [smem:$0x3FA3]  }
0x29: {  	s4 =	sld [smem:$0x3FA5]  }
0x2a: {  	p0 =	seq.s32 s5, $0x0;
	s5 =	sld [smem:$0x3FA6]  }
0x2b: {  	s6 =	sld [smem:$0x3FA7]  }
0x2c: {  	s7 =	sld [smem:$0x3FA8]  }
0x2d: {  	s3 =	simm.s32 $0x108;
	s8 =	sld [smem:$0x3FA9]  }
0x2e: {  	s3 =	simm.s32 @!p0 $0x1082;
	s9 =	sld [smem:$0x3FAA]  }
0x2f: {  	lr =	sadd.s32 s0, s3;
	s0 =	sld [smem:$0x3FA1]  }
0x30: {  	s3 =	sld [smem:$0x3FA4]  }
0x31: {  	[smem:$0x3FAD] =	sst s10  }
0x32: {  	s10 =	sld [smem:$0x3FAB];
	_ =	sdelay $0x3  }
0x33: {  	p0 =	seq.s32 s10, $0x1;
	s10 =	sld [smem:$0x3FAD];
	_ =	sdelay $0x3  }
0x34: {  	[smem:$0x3FAD] =	sst s10  }
0x35: {  	s10 =	sld [smem:$0x3FAC];
	_ =	sdelay $0x3  }
0x36: {  	p1 =	seq.s32 s10, $0x1;
	s10 =	sld [smem:$0x3FAD];
	_ =	sdelay $0x3  }
0x37: {  	[smem:$0x3FAD] =	sst s10  }
0x38: {  	s10 =	sld [smem:$0x3FAE]  }
0x39: {  	_ = 	snop;
	(pc) =	sbr.ind lr, $3  }
0x3a: {  	_ = 	snop  }
0x3b: {  	_ = 	snop  }
0x3c: {  	p2 =	seq.s32 s10, $0x1;
	s10 =	sld [smem:$0x3FAD]  }
0x3d: {  	_ =	shalt  }
0x3e: {  	_ =	shalt  }
0x3f: {  	_ =	shalt  }
0x40: {  	_ =	shalt  }
0x41: {  	_ =	shalt  }
0x42: {  	_ =	shalt  }
0x43: {  	_ =	shalt  }
0x44: {  	_ =	shalt  }
0x45: {  	_ =	shalt  }
0x46: {  	_ =	shalt  }
0x47: {  	_ =	shalt  }
0x48: {  	_ =	shalt  }
0x49: {  	_ =	shalt  }
0x4a: {  	_ =	shalt  }
0x4b: {  	_ =	shalt  }
0x4c: {  	_ =	shalt  }
0x4d: {  	_ =	shalt  }
0x4e: {  	_ =	shalt  }
0x4f: {  	_ =	shalt  }
0x50: {  	_ =	shalt  }
0x51: {  	_ =	shalt  }
0x52: {  	_ =	shalt  }
0x53: {  	_ =	shalt  }
0x54: {  	_ =	shalt  }
0x55: {  	_ =	shalt  }
0x56: {  	_ =	shalt  }
0x57: {  	_ =	shalt  }
0x58: {  	_ =	shalt  }
0x59: {  	_ =	shalt  }
0x5a: {  	_ =	shalt  }
0x5b: {  	_ =	shalt  }
0x5c: {  	_ =	shalt  }
0x5d: {  	_ =	shalt  }
0x5e: {  	_ =	shalt  }
0x5f: {  	_ =	shalt  }
0x60: {  	_ =	shalt  }
0x61: {  	_ =	shalt  }
0x62: {  	_ =	shalt  }
0x63: {  	_ =	shalt  }
0x64: {  	_ =	shalt  }
0x65: {  	_ =	shalt  }
0x66: {  	_ =	shalt  }
0x67: {  	_ =	shalt  }
0x68: {  	_ =	shalt  }
0x69: {  	_ =	shalt  }
0x6a: {  	_ =	shalt  }
0x6b: {  	_ =	shalt  }
0x6c: {  	_ =	shalt  }
0x6d: {  	_ =	shalt  }
0x6e: {  	_ =	shalt  }
0x6f: {  	_ =	shalt  }
0x70: {  	_ =	shalt  }
0x71: {  	_ =	shalt  }
0x72: {  	_ =	shalt  }
0x73: {  	_ =	shalt  }
0x74: {  	_ =	shalt  }
0x75: {  	_ =	shalt  }
0x76: {  	_ =	shalt  }
0x77: {  	_ =	shalt  }
0x78: {  	_ =	shalt  }
0x79: {  	_ =	shalt  }
0x7a: {  	_ =	shalt  }
0x7b: {  	_ =	shalt  }
0x7c: {  	_ =	shalt  }
0x7d: {  	_ =	shalt  }
0x7e: {  	_ =	shalt  }
0x7f: {  	_ =	shalt  }
0x80: {  	_ =	shalt  }
0x81: {  	_ =	shalt  }
0x82: {  	_ =	shalt  }
0x83: {  	_ =	shalt  }
0x84: {  	_ =	shalt  }
0x85: {  	_ =	shalt  }
0x86: {  	_ =	shalt  }
0x87: {  	_ =	shalt  }
.Lfunc_end0:
.L_simem_size_0:
called_computation_lowered:
.L_overlay_start_0:
0x88: {  	s2 =	sld [smem:$0x3FD9]  }
0x89: {  	s3 =	sld [smem:$0x3FFE];
	_ =	sdelay $0x1  }
0x8a: {  	s1 =	srdreg.scid  }
0x8b: {  	s0 =	sand.u32 $0x1, s1  }
0x8c: {  	s15 =	sshll.u32 s0, $0xA;
	s2 =	sadd.s32 s3, s2  }
0x8d: {  	s2 =	sadd.s32 s2, s15  }
0x8e: {  	[smem:$0x3FB9] =	sst s2  }
0x8f: {  	_ = 	snop  }
0x90: {  	s2 =	sld [smem:$0x3FD0];
	_ =	sdelay $0x2  }
0x91: {  	s16 =	simm.s32 $0xB;
	s4 =	simm.s32 $0x10  }
0x92: {  	[smem:s4], [sflag:s16] =	dma.local [hbm:s2], $0x1  }
0x93: {  	_ =	swait.eq [sflag:s16], $0x1  }
0x94: {  	[sflag:s16] =	ssyncset.done $0x0  }
0x95: {  	s17 =	sld [smem:$0x10];
	[sflag:s16] =	ssyncadd.s32 $0xFFFFFFFF  }
0x96: {  	s18 =	sld [smem:$0x11];
	(tm) =	ssettm $0x1  }
0x97: {  	s19 =	sld [smem:$0x3FFB];
	_ =	sdelay $0x3  }
0x98: {  	_ =	strace s19  }
0x99: {  	s2 =	sld [smem:$0x3FFC];
	_ =	sdelay $0x3  }
0x9a: {  	_ =	strace s2  }
0x9b: {  	s2 =	sld [smem:$0x3FFD];
	_ =	sdelay $0x3  }
0x9c: {  	_ =	strace s2  }
0x9d: {  	_ =	strace $0x8FFFFFFF  }
0x9e: {  	s20 =	sld [smem:$0x3FDB];
	_ =	sdelay $0x1  }
0x9f: {  	s5 =	simm.s32 $_scs_section_size  }
0xa0: {  	s6 =	simm.s32 $_size__tile_overlayer_lowered;
	s7 =	simm.s32 $_tile_overlayer_lowered  }
0xa1: {  	s8 =	simm.s32 $0x1BFF;
	s21 =	sshll.u32 s7, $0x1;
	s5 =	sadd.s32 s5, s20  }
0xa2: {  	s22 =	simm.s32 $0x0;
	s6 =	sshll.u32 s6, $0x1;
	s7 =	sadd.s32 s21, s5  }
0xa3: {  	[timem:s22], [sflag:s8] =	dma.local [hbm:s7], s6  }
0xa4: {  	_ =	swait.ge [sflag:s8], s6  }
0xa5: {  	s6 =	ssub.s32 $0x0, s6;
	[sflag:s8] =	ssyncset.done $0x0  }
0xa6: {  	[sflag:s8] =	ssyncadd.s32 s6;
	_ =	sdelay $0x1  }
0xa7: {  	s23 =	simm.s32 $0x1B8B  }
0xa8: {  	_ =	swait.ge [sflag:s23], $0x1  }
0xa9: {  	[sflag:s23] =	ssyncset.done $0x0  }
0xaa: {  	[sflag:s23] =	ssyncadd.s32 $0xFFFFFFFF  }
0xab: {  	s6 =	sld [smem:$0x0]  }
0xac: {  	s7 =	sand.u32 $0xFFFFFFFE, s1  }
0xad: {  	p0 =	sne.s32 s1, s7  }
0xae: {  	s7 =	sshll.u32 @p0 s7, $0xE  }
0xaf: {  	s7 =	sadd.s32 @p0 $0x11B8D, s7;
	s8 =	sshll.u32 @p0 s6, $0x11  }
0xb0: {  	s7 =	sor.u32 @p0 s8, s7  }
0xb1: {  	[sflag:s7] =	ssyncadd.remote.s32 @p0 $0x1;
	_ =	sdelay $0x1  }
0xb2: {  	s7 =	simm.s32 @p0 $0x1B8D  }
0xb3: {  	_ =	swait.eq @p0 [sflag:s7], $0x1  }
0xb4: {  	[sflag:s7] =	ssyncadd.s32 @p0 $0xFFFFFFFF  }
0xb5: {  	s8 =	sshll.u32 @!p0 s1, $0xE  }
0xb6: {  	s8 =	sor.u32 @!p0 $0x4000, s8;
	s7 =	simm.s32 @!p0 $0x1B8D  }
0xb7: {  	s6 =	sshll.u32 @!p0 s6, $0x11;
	s8 =	sadd.s32 @!p0 $0x11B8D, s8;
	_ =	swait.eq @!p0 [sflag:s7], $0x1  }
0xb8: {  	s6 =	sor.u32 @!p0 s6, s8;
	[sflag:s7] =	ssyncadd.s32 @!p0 $0xFFFFFFFF  }
0xb9: {  	s25 =	simm.s32 $0x1B8E;
	s24 =	sld [smem:$0x3FFE];
	[sflag:s6] =	ssyncadd.remote.s32 @!p0 $0x1  }
0xba: {  	s26 =	simm.s32 $execute0_lowered;
	[smem:$0x3FD2] =	sst s25  }
0xbb: {  	s7 =	sshll.u32 s26, $0x1;
	_ =	strace $0x80000049;
	[dreg:$0x1] =	wrdreg $0xFFFFFFFF  }
0xbc: {  	s28 =	simm.s32 $_size_execute0_lowered;
	s5 =	sadd.s32 s5, s7;
	[dreg:$0x0] =	wrdreg $0x0  }
0xbd: {  	s7 =	sshll.u32 s28, $0x1;
	[dreg:$0x2] =	wrdreg s5  }
0xbe: {  	[dreg:$0x3] =	wrdreg s7  }
0xbf: {  	[dreg:$0x4] =	wrdreg $0xC0  }
0xc0: {  	_ =	task [dreg:s22], $0x5FFFF  }
0xc1: {  	[dreg:$0x1] =	wrdreg $0xFFFFFFFF  }
0xc2: {  	[dreg:$0x0] =	wrdreg $0x60  }
0xc3: {  	[dreg:$0x2] =	wrdreg s17  }
0xc4: {  	[dreg:$0x3] =	wrdreg s24  }
0xc5: {  	[dreg:$0x4] =	wrdreg s18  }
0xc6: {  	[dreg:$0x5] =	wrdreg $0x9  }
0xc7: {  	_ =	task.clear_ibuf [dreg:s22], $0x6FFFF;
	_ =	strace $0x90000049  }
0xc8: {  	s29 =	simm.s32 $0x9;
	_ =	strace $0x8000004B  }
0xc9: {  	_ =	swait.ge [sflag:s29], $0x1  }
0xca: {  	[sflag:s29] =	ssyncadd.s32 $0xFFFFFFFF  }
0xcb: {  	_ =	strace $0x9000004B  }
0xcc: {  	_ =	sfence  }
0xcd: {  	s30 =	sld [smem:$0x0];
	_ =	sdelay $0x2  }
0xce: {  	s31 =	sshll.u32 s1, $0xD;
	s1 =	sshrl.u32 s1, $0x2  }
0xcf: {  	s4 =	sand.u32 $0x4000, s31;
	s1 =	sadd.s32 s1, s30  }
0xd0: {  	s0 =	sor.u32 s4, s0;
	s1 =	sshll.u32 s1, $0x11  }
0xd1: {  	s0 =	sor.u32 s1, s0  }
0xd2: {  	s0 =	sadd.s32 $0x8F2B, s0  }
0xd3: {  	[sflag:s0] =	ssyncadd.remote.s32 $0x1  }
0xd4: {  	_ =	sfence.sel $0xFFFF  }
0xd5: {  	[dreg:$0x0] =	wrdreg $0xFFFFFFFF;
	(pc) =	sbr.abs _section_cstart, $3  }
0xd6: {  	[dreg:$0x1] =	wrdreg $0xFFFFFFFF  }
0xd7: {  	_ =	task.clear_ibuf [dreg:s22], $0x2FFFF;
	_ =	strace $0x9FFFFFFF  }
0xd8: {  	(tm) =	ssettm $0x7FFFFFFF  }
0xd9: {  	_ =	shalt  }
tec
execute0_lowered:
.L_overlay_start_1:
0x0: {  	(tag) =	ssettag $0x1  }
0x1: {  	s1 =	rddreg [dreg:$0x0]  }
0x2: {  	s0 =	rddreg [dreg:$0x1]  }
0x3: {  	s2 =	rddreg [dreg:$0x2]  }
0x4: {  	s3 =	simm.s32 $0x0;
	s4 =	srdreg.scid;
	s6 =	stileid.u32  }
0x5: {  	s14 =	simm.s32 $0xA;
	s15 =	simm.s32 $0x300;
	s16 =	simm.s32 $0x80  }
0x6: {  	s17 =	simm.s32 $0x600;
	s18 =	simm.s32 $0x4600;
	s19 =	simm.s32 $0x3  }
0x7: {  	s20 =	simm.s32 $0x500;
	s21 =	simm.s32 $0x10600;
	[smem:$0x7FF] =	sst s3  }
0x8: {  	s5 =	sadd.s32 $0x19400, s0;
	s4 =	sand.u32 $0x1, s4;
	s13 =	sadd.s32 $0x2B6600, s0  }
0x9: {  	s7 =	sadd.s32 $0x2B1600, s0;
	s9 =	sshll.u32 s6, $0x1;
	s25 =	sshll.u32 s6, $0x6  }
0xa: {  	s29 =	sshll.u32 s6, $0xD;
	s6 =	simm.s32 $0x0;
	_ =	strace $0x8000004A  }
0xb: {  	s8 =	ssub.s32 $0x2, s4;
	s24 =	sor.u32 s4, s9;
	[dreg:$0x4] =	wrdreg s7  }
0xc: {  	s10 =	sadd.s32 s25, s7;
	s12 =	sshll.u32 s4, $0x5;
	s7 =	smov.u32 s13  }
0xd: {  	s28 =	sadd.s32 s25, s13;
	s4 =	sshll.u32 s4, $0xC;
	s9 =	simm.s32 $0x4  }
0xe: {  	s13 =	simm.s32 $0x200;
	s23 =	sshrl.u32 s8, $0x1;
	s31 =	sor.u32 $0x20, s24  }
.Ltmp0:
0xf: {  	s26 =	sor.u32 $0x40, s24;
	s11 =	sadd.s32 s12, s10;
	(pc) =	sbr.rel .LBB2_1-.Ltmp0, $4  }
0x10: {  	s12 =	sadd.s32 s12, s28;
	s30 =	sor.u32 s4, s29;
	s24 =	simm.s32 $0x6  }
0x11: {  	s10 =	simm.s32 $0x9;
	s0 =	ssub.s32 s8, s23;
	[dreg:$0x6] =	wrdreg s26  }
0x12: {  	[dreg:$0x7] =	wrdreg s30;
	s23 =	simm.s32 $0x14600;
	s0 =	smax.u32 s0, $0x1  }
0x13: {  	s26 =	simm.s32 $0x100;
	[dreg:$0x5] =	wrdreg s0;
	s0 =	simm.s32 $0x1  }
.LBB2_11:
0x14: {  	s4 =	simm.s32 $0x7  }
0x15: {  	_ =	swait.ge [sflag:s4], $0x8000  }
0x16: {  	[sflag:s4] =	ssyncset.done $0x0  }
0x17: {  	s29 =	simm.s32 $0x8;
	[sflag:s4] =	ssyncadd.s32 $0xFFFF8000  }
0x18: {  	_ =	swait.ge [sflag:s29], $0x8000  }
0x19: {  	[sflag:s29] =	ssyncset.done $0x0  }
0x1a: {  	[sflag:s29] =	ssyncadd.s32 $0xFFFF8000  }
0x1b: {  	_ =	swait.ge [sflag:s10], $0x8000  }
0x1c: {  	s6 =	rddreg [dreg:$0x8]  }
0x1d: {  	s30 =	rddreg [dreg:$0x5];
	s6 =	sadd.s32 $0x1, s6  }
0x1e: {  	p0 =	sne.s32 s6, s30  }
.Ltmp1:
0x1f: {  	_ = 	snop;
	(pc) =	sbr.rel @!p0 .LBB2_12-.Ltmp1, $3  }
0x20: {  	_ =	sdelay $0x1  }
0x21: {  	[sflag:s10] =	ssyncset.done $0x0  }
0x22: {  	[sflag:s10] =	ssyncadd.s32 $0xFFFF8000  }
.LBB2_1:
.Ltmp2:
0x23: {  	(pc) =	sbr.rel .LBB2_2-.Ltmp2, $4  }
0x24: {  	_ = 	snop  }
0x25: {  	[dreg:$0x8] =	wrdreg s6  }
0x26: {  	s28 =	rddreg [dreg:$0x7]  }
0x27: {  	s29 =	rddreg [dreg:$0x6];
	s30 =	simm.s32 $0x0  }
.LBB2_7:
0x28: {  	_ =	swait.ge [sflag:s10], $0x8000  }
0x29: {  	[sflag:s10] =	ssyncset.done $0x0  }
0x2a: {  	[sflag:s10] =	ssyncadd.s32 $0xFFFF8000  }
.LBB2_9:
0x2b: {  	s4 =	sadd.s32 $0x800, s22  }
0x2c: {  	[tilespmem:s13], [sflag:$0xA] =	stream.linear.gather [hbm4b:s4+s3], $0x100, $0x38;
	[tilespmem:$0x18600] =	vst v63  }
0x2d: {  	_ =	swait.ge [sflag:s14], $0x100  }
0x2e: {  	[sflag:s14] =	ssyncset.done $0x0  }
0x2f: {  	s22 =	sadd.s32 $0x800, s25;
	[sflag:s14] =	ssyncadd.s32 $0xFFFFFF00  }
0x30: {  	[tilespmem:s20], [sflag:$0xA] =	stream.linear.gather [hbm4b:s22+s3], $0x100, $0x38;
	[tilespmem:$0x18600] =	vst v63  }
0x31: {  	_ =	swait.ge [sflag:s14], $0x100  }
0x32: {  	[sflag:s14] =	ssyncset.done $0x0  }
0x33: {  	[sflag:s14] =	ssyncadd.s32 $0xFFFFFF00  }
0x34: {  	[tilespmem:s21], [sflag:$0x3] =	stream.indirect.gather [hbm4b:s1+s16], $0x80, s13, s16, $0xb8;
	[tilespmem:$0x18600] =	vst v63  }
0x35: {  	s25 =	simm.s32 $0x280  }
0x36: {  	[tilespmem:s23], [sflag:$0x3] =	stream.indirect.gather [hbm4b:s1+s16], $0x80, s25, s16, $0xb8;
	[tilespmem:$0x18600] =	vst v63  }
.LBB2_10:
0x37: {  	s4 =	simm.s32 @p1 $0x2  }
0x38: {  	_ =	swait.ge @p1 [sflag:s4], $0x8000  }
0x39: {  	s6 =	simm.s32 @p1 $0x400;
	[sflag:s4] =	ssyncset.done @p1 $0x0  }
0x3a: {  	s22 =	simm.s32 @p1 $0x8600;
	[sflag:s4] =	ssyncadd.s32 @p1 $0xFFFF8000;
	s4 =	simm.s32 @p1 $0x80  }
0x3b: {  	[tilespmem:s22], [sflag:$0x5] =	stream.indirect.gather.add.f32 @p1 [hbm:s5], $0x80, s6, s4, $0xb8;
	[tilespmem:$0x18600] =	vst v63  }
0x3c: {  	s25 =	simm.s32 @p1 $0xC600;
	s6 =	simm.s32 @p1 $0x480  }
0x3d: {  	[tilespmem:s25], [sflag:$0x5] =	stream.indirect.gather.add.f32 @p1 [hbm:s5], $0x80, s6, s4, $0xb8;
	[tilespmem:$0x18600] =	vst v63  }
0x3e: {  	s4 =	simm.s32 @p1 $0x5  }
0x3f: {  	s30 =	sadd.s32 $0xC00, s30;
	_ =	swait.ge @p1 [sflag:s4], $0x4000  }
0x40: {  	p0 =	sne.s32 s30, $0x5400;
	[sflag:s4] =	ssyncset.done @p1 $0x0  }
.Ltmp3:
0x41: {  	[sflag:s4] =	ssyncadd.s32 @p1 $0xFFFFC000;
	(pc) =	sbr.rel @!p0 .LBB2_11-.Ltmp3, $4  }
0x42: {  	s29 =	sadd.s32 $0x60, s29;
	_ =	swait.ge @p1 [sflag:s4], $0x4000  }
0x43: {  	s28 =	sadd.s32 $0x60000, s28;
	s6 =	sshll.u32 @p1 s8, $0xC;
	[sflag:s4] =	ssyncset.done @p1 $0x0  }
0x44: {  	[sflag:s4] =	ssyncadd.s32 @p1 $0xFFFFC000;
	s4 =	sadd.s32 @p1 s2, s6;
	s6 =	simm.s32 @p1 $0x0  }
0x45: {  	[hbm4b:s4+s6] =	stream.linear.scatter @p1 [tilespmem:s22], [sflag:$0x8], $0x8000, $0x38;
	[tilespmem:$0x18600] =	vst v63  }
.LBB2_2:
0x46: {  	p0 =	seq.s32 s30, $0x0  }
0x47: {  	s8 =	simm.s32 @!p0 $0x7  }
0x48: {  	_ =	swait.ge @!p0 [sflag:s8], $0x8000  }
0x49: {  	[sflag:s8] =	ssyncset.done @!p0 $0x0  }
0x4a: {  	s22 =	sadd.s32 s30, s12;
	[sflag:s8] =	ssyncadd.s32 @!p0 $0xFFFF8000  }
0x4b: {  	[tilespmem:s3], [sflag:$0xA] =	stream.linear.gather [hbm4b:s22+s3], $0x100, $0x38;
	[tilespmem:$0x18600] =	vst v63  }
0x4c: {  	_ =	swait.ge [sflag:s14], $0x100  }
0x4d: {  	[sflag:s14] =	ssyncset.done $0x0  }
0x4e: {  	s25 =	sadd.s32 s30, s11;
	[sflag:s14] =	ssyncadd.s32 $0xFFFFFF00  }
0x4f: {  	[tilespmem:s15], [sflag:$0xA] =	stream.linear.gather [hbm4b:s25+s3], $0x100, $0x38;
	[tilespmem:$0x18600] =	vst v63  }
0x50: {  	_ =	swait.ge [sflag:s14], $0x100  }
.Ltmp4:
0x51: {  	[sflag:s14] =	ssyncset.done $0x0;
	(pc) =	sbr.rel @p0 .LBB2_5-.Ltmp4, $4  }
0x52: {  	[sflag:s14] =	ssyncadd.s32 $0xFFFFFF00  }
0x53: {  	[tilespmem:s17], [sflag:$0x1] =	stream.indirect.gather [hbm4b:s1+s16], $0x80, s3, s16, $0xb8;
	[tilespmem:$0x18600] =	vst v63  }
0x54: {  	s8 =	smov.u32 s31  }
0x55: {  	[tilespmem:s18], [sflag:$0x1] =	stream.indirect.gather [hbm4b:s1+s16], $0x80, s16, s16, $0xb8;
	[tilespmem:$0x18600] =	vst v63  }
0x56: {  	_ =	swait.ge [sflag:s19], $0x8000  }
0x57: {  	[sflag:s19] =	ssyncset.done $0x0  }
0x58: {  	[sflag:s19] =	ssyncadd.s32 $0xFFFF8000  }
0x59: {  	[tilespmem:s21], [sflag:$0x6] =	stream.indirect.gather.add.f32 [hbm:s5], $0x80, s20, s16, $0xb8;
	[tilespmem:$0x18600] =	vst v63  }
0x5a: {  	s4 =	simm.s32 $0x580  }
0x5b: {  	[tilespmem:s23], [sflag:$0x6] =	stream.indirect.gather.add.f32 [hbm:s5], $0x80, s4, s16, $0xb8;
	[tilespmem:$0x18600] =	vst v63  }
0x5c: {  	_ =	swait.ge [sflag:s24], $0x4000  }
0x5d: {  	[sflag:s24] =	ssyncset.done $0x0  }
0x5e: {  	[sflag:s24] =	ssyncadd.s32 $0xFFFFC000  }
0x5f: {  	s8 =	sadd.s32 $0x1FFE0000, s28;
	_ =	swait.ge [sflag:s24], $0x4000  }
0x60: {  	s8 =	sand.u32 $0x1FFFF000, s8;
	[sflag:s24] =	ssyncset.done $0x0  }
0x61: {  	s8 =	sadd.s32 s2, s8;
	[sflag:s24] =	ssyncadd.s32 $0xFFFFC000  }
0x62: {  	[hbm4b:s8+s3] =	stream.linear.scatter [tilespmem:s21], [sflag:$0x9], $0x8000, $0x38;
	[tilespmem:$0x18600] =	vst v63  }
0x63: {  	s8 =	sadd.s32 $0xFFFFFFE0, s29  }
0x64: {  	p2 =	sgt.u32 s8, $0x270  }
.Ltmp5:
0x65: {  	_ = 	snop;
	(pc) =	sbr.rel @p2 .LBB2_6-.Ltmp5, $2  }
0x66: {  	_ =	sdelay $0x2  }
0x67: {  	p1 =	por $0x0, $0x0  }
0x68: {  	s4 =	simm.s32 $0x8  }
0x69: {  	_ =	swait.ge [sflag:s4], $0x8000  }
0x6a: {  	[sflag:s4] =	ssyncset.done $0x0  }
0x6b: {  	[sflag:s4] =	ssyncadd.s32 $0xFFFF8000  }
.LBB2_5:
0x6c: {  	s4 =	sshll.u32 s8, $0x5  }
0x6d: {  	s6 =	sadd.s32 s7, s4  }
0x6e: {  	[tilespmem:s26], [sflag:$0xA] =	stream.linear.gather [hbm4b:s6+s3], $0x100, $0x38;
	[tilespmem:$0x18600] =	vst v63  }
0x6f: {  	_ =	swait.ge [sflag:s14], $0x100  }
0x70: {  	[sflag:s14] =	ssyncset.done $0x0;
	s6 =	rddreg [dreg:$0x4]  }
0x71: {  	[sflag:s14] =	ssyncadd.s32 $0xFFFFFF00;
	s4 =	sadd.s32 s6, s4;
	s6 =	simm.s32 $0x400  }
0x72: {  	[tilespmem:s6], [sflag:$0xA] =	stream.linear.gather [hbm4b:s4+s3], $0x100, $0x38;
	[tilespmem:$0x18600] =	vst v63  }
0x73: {  	_ =	swait.ge [sflag:s14], $0x100  }
0x74: {  	[sflag:s14] =	ssyncset.done $0x0  }
0x75: {  	s6 =	simm.s32 $0x8600;
	[sflag:s14] =	ssyncadd.s32 $0xFFFFFF00  }
0x76: {  	[tilespmem:s6], [sflag:$0x2] =	stream.indirect.gather [hbm4b:s1+s16], $0x80, s26, s16, $0xb8;
	[tilespmem:$0x18600] =	vst v63  }
0x77: {  	p1 =	por $0x1, $0x1;
	s4 =	simm.s32 $0x180;
	s6 =	simm.s32 $0xC600  }
0x78: {  	[tilespmem:s6], [sflag:$0x2] =	stream.indirect.gather [hbm4b:s1+s16], $0x80, s4, s16, $0xb8;
	[tilespmem:$0x18600] =	vst v63  }
.LBB2_6:
0x79: {  	_ =	swait.ge [sflag:s0], $0x8000  }
0x7a: {  	[sflag:s0] =	ssyncset.done $0x0  }
0x7b: {  	[sflag:s0] =	ssyncadd.s32 $0xFFFF8000  }
0x7c: {  	[tilespmem:s17], [sflag:$0x4] =	stream.indirect.gather.add.f32 [hbm:s5], $0x80, s15, s16, $0xb8;
	[tilespmem:$0x18600] =	vst v63  }
0x7d: {  	s4 =	simm.s32 $0x380  }
0x7e: {  	[tilespmem:s18], [sflag:$0x4] =	stream.indirect.gather.add.f32 [hbm:s5], $0x80, s4, s16, $0xb8;
	[tilespmem:$0x18600] =	vst v63  }
0x7f: {  	p2 =	sgt.u32 @!p0 s29, $0x270;
	_ =	swait.ge [sflag:s9], $0x4000  }
0x80: {  	p0 =	por p0, p2;
	[sflag:s9] =	ssyncset.done $0x0  }
.Ltmp6:
0x81: {  	[sflag:s9] =	ssyncadd.s32 $0xFFFFC000;
	(pc) =	sbr.rel @!p0 .LBB2_7-.Ltmp6, $4  }
0x82: {  	_ =	swait.ge [sflag:s9], $0x4000  }
0x83: {  	[sflag:s9] =	ssyncset.done $0x0  }
0x84: {  	s6 =	sadd.s32 s28, s2;
	[sflag:s9] =	ssyncadd.s32 $0xFFFFC000  }
0x85: {  	[hbm4b:s6+s3] =	stream.linear.scatter [tilespmem:s17], [sflag:$0x7], $0x8000, $0x38;
	[tilespmem:$0x18600] =	vst v63  }
0x86: {  	p0 =	sgt.u32 s29, $0x270  }
.Ltmp7:
0x87: {  	_ = 	snop;
	(pc) =	sbr.rel @p0 .LBB2_10-.Ltmp7, $4  }
.Ltmp8:
0x88: {  	_ = 	snop;
	(pc) =	sbr.rel @!p0 .LBB2_9-.Ltmp8, $4  }
0x89: {  	_ = 	snop  }
0x8a: {  	_ = 	snop  }
0x8b: {  	_ = 	snop  }
0x8c: {  	_ = 	snop  }
.LBB2_12:
0x8d: {  	_ =	sfence.sel $0x180000  }
0x8e: {  	[bflag:$0x0] =	sbarrier.arrive $0xFFFF  }
0x8f: {  	_ =	strace $0x9000004A  }
0x90: {  	s0 =	stileid.u32;
	[bflag:$0x2] =	sbarrier.arrive $0xFFFF  }
0x91: {  	p0 =	sne.s32 s0, $0x0;
	s0 =	rddreg [dreg:$0x3]  }
0x92: {  	s0 =	sadd.s32 @!p0 $0x100000, s0  }
0x93: {  	[sflag:s0] =	ssyncadd.tile.s32 @!p0 $0x1;
	_ =	shalt  }
.Lfunc_end2:
_tile_overlayer_lowered:
.L_overlay_start_2:
0x94: {  	(tag) =	ssettag $0x2  }
0x95: {  	s0 =	rddreg [dreg:$0x0];
	s2 =	stileid.u32  }
0x96: {  	s1 =	rddreg [dreg:$0x1];
	p0 =	sne.s32 s2, $0x0  }
0x97: {  	s3 =	rddreg [dreg:$0x2];
	[bflag:$0x3] =	sbarrier.arrive $0xFFFF;
	s2 =	simm.s32 @!p0 $0x1C0A  }
0x98: {  	[timem:s3], [sflag:s2] =	dma.local @!p0 [hbm:s0], s1  }
0x99: {  	s0 =	simm.s32 @!p0 $0xA  }
0x9a: {  	_ =	swait.ge @!p0 [sflag:s0], s1  }
0x9b: {  	s1 =	ssub.s32 @!p0 $0x0, s1;
	[sflag:s0] =	ssyncset.done @!p0 $0x0  }
0x9c: {  	[sflag:s0] =	ssyncadd.s32 @!p0 s1  }
0x9d: {  	[bflag:$0x3] =	sbarrier.arrive $0xFFFF  }
0x9e: {  	_ =	shalt  }

// kernel: kernel.13.cloned.1.call-start
scs
__scs_entry_jumppad:
0x0: {  	(pc) =	sbr.rel $0x88, $3  }
0x1: {  	(tag) =	ssettag $0x0;
	lr =	simm.s32 $0x1  }
0x2: {  	[smem:$0x3F92] =	sst lr;
	_ =	strace $0xD0000000  }
0x3: {  	_ = 	snop  }
0x4: {  	_ = 	snop  }
0x5: {  	_ = 	snop  }
0x6: {  	_ = 	snop  }
0x7: {  	_ = 	snop  }
__scs_overlays_trampoline_lowered:
0x8: {  	[smem:$0x3FA1] =	sst s0  }
0x9: {  	[smem:$0x3FA2] =	sst s1  }
0xa: {  	[smem:$0x3FA3] =	sst s2  }
0xb: {  	[smem:$0x3FA4] =	sst s3  }
0xc: {  	[smem:$0x3FA5] =	sst s4  }
0xd: {  	[smem:$0x3FA6] =	sst s5  }
0xe: {  	[smem:$0x3FA7] =	sst s6  }
0xf: {  	[smem:$0x3FA8] =	sst s7  }
0x10: {  	[smem:$0x3FA9] =	sst s8  }
0x11: {  	[smem:$0x3FAA] =	sst s9;
	s0 =	simm.s32 @!p0 $0x0  }
0x12: {  	s1 =	sld [smem:$0x3F90];
	s0 =	simm.s32 @p0 $0x1  }
0x13: {  	[smem:$0x3FAB] =	sst s0;
	s0 =	simm.s32 @!p1 $0x0  }
0x14: {  	s2 =	sld [smem:$0x3F8F];
	s0 =	simm.s32 @p1 $0x1  }
0x15: {  	[smem:$0x3FAC] =	sst s0;
	s0 =	simm.s32 @!p2 $0x0  }
0x16: {  	s3 =	sld [smem:$0x3FDB];
	s0 =	simm.s32 @p2 $0x1  }
0x17: {  	s4 =	simm.s32 $0x1BF5;
	[smem:$0x3FAE] =	sst s0  }
0x18: {  	s0 =	sld [smem:$0x3F91];
	_ =	swait.ge [sflag:s4], $0x0  }
0x19: {  	s7 =	sld [smem:$0x3F92]  }
0x1a: {  	s8 =	sadd.s32 $0xFFFFE003, lr  }
0x1b: {  	s9 =	sadd.s32 $0xFFFFFEF7, lr;
	s5 =	simm.s32 $0xFFFFFFFF;
	p2 =	slt.u32 s8, $0xFFFFF086  }
0x1c: {  	p1 =	slt.u32 s9, $0xF7A;
	s5 =	simm.s32 @!p2 $0x0  }
0x1d: {  	s5 =	simm.s32 @p1 $0x1;
	p0 =	seq.s32 s7, s2  }
0x1e: {  	s7 =	smul.u32 @!p0 $0xF7A, s2;
	p2 =	seq.s32 @!p0 s5, $0x0  }
0x1f: {  	s9 =	smul.u32 $0xF7A, s1;
	s8 =	simm.s32 @!p0 $0x1BF5;
	p2 =	por !p2, p0  }
0x20: {  	[sflag:s8] =	ssyncset.s32 @!p0 $0xFFFFF086;
	s6 =	sadd.s32 @!p0 s3, s7;
	s7 =	simm.s32 @!p0 $0x108  }
0x21: {  	s3 =	sadd.s32 s3, s9;
	s6 =	sadd.s32 @!p0 $0x88, s6;
	s7 =	simm.s32 @p2 $0x1082  }
0x22: {  	[simem:s7], [sflag:s8] =	dma.local @!p0 [hbm:s6], $0xF7A  }
0x23: {  	s9 =	sor.u32 $0xD0000000, s2;
	s6 =	simm.s32 $0x108;
	_ =	swait.ge @!p0 [sflag:s8], $0x0  }
0x24: {  	s3 =	sadd.s32 $0x88, s3;
	s6 =	simm.s32 @!p1 $0x1082;
	[sflag:s4] =	ssyncset.s32 $0xFFFFF086  }
0x25: {  	[simem:s6], [sflag:s4] =	dma.local [hbm:s3], $0xF7A  }
0x26: {  	[smem:$0x3F92] =	sst s1;
	(tag) =	ssettag s2;
	_ =	strace s9  }
0x27: {  	s1 =	sld [smem:$0x3FA2]  }
0x28: {  	s2 =	sld [smem:$0x3FA3]  }
0x29: {  	s4 =	sld [smem:$0x3FA5]  }
0x2a: {  	p0 =	seq.s32 s5, $0x0;
	s5 =	sld [smem:$0x3FA6]  }
0x2b: {  	s6 =	sld [smem:$0x3FA7]  }
0x2c: {  	s7 =	sld [smem:$0x3FA8]  }
0x2d: {  	s3 =	simm.s32 $0x108;
	s8 =	sld [smem:$0x3FA9]  }
0x2e: {  	s3 =	simm.s32 @!p0 $0x1082;
	s9 =	sld [smem:$0x3FAA]  }
0x2f: {  	lr =	sadd.s32 s0, s3;
	s0 =	sld [smem:$0x3FA1]  }
0x30: {  	s3 =	sld [smem:$0x3FA4]  }
0x31: {  	[smem:$0x3FAD] =	sst s10  }
0x32: {  	s10 =	sld [smem:$0x3FAB];
	_ =	sdelay $0x3  }
0x33: {  	p0 =	seq.s32 s10, $0x1;
	s10 =	sld [smem:$0x3FAD];
	_ =	sdelay $0x3  }
0x34: {  	[smem:$0x3FAD] =	sst s10  }
0x35: {  	s10 =	sld [smem:$0x3FAC];
	_ =	sdelay $0x3  }
0x36: {  	p1 =	seq.s32 s10, $0x1;
	s10 =	sld [smem:$0x3FAD];
	_ =	sdelay $0x3  }
0x37: {  	[smem:$0x3FAD] =	sst s10  }
0x38: {  	s10 =	sld [smem:$0x3FAE]  }
0x39: {  	_ = 	snop;
	(pc) =	sbr.ind lr, $3  }
0x3a: {  	_ = 	snop  }
0x3b: {  	_ = 	snop  }
0x3c: {  	p2 =	seq.s32 s10, $0x1;
	s10 =	sld [smem:$0x3FAD]  }
0x3d: {  	_ =	shalt  }
0x3e: {  	_ =	shalt  }
0x3f: {  	_ =	shalt  }
0x40: {  	_ =	shalt  }
0x41: {  	_ =	shalt  }
0x42: {  	_ =	shalt  }
0x43: {  	_ =	shalt  }
0x44: {  	_ =	shalt  }
0x45: {  	_ =	shalt  }
0x46: {  	_ =	shalt  }
0x47: {  	_ =	shalt  }
0x48: {  	_ =	shalt  }
0x49: {  	_ =	shalt  }
0x4a: {  	_ =	shalt  }
0x4b: {  	_ =	shalt  }
0x4c: {  	_ =	shalt  }
0x4d: {  	_ =	shalt  }
0x4e: {  	_ =	shalt  }
0x4f: {  	_ =	shalt  }
0x50: {  	_ =	shalt  }
0x51: {  	_ =	shalt  }
0x52: {  	_ =	shalt  }
0x53: {  	_ =	shalt  }
0x54: {  	_ =	shalt  }
0x55: {  	_ =	shalt  }
0x56: {  	_ =	shalt  }
0x57: {  	_ =	shalt  }
0x58: {  	_ =	shalt  }
0x59: {  	_ =	shalt  }
0x5a: {  	_ =	shalt  }
0x5b: {  	_ =	shalt  }
0x5c: {  	_ =	shalt  }
0x5d: {  	_ =	shalt  }
0x5e: {  	_ =	shalt  }
0x5f: {  	_ =	shalt  }
0x60: {  	_ =	shalt  }
0x61: {  	_ =	shalt  }
0x62: {  	_ =	shalt  }
0x63: {  	_ =	shalt  }
0x64: {  	_ =	shalt  }
0x65: {  	_ =	shalt  }
0x66: {  	_ =	shalt  }
0x67: {  	_ =	shalt  }
0x68: {  	_ =	shalt  }
0x69: {  	_ =	shalt  }
0x6a: {  	_ =	shalt  }
0x6b: {  	_ =	shalt  }
0x6c: {  	_ =	shalt  }
0x6d: {  	_ =	shalt  }
0x6e: {  	_ =	shalt  }
0x6f: {  	_ =	shalt  }
0x70: {  	_ =	shalt  }
0x71: {  	_ =	shalt  }
0x72: {  	_ =	shalt  }
0x73: {  	_ =	shalt  }
0x74: {  	_ =	shalt  }
0x75: {  	_ =	shalt  }
0x76: {  	_ =	shalt  }
0x77: {  	_ =	shalt  }
0x78: {  	_ =	shalt  }
0x79: {  	_ =	shalt  }
0x7a: {  	_ =	shalt  }
0x7b: {  	_ =	shalt  }
0x7c: {  	_ =	shalt  }
0x7d: {  	_ =	shalt  }
0x7e: {  	_ =	shalt  }
0x7f: {  	_ =	shalt  }
0x80: {  	_ =	shalt  }
0x81: {  	_ =	shalt  }
0x82: {  	_ =	shalt  }
0x83: {  	_ =	shalt  }
0x84: {  	_ =	shalt  }
0x85: {  	_ =	shalt  }
0x86: {  	_ =	shalt  }
0x87: {  	_ =	shalt  }
.Lfunc_end0:
.L_simem_size_0:
called_computation.1_lowered:
.L_overlay_start_0:
0x88: {  	s2 =	sld [smem:$0x3FD9]  }
0x89: {  	s3 =	sld [smem:$0x3FFE];
	_ =	sdelay $0x1  }
0x8a: {  	s1 =	srdreg.scid  }
0x8b: {  	s0 =	sand.u32 $0x1, s1  }
0x8c: {  	s14 =	sshll.u32 s0, $0xA;
	s2 =	sadd.s32 s3, s2  }
0x8d: {  	s2 =	sadd.s32 s2, s14  }
0x8e: {  	[smem:$0x3FB9] =	sst s2  }
0x8f: {  	_ = 	snop  }
0x90: {  	s2 =	sld [smem:$0x3FD0];
	_ =	sdelay $0x2  }
0x91: {  	s15 =	simm.s32 $0xB;
	s4 =	simm.s32 $0x10  }
0x92: {  	[smem:s4], [sflag:s15] =	dma.local [hbm:s2], $0x1  }
0x93: {  	_ =	swait.eq [sflag:s15], $0x1  }
0x94: {  	[sflag:s15] =	ssyncset.done $0x0  }
0x95: {  	[sflag:s15] =	ssyncadd.s32 $0xFFFFFFFF  }
0x96: {  	s16 =	sld [smem:$0x10];
	(tm) =	ssettm $0x1  }
0x97: {  	s17 =	sld [smem:$0x3FFB];
	_ =	sdelay $0x3  }
0x98: {  	_ =	strace s17  }
0x99: {  	s3 =	sld [smem:$0x3FFC];
	_ =	sdelay $0x3  }
0x9a: {  	_ =	strace s3  }
0x9b: {  	s3 =	sld [smem:$0x3FFD];
	_ =	sdelay $0x3  }
0x9c: {  	_ =	strace s3  }
0x9d: {  	_ =	strace $0x8FFFFFFF  }
0x9e: {  	s18 =	sld [smem:$0x3FDB];
	_ =	sdelay $0x1  }
0x9f: {  	s19 =	simm.s32 $_scs_section_size  }
0xa0: {  	s5 =	simm.s32 $_size__tile_overlayer_lowered;
	s6 =	simm.s32 $_tile_overlayer_lowered  }
0xa1: {  	s22 =	simm.s32 $0x1BFF;
	s21 =	sshll.u32 s6, $0x1;
	s3 =	sadd.s32 s19, s18  }
0xa2: {  	s7 =	simm.s32 $0x0;
	s20 =	sshll.u32 s5, $0x1;
	s5 =	sadd.s32 s21, s3  }
0xa3: {  	[timem:s7], [sflag:s22] =	dma.local [hbm:s5], s20  }
0xa4: {  	_ =	swait.ge [sflag:s22], s20  }
0xa5: {  	s4 =	ssub.s32 $0x0, s20;
	[sflag:s22] =	ssyncset.done $0x0  }
0xa6: {  	[sflag:s22] =	ssyncadd.s32 s4;
	_ =	sdelay $0x1  }
0xa7: {  	s23 =	simm.s32 $0x1B8B  }
0xa8: {  	_ =	swait.ge [sflag:s23], $0x1  }
0xa9: {  	[sflag:s23] =	ssyncset.done $0x0  }
0xaa: {  	s25 =	simm.s32 $0x1B8E;
	s24 =	sld [smem:$0x3FFE];
	[sflag:s23] =	ssyncadd.s32 $0xFFFFFFFF  }
0xab: {  	s26 =	simm.s32 $execute0_lowered;
	[smem:$0x3FD2] =	sst s25  }
0xac: {  	s5 =	sshll.u32 s26, $0x1;
	_ =	strace $0x80000046;
	[dreg:$0x1] =	wrdreg $0xFFFFFFFF  }
0xad: {  	s28 =	simm.s32 $_size_execute0_lowered;
	s3 =	sadd.s32 s3, s5;
	[dreg:$0x0] =	wrdreg $0x0  }
0xae: {  	s5 =	sshll.u32 s28, $0x1;
	[dreg:$0x2] =	wrdreg s3  }
0xaf: {  	[dreg:$0x3] =	wrdreg s5  }
0xb0: {  	[dreg:$0x4] =	wrdreg $0xC0  }
0xb1: {  	_ =	task [dreg:s7], $0x5FFFF  }
0xb2: {  	[dreg:$0x1] =	wrdreg $0xFFFFFFFF  }
0xb3: {  	[dreg:$0x0] =	wrdreg $0x60  }
0xb4: {  	[dreg:$0x2] =	wrdreg s16  }
0xb5: {  	[dreg:$0x3] =	wrdreg s24  }
0xb6: {  	[dreg:$0x4] =	wrdreg $0xA  }
0xb7: {  	_ =	task.clear_ibuf [dreg:s7], $0x5FFFF;
	_ =	strace $0x90000046  }
0xb8: {  	s29 =	simm.s32 $0xA;
	_ =	strace $0x80000048  }
0xb9: {  	_ =	swait.ge [sflag:s29], $0x1  }
0xba: {  	[sflag:s29] =	ssyncadd.s32 $0xFFFFFFFF  }
0xbb: {  	_ =	strace $0x90000048  }
0xbc: {  	_ =	sfence  }
0xbd: {  	s30 =	sld [smem:$0x0];
	_ =	sdelay $0x2  }
0xbe: {  	s31 =	sshll.u32 s1, $0xD;
	s1 =	sshrl.u32 s1, $0x2  }
0xbf: {  	s3 =	sand.u32 $0x4000, s31;
	s1 =	sadd.s32 s1, s30  }
0xc0: {  	s0 =	sor.u32 s3, s0;
	s1 =	sshll.u32 s1, $0x11  }
0xc1: {  	s0 =	sor.u32 s1, s0  }
0xc2: {  	s0 =	sadd.s32 $0x8F2B, s0  }
0xc3: {  	[sflag:s0] =	ssyncadd.remote.s32 $0x1  }
0xc4: {  	_ =	sfence.sel $0xFFFF  }
0xc5: {  	[dreg:$0x0] =	wrdreg $0xFFFFFFFF;
	(pc) =	sbr.abs _section_cstart, $3  }
0xc6: {  	[dreg:$0x1] =	wrdreg $0xFFFFFFFF  }
0xc7: {  	_ =	task.clear_ibuf [dreg:s7], $0x2FFFF;
	_ =	strace $0x9FFFFFFF  }
0xc8: {  	(tm) =	ssettm $0x7FFFFFFF  }
0xc9: {  	_ =	shalt  }
tec
execute0_lowered:
.L_overlay_start_1:
0x0: {  	(tag) =	ssettag $0x1  }
0x1: {  	s1 =	rddreg [dreg:$0x0]  }
0x2: {  	s0 =	rddreg [dreg:$0x1];
	s2 =	simm.s32 $0x0  }
0x3: {  	s3 =	srdreg.scid;
	s5 =	stileid.u32;
	s14 =	simm.s32 $0xA  }
0x4: {  	s15 =	simm.s32 $0x300;
	s16 =	simm.s32 $0x80;
	s17 =	simm.s32 $0x600  }
0x5: {  	s18 =	simm.s32 $0x4600;
	s19 =	simm.s32 $0x3;
	s20 =	simm.s32 $0x500  }
0x6: {  	s21 =	simm.s32 $0x10600;
	[smem:$0x7FF] =	sst s2;
	s4 =	sadd.s32 $0x19400, s0  }
0x7: {  	s13 =	sadd.s32 $0x14400, s0;
	s3 =	sand.u32 $0x1, s3;
	s6 =	sadd.s32 $0xF400, s0  }
0x8: {  	s7 =	sadd.s32 $0x40600, s0;
	s9 =	sshll.u32 s5, $0x1;
	s25 =	sshll.u32 s5, $0x6  }
0x9: {  	s29 =	sshll.u32 s5, $0xD;
	s5 =	simm.s32 $0x0;
	_ =	strace $0x80000047  }
0xa: {  	s8 =	ssub.s32 $0x2, s3;
	s24 =	sor.u32 s3, s9;
	[dreg:$0x3] =	wrdreg s6  }
0xb: {  	s10 =	sadd.s32 s25, s6;
	s12 =	sshll.u32 s3, $0x5;
	s6 =	smov.u32 s13  }
0xc: {  	s28 =	sadd.s32 s25, s13;
	s3 =	sshll.u32 s3, $0xC;
	s9 =	simm.s32 $0x4  }
0xd: {  	s13 =	simm.s32 $0x200;
	s23 =	sshrl.u32 s8, $0x1;
	s31 =	sor.u32 $0x20, s24  }
.Ltmp0:
0xe: {  	s26 =	sor.u32 $0x40, s24;
	s11 =	sadd.s32 s12, s10;
	(pc) =	sbr.rel .LBB2_1-.Ltmp0, $4  }
0xf: {  	s12 =	sadd.s32 s12, s28;
	s30 =	sor.u32 s3, s29;
	s24 =	simm.s32 $0x6  }
0x10: {  	s10 =	simm.s32 $0x9;
	s0 =	ssub.s32 s8, s23;
	[dreg:$0x5] =	wrdreg s26  }
0x11: {  	[dreg:$0x6] =	wrdreg s30;
	s23 =	simm.s32 $0x14600;
	s0 =	smax.u32 s0, $0x1  }
0x12: {  	s26 =	simm.s32 $0x100;
	[dreg:$0x4] =	wrdreg s0;
	s0 =	simm.s32 $0x1  }
.LBB2_11:
0x13: {  	s3 =	simm.s32 $0x7  }
0x14: {  	_ =	swait.ge [sflag:s3], $0x8000  }
0x15: {  	[sflag:s3] =	ssyncset.done $0x0  }
0x16: {  	s29 =	simm.s32 $0x8;
	[sflag:s3] =	ssyncadd.s32 $0xFFFF8000  }
0x17: {  	_ =	swait.ge [sflag:s29], $0x8000  }
0x18: {  	[sflag:s29] =	ssyncset.done $0x0  }
0x19: {  	[sflag:s29] =	ssyncadd.s32 $0xFFFF8000  }
0x1a: {  	_ =	swait.ge [sflag:s10], $0x8000  }
0x1b: {  	s5 =	rddreg [dreg:$0x7]  }
0x1c: {  	s30 =	rddreg [dreg:$0x4];
	s5 =	sadd.s32 $0x1, s5  }
0x1d: {  	p0 =	sne.s32 s5, s30  }
.Ltmp1:
0x1e: {  	_ = 	snop;
	(pc) =	sbr.rel @!p0 .LBB2_12-.Ltmp1, $3  }
0x1f: {  	_ =	sdelay $0x1  }
0x20: {  	[sflag:s10] =	ssyncset.done $0x0  }
0x21: {  	[sflag:s10] =	ssyncadd.s32 $0xFFFF8000  }
.LBB2_1:
.Ltmp2:
0x22: {  	(pc) =	sbr.rel .LBB2_2-.Ltmp2, $4  }
0x23: {  	_ = 	snop  }
0x24: {  	[dreg:$0x7] =	wrdreg s5  }
0x25: {  	s28 =	rddreg [dreg:$0x6]  }
0x26: {  	s29 =	rddreg [dreg:$0x5];
	s30 =	simm.s32 $0x0  }
.LBB2_7:
0x27: {  	_ =	swait.ge [sflag:s10], $0x8000  }
0x28: {  	[sflag:s10] =	ssyncset.done $0x0  }
0x29: {  	[sflag:s10] =	ssyncadd.s32 $0xFFFF8000  }
.LBB2_9:
0x2a: {  	s3 =	sadd.s32 $0x800, s22  }
0x2b: {  	[tilespmem:s13], [sflag:$0xA] =	stream.linear.gather [hbm4b:s3+s2], $0x100, $0x38;
	[tilespmem:$0x18600] =	vst v63  }
0x2c: {  	_ =	swait.ge [sflag:s14], $0x100  }
0x2d: {  	[sflag:s14] =	ssyncset.done $0x0  }
0x2e: {  	s22 =	sadd.s32 $0x800, s25;
	[sflag:s14] =	ssyncadd.s32 $0xFFFFFF00  }
0x2f: {  	[tilespmem:s20], [sflag:$0xA] =	stream.linear.gather [hbm4b:s22+s2], $0x100, $0x38;
	[tilespmem:$0x18600] =	vst v63  }
0x30: {  	_ =	swait.ge [sflag:s14], $0x100  }
0x31: {  	[sflag:s14] =	ssyncset.done $0x0  }
0x32: {  	[sflag:s14] =	ssyncadd.s32 $0xFFFFFF00  }
0x33: {  	[tilespmem:s21], [sflag:$0x3] =	stream.indirect.gather [hbm4b:s1+s16], $0x80, s13, s16, $0xb8;
	[tilespmem:$0x18600] =	vst v63  }
0x34: {  	s25 =	simm.s32 $0x280  }
0x35: {  	[tilespmem:s23], [sflag:$0x3] =	stream.indirect.gather [hbm4b:s1+s16], $0x80, s25, s16, $0xb8;
	[tilespmem:$0x18600] =	vst v63  }
.LBB2_10:
0x36: {  	s3 =	simm.s32 @p1 $0x2  }
0x37: {  	_ =	swait.ge @p1 [sflag:s3], $0x8000  }
0x38: {  	s5 =	simm.s32 @p1 $0x400;
	[sflag:s3] =	ssyncset.done @p1 $0x0  }
0x39: {  	s22 =	simm.s32 @p1 $0x8600;
	[sflag:s3] =	ssyncadd.s32 @p1 $0xFFFF8000;
	s3 =	simm.s32 @p1 $0x80  }
0x3a: {  	[tilespmem:s22], [sflag:$0x5] =	stream.indirect.gather.add.f32 @p1 [hbm:s4], $0x80, s5, s3, $0xb8;
	[tilespmem:$0x18600] =	vst v63  }
0x3b: {  	s25 =	simm.s32 @p1 $0xC600;
	s5 =	simm.s32 @p1 $0x480  }
0x3c: {  	[tilespmem:s25], [sflag:$0x5] =	stream.indirect.gather.add.f32 @p1 [hbm:s4], $0x80, s5, s3, $0xb8;
	[tilespmem:$0x18600] =	vst v63  }
0x3d: {  	s3 =	simm.s32 @p1 $0x5  }
0x3e: {  	s30 =	sadd.s32 $0xC00, s30;
	_ =	swait.ge @p1 [sflag:s3], $0x4000  }
0x3f: {  	p0 =	sne.s32 s30, $0x5400;
	[sflag:s3] =	ssyncset.done @p1 $0x0  }
.Ltmp3:
0x40: {  	[sflag:s3] =	ssyncadd.s32 @p1 $0xFFFFC000;
	(pc) =	sbr.rel @!p0 .LBB2_11-.Ltmp3, $4  }
0x41: {  	s29 =	sadd.s32 $0x60, s29;
	_ =	swait.ge @p1 [sflag:s3], $0x4000  }
0x42: {  	s28 =	sadd.s32 $0x60000, s28;
	s5 =	sshll.u32 @p1 s8, $0xC;
	[sflag:s3] =	ssyncset.done @p1 $0x0  }
0x43: {  	[sflag:s3] =	ssyncadd.s32 @p1 $0xFFFFC000;
	s3 =	sadd.s32 @p1 s7, s5;
	s5 =	simm.s32 @p1 $0x0  }
0x44: {  	[hbm4b:s3+s5] =	stream.linear.scatter @p1 [tilespmem:s22], [sflag:$0x8], $0x8000, $0x38;
	[tilespmem:$0x18600] =	vst v63  }
.LBB2_2:
0x45: {  	p0 =	seq.s32 s30, $0x0  }
0x46: {  	s8 =	simm.s32 @!p0 $0x7  }
0x47: {  	_ =	swait.ge @!p0 [sflag:s8], $0x8000  }
0x48: {  	[sflag:s8] =	ssyncset.done @!p0 $0x0  }
0x49: {  	s22 =	sadd.s32 s30, s12;
	[sflag:s8] =	ssyncadd.s32 @!p0 $0xFFFF8000  }
0x4a: {  	[tilespmem:s2], [sflag:$0xA] =	stream.linear.gather [hbm4b:s22+s2], $0x100, $0x38;
	[tilespmem:$0x18600] =	vst v63  }
0x4b: {  	_ =	swait.ge [sflag:s14], $0x100  }
0x4c: {  	[sflag:s14] =	ssyncset.done $0x0  }
0x4d: {  	s25 =	sadd.s32 s30, s11;
	[sflag:s14] =	ssyncadd.s32 $0xFFFFFF00  }
0x4e: {  	[tilespmem:s15], [sflag:$0xA] =	stream.linear.gather [hbm4b:s25+s2], $0x100, $0x38;
	[tilespmem:$0x18600] =	vst v63  }
0x4f: {  	_ =	swait.ge [sflag:s14], $0x100  }
.Ltmp4:
0x50: {  	[sflag:s14] =	ssyncset.done $0x0;
	(pc) =	sbr.rel @p0 .LBB2_5-.Ltmp4, $4  }
0x51: {  	[sflag:s14] =	ssyncadd.s32 $0xFFFFFF00  }
0x52: {  	[tilespmem:s17], [sflag:$0x1] =	stream.indirect.gather [hbm4b:s1+s16], $0x80, s2, s16, $0xb8;
	[tilespmem:$0x18600] =	vst v63  }
0x53: {  	s8 =	smov.u32 s31  }
0x54: {  	[tilespmem:s18], [sflag:$0x1] =	stream.indirect.gather [hbm4b:s1+s16], $0x80, s16, s16, $0xb8;
	[tilespmem:$0x18600] =	vst v63  }
0x55: {  	_ =	swait.ge [sflag:s19], $0x8000  }
0x56: {  	[sflag:s19] =	ssyncset.done $0x0  }
0x57: {  	[sflag:s19] =	ssyncadd.s32 $0xFFFF8000  }
0x58: {  	[tilespmem:s21], [sflag:$0x6] =	stream.indirect.gather.add.f32 [hbm:s4], $0x80, s20, s16, $0xb8;
	[tilespmem:$0x18600] =	vst v63  }
0x59: {  	s3 =	simm.s32 $0x580  }
0x5a: {  	[tilespmem:s23], [sflag:$0x6] =	stream.indirect.gather.add.f32 [hbm:s4], $0x80, s3, s16, $0xb8;
	[tilespmem:$0x18600] =	vst v63  }
0x5b: {  	_ =	swait.ge [sflag:s24], $0x4000  }
0x5c: {  	[sflag:s24] =	ssyncset.done $0x0  }
0x5d: {  	[sflag:s24] =	ssyncadd.s32 $0xFFFFC000  }
0x5e: {  	s8 =	sadd.s32 $0x1FFE0000, s28;
	_ =	swait.ge [sflag:s24], $0x4000  }
0x5f: {  	s8 =	sand.u32 $0x1FFFF000, s8;
	[sflag:s24] =	ssyncset.done $0x0  }
0x60: {  	s8 =	sadd.s32 s7, s8;
	[sflag:s24] =	ssyncadd.s32 $0xFFFFC000  }
0x61: {  	[hbm4b:s8+s2] =	stream.linear.scatter [tilespmem:s21], [sflag:$0x9], $0x8000, $0x38;
	[tilespmem:$0x18600] =	vst v63  }
0x62: {  	s8 =	sadd.s32 $0xFFFFFFE0, s29  }
0x63: {  	p2 =	sgt.u32 s8, $0x270  }
.Ltmp5:
0x64: {  	_ = 	snop;
	(pc) =	sbr.rel @p2 .LBB2_6-.Ltmp5, $2  }
0x65: {  	_ =	sdelay $0x2  }
0x66: {  	p1 =	por $0x0, $0x0  }
0x67: {  	s3 =	simm.s32 $0x8  }
0x68: {  	_ =	swait.ge [sflag:s3], $0x8000  }
0x69: {  	[sflag:s3] =	ssyncset.done $0x0  }
0x6a: {  	[sflag:s3] =	ssyncadd.s32 $0xFFFF8000  }
.LBB2_5:
0x6b: {  	s3 =	sshll.u32 s8, $0x5  }
0x6c: {  	s5 =	sadd.s32 s6, s3  }
0x6d: {  	[tilespmem:s26], [sflag:$0xA] =	stream.linear.gather [hbm4b:s5+s2], $0x100, $0x38;
	[tilespmem:$0x18600] =	vst v63  }
0x6e: {  	_ =	swait.ge [sflag:s14], $0x100  }
0x6f: {  	[sflag:s14] =	ssyncset.done $0x0;
	s5 =	rddreg [dreg:$0x3]  }
0x70: {  	[sflag:s14] =	ssyncadd.s32 $0xFFFFFF00;
	s3 =	sadd.s32 s5, s3;
	s5 =	simm.s32 $0x400  }
0x71: {  	[tilespmem:s5], [sflag:$0xA] =	stream.linear.gather [hbm4b:s3+s2], $0x100, $0x38;
	[tilespmem:$0x18600] =	vst v63  }
0x72: {  	_ =	swait.ge [sflag:s14], $0x100  }
0x73: {  	[sflag:s14] =	ssyncset.done $0x0  }
0x74: {  	s5 =	simm.s32 $0x8600;
	[sflag:s14] =	ssyncadd.s32 $0xFFFFFF00  }
0x75: {  	[tilespmem:s5], [sflag:$0x2] =	stream.indirect.gather [hbm4b:s1+s16], $0x80, s26, s16, $0xb8;
	[tilespmem:$0x18600] =	vst v63  }
0x76: {  	p1 =	por $0x1, $0x1;
	s3 =	simm.s32 $0x180;
	s5 =	simm.s32 $0xC600  }
0x77: {  	[tilespmem:s5], [sflag:$0x2] =	stream.indirect.gather [hbm4b:s1+s16], $0x80, s3, s16, $0xb8;
	[tilespmem:$0x18600] =	vst v63  }
.LBB2_6:
0x78: {  	_ =	swait.ge [sflag:s0], $0x8000  }
0x79: {  	[sflag:s0] =	ssyncset.done $0x0  }
0x7a: {  	[sflag:s0] =	ssyncadd.s32 $0xFFFF8000  }
0x7b: {  	[tilespmem:s17], [sflag:$0x4] =	stream.indirect.gather.add.f32 [hbm:s4], $0x80, s15, s16, $0xb8;
	[tilespmem:$0x18600] =	vst v63  }
0x7c: {  	s3 =	simm.s32 $0x380  }
0x7d: {  	[tilespmem:s18], [sflag:$0x4] =	stream.indirect.gather.add.f32 [hbm:s4], $0x80, s3, s16, $0xb8;
	[tilespmem:$0x18600] =	vst v63  }
0x7e: {  	p2 =	sgt.u32 @!p0 s29, $0x270;
	_ =	swait.ge [sflag:s9], $0x4000  }
0x7f: {  	p0 =	por p0, p2;
	[sflag:s9] =	ssyncset.done $0x0  }
.Ltmp6:
0x80: {  	[sflag:s9] =	ssyncadd.s32 $0xFFFFC000;
	(pc) =	sbr.rel @!p0 .LBB2_7-.Ltmp6, $4  }
0x81: {  	_ =	swait.ge [sflag:s9], $0x4000  }
0x82: {  	[sflag:s9] =	ssyncset.done $0x0  }
0x83: {  	s5 =	sadd.s32 s28, s7;
	[sflag:s9] =	ssyncadd.s32 $0xFFFFC000  }
0x84: {  	[hbm4b:s5+s2] =	stream.linear.scatter [tilespmem:s17], [sflag:$0x7], $0x8000, $0x38;
	[tilespmem:$0x18600] =	vst v63  }
0x85: {  	p0 =	sgt.u32 s29, $0x270  }
.Ltmp7:
0x86: {  	_ = 	snop;
	(pc) =	sbr.rel @p0 .LBB2_10-.Ltmp7, $4  }
.Ltmp8:
0x87: {  	_ = 	snop;
	(pc) =	sbr.rel @!p0 .LBB2_9-.Ltmp8, $4  }
0x88: {  	_ = 	snop  }
0x89: {  	_ = 	snop  }
0x8a: {  	_ = 	snop  }
0x8b: {  	_ = 	snop  }
.LBB2_12:
0x8c: {  	_ =	sfence.sel $0x180000  }
0x8d: {  	[bflag:$0x0] =	sbarrier.arrive $0xFFFF  }
0x8e: {  	_ =	strace $0x90000047  }
0x8f: {  	s0 =	stileid.u32;
	[bflag:$0x2] =	sbarrier.arrive $0xFFFF  }
0x90: {  	p0 =	sne.s32 s0, $0x0;
	s0 =	rddreg [dreg:$0x2]  }
0x91: {  	s0 =	sadd.s32 @!p0 $0x100000, s0  }
0x92: {  	[sflag:s0] =	ssyncadd.tile.s32 @!p0 $0x1;
	_ =	shalt  }
.Lfunc_end2:
_tile_overlayer_lowered:
.L_overlay_start_2:
0x93: {  	(tag) =	ssettag $0x2  }
0x94: {  	s0 =	rddreg [dreg:$0x0];
	s2 =	stileid.u32  }
0x95: {  	s1 =	rddreg [dreg:$0x1];
	p0 =	sne.s32 s2, $0x0  }
0x96: {  	s3 =	rddreg [dreg:$0x2];
	[bflag:$0x3] =	sbarrier.arrive $0xFFFF;
	s2 =	simm.s32 @!p0 $0x1C0A  }
0x97: {  	[timem:s3], [sflag:s2] =	dma.local @!p0 [hbm:s0], s1  }
0x98: {  	s0 =	simm.s32 @!p0 $0xA  }
0x99: {  	_ =	swait.ge @!p0 [sflag:s0], s1  }
0x9a: {  	s1 =	ssub.s32 @!p0 $0x0, s1;
	[sflag:s0] =	ssyncset.done @!p0 $0x0  }
0x9b: {  	[sflag:s0] =	ssyncadd.s32 @!p0 s1  }
0x9c: {  	[bflag:$0x3] =	sbarrier.arrive $0xFFFF  }
0x9d: {  	_ =	shalt  }

// kernel: kernel.16.cloned.1.call-start
scs
__scs_entry_jumppad:
0x0: {  	(pc) =	sbr.rel $0x88, $3  }
0x1: {  	(tag) =	ssettag $0x0;
	lr =	simm.s32 $0x1  }
0x2: {  	[smem:$0x3F92] =	sst lr;
	_ =	strace $0xD0000000  }
0x3: {  	_ = 	snop  }
0x4: {  	_ = 	snop  }
0x5: {  	_ = 	snop  }
0x6: {  	_ = 	snop  }
0x7: {  	_ = 	snop  }
__scs_overlays_trampoline_lowered:
0x8: {  	[smem:$0x3FA1] =	sst s0  }
0x9: {  	[smem:$0x3FA2] =	sst s1  }
0xa: {  	[smem:$0x3FA3] =	sst s2  }
0xb: {  	[smem:$0x3FA4] =	sst s3  }
0xc: {  	[smem:$0x3FA5] =	sst s4  }
0xd: {  	[smem:$0x3FA6] =	sst s5  }
0xe: {  	[smem:$0x3FA7] =	sst s6  }
0xf: {  	[smem:$0x3FA8] =	sst s7  }
0x10: {  	[smem:$0x3FA9] =	sst s8  }
0x11: {  	[smem:$0x3FAA] =	sst s9;
	s0 =	simm.s32 @!p0 $0x0  }
0x12: {  	s1 =	sld [smem:$0x3F90];
	s0 =	simm.s32 @p0 $0x1  }
0x13: {  	[smem:$0x3FAB] =	sst s0;
	s0 =	simm.s32 @!p1 $0x0  }
0x14: {  	s2 =	sld [smem:$0x3F8F];
	s0 =	simm.s32 @p1 $0x1  }
0x15: {  	[smem:$0x3FAC] =	sst s0;
	s0 =	simm.s32 @!p2 $0x0  }
0x16: {  	s3 =	sld [smem:$0x3FDB];
	s0 =	simm.s32 @p2 $0x1  }
0x17: {  	s4 =	simm.s32 $0x1BF5;
	[smem:$0x3FAE] =	sst s0  }
0x18: {  	s0 =	sld [smem:$0x3F91];
	_ =	swait.ge [sflag:s4], $0x0  }
0x19: {  	s7 =	sld [smem:$0x3F92]  }
0x1a: {  	s8 =	sadd.s32 $0xFFFFE003, lr  }
0x1b: {  	s9 =	sadd.s32 $0xFFFFFEF7, lr;
	s5 =	simm.s32 $0xFFFFFFFF;
	p2 =	slt.u32 s8, $0xFFFFF086  }
0x1c: {  	p1 =	slt.u32 s9, $0xF7A;
	s5 =	simm.s32 @!p2 $0x0  }
0x1d: {  	s5 =	simm.s32 @p1 $0x1;
	p0 =	seq.s32 s7, s2  }
0x1e: {  	s7 =	smul.u32 @!p0 $0xF7A, s2;
	p2 =	seq.s32 @!p0 s5, $0x0  }
0x1f: {  	s9 =	smul.u32 $0xF7A, s1;
	s8 =	simm.s32 @!p0 $0x1BF5;
	p2 =	por !p2, p0  }
0x20: {  	[sflag:s8] =	ssyncset.s32 @!p0 $0xFFFFF086;
	s6 =	sadd.s32 @!p0 s3, s7;
	s7 =	simm.s32 @!p0 $0x108  }
0x21: {  	s3 =	sadd.s32 s3, s9;
	s6 =	sadd.s32 @!p0 $0x88, s6;
	s7 =	simm.s32 @p2 $0x1082  }
0x22: {  	[simem:s7], [sflag:s8] =	dma.local @!p0 [hbm:s6], $0xF7A  }
0x23: {  	s9 =	sor.u32 $0xD0000000, s2;
	s6 =	simm.s32 $0x108;
	_ =	swait.ge @!p0 [sflag:s8], $0x0  }
0x24: {  	s3 =	sadd.s32 $0x88, s3;
	s6 =	simm.s32 @!p1 $0x1082;
	[sflag:s4] =	ssyncset.s32 $0xFFFFF086  }
0x25: {  	[simem:s6], [sflag:s4] =	dma.local [hbm:s3], $0xF7A  }
0x26: {  	[smem:$0x3F92] =	sst s1;
	(tag) =	ssettag s2;
	_ =	strace s9  }
0x27: {  	s1 =	sld [smem:$0x3FA2]  }
0x28: {  	s2 =	sld [smem:$0x3FA3]  }
0x29: {  	s4 =	sld [smem:$0x3FA5]  }
0x2a: {  	p0 =	seq.s32 s5, $0x0;
	s5 =	sld [smem:$0x3FA6]  }
0x2b: {  	s6 =	sld [smem:$0x3FA7]  }
0x2c: {  	s7 =	sld [smem:$0x3FA8]  }
0x2d: {  	s3 =	simm.s32 $0x108;
	s8 =	sld [smem:$0x3FA9]  }
0x2e: {  	s3 =	simm.s32 @!p0 $0x1082;
	s9 =	sld [smem:$0x3FAA]  }
0x2f: {  	lr =	sadd.s32 s0, s3;
	s0 =	sld [smem:$0x3FA1]  }
0x30: {  	s3 =	sld [smem:$0x3FA4]  }
0x31: {  	[smem:$0x3FAD] =	sst s10  }
0x32: {  	s10 =	sld [smem:$0x3FAB];
	_ =	sdelay $0x3  }
0x33: {  	p0 =	seq.s32 s10, $0x1;
	s10 =	sld [smem:$0x3FAD];
	_ =	sdelay $0x3  }
0x34: {  	[smem:$0x3FAD] =	sst s10  }
0x35: {  	s10 =	sld [smem:$0x3FAC];
	_ =	sdelay $0x3  }
0x36: {  	p1 =	seq.s32 s10, $0x1;
	s10 =	sld [smem:$0x3FAD];
	_ =	sdelay $0x3  }
0x37: {  	[smem:$0x3FAD] =	sst s10  }
0x38: {  	s10 =	sld [smem:$0x3FAE]  }
0x39: {  	_ = 	snop;
	(pc) =	sbr.ind lr, $3  }
0x3a: {  	_ = 	snop  }
0x3b: {  	_ = 	snop  }
0x3c: {  	p2 =	seq.s32 s10, $0x1;
	s10 =	sld [smem:$0x3FAD]  }
0x3d: {  	_ =	shalt  }
0x3e: {  	_ =	shalt  }
0x3f: {  	_ =	shalt  }
0x40: {  	_ =	shalt  }
0x41: {  	_ =	shalt  }
0x42: {  	_ =	shalt  }
0x43: {  	_ =	shalt  }
0x44: {  	_ =	shalt  }
0x45: {  	_ =	shalt  }
0x46: {  	_ =	shalt  }
0x47: {  	_ =	shalt  }
0x48: {  	_ =	shalt  }
0x49: {  	_ =	shalt  }
0x4a: {  	_ =	shalt  }
0x4b: {  	_ =	shalt  }
0x4c: {  	_ =	shalt  }
0x4d: {  	_ =	shalt  }
0x4e: {  	_ =	shalt  }
0x4f: {  	_ =	shalt  }
0x50: {  	_ =	shalt  }
0x51: {  	_ =	shalt  }
0x52: {  	_ =	shalt  }
0x53: {  	_ =	shalt  }
0x54: {  	_ =	shalt  }
0x55: {  	_ =	shalt  }
0x56: {  	_ =	shalt  }
0x57: {  	_ =	shalt  }
0x58: {  	_ =	shalt  }
0x59: {  	_ =	shalt  }
0x5a: {  	_ =	shalt  }
0x5b: {  	_ =	shalt  }
0x5c: {  	_ =	shalt  }
0x5d: {  	_ =	shalt  }
0x5e: {  	_ =	shalt  }
0x5f: {  	_ =	shalt  }
0x60: {  	_ =	shalt  }
0x61: {  	_ =	shalt  }
0x62: {  	_ =	shalt  }
0x63: {  	_ =	shalt  }
0x64: {  	_ =	shalt  }
0x65: {  	_ =	shalt  }
0x66: {  	_ =	shalt  }
0x67: {  	_ =	shalt  }
0x68: {  	_ =	shalt  }
0x69: {  	_ =	shalt  }
0x6a: {  	_ =	shalt  }
0x6b: {  	_ =	shalt  }
0x6c: {  	_ =	shalt  }
0x6d: {  	_ =	shalt  }
0x6e: {  	_ =	shalt  }
0x6f: {  	_ =	shalt  }
0x70: {  	_ =	shalt  }
0x71: {  	_ =	shalt  }
0x72: {  	_ =	shalt  }
0x73: {  	_ =	shalt  }
0x74: {  	_ =	shalt  }
0x75: {  	_ =	shalt  }
0x76: {  	_ =	shalt  }
0x77: {  	_ =	shalt  }
0x78: {  	_ =	shalt  }
0x79: {  	_ =	shalt  }
0x7a: {  	_ =	shalt  }
0x7b: {  	_ =	shalt  }
0x7c: {  	_ =	shalt  }
0x7d: {  	_ =	shalt  }
0x7e: {  	_ =	shalt  }
0x7f: {  	_ =	shalt  }
0x80: {  	_ =	shalt  }
0x81: {  	_ =	shalt  }
0x82: {  	_ =	shalt  }
0x83: {  	_ =	shalt  }
0x84: {  	_ =	shalt  }
0x85: {  	_ =	shalt  }
0x86: {  	_ =	shalt  }
0x87: {  	_ =	shalt  }
.Lfunc_end0:
.L_simem_size_0:
called_computation.2_lowered:
.L_overlay_start_0:
0x88: {  	s2 =	sld [smem:$0x3FD9]  }
0x89: {  	s3 =	sld [smem:$0x3FFE];
	_ =	sdelay $0x1  }
0x8a: {  	s1 =	srdreg.scid  }
0x8b: {  	s0 =	sand.u32 $0x1, s1  }
0x8c: {  	s17 =	sshll.u32 s0, $0xA;
	s2 =	sadd.s32 s3, s2  }
0x8d: {  	s2 =	sadd.s32 s2, s17  }
0x8e: {  	[smem:$0x3FB9] =	sst s2  }
0x8f: {  	_ = 	snop  }
0x90: {  	(tm) =	ssettm $0x1  }
0x91: {  	s18 =	sld [smem:$0x3FFB];
	_ =	sdelay $0x3  }
0x92: {  	_ =	strace s18  }
0x93: {  	s2 =	sld [smem:$0x3FFC];
	_ =	sdelay $0x3  }
0x94: {  	_ =	strace s2  }
0x95: {  	s2 =	sld [smem:$0x3FFD];
	_ =	sdelay $0x3  }
0x96: {  	_ =	strace s2  }
0x97: {  	_ =	strace $0x8FFFFFFF  }
0x98: {  	s19 =	sld [smem:$0x3FDB];
	_ =	sdelay $0x1  }
0x99: {  	s20 =	simm.s32 $_scs_section_size  }
0x9a: {  	s4 =	simm.s32 $_size__tile_overlayer_lowered;
	s5 =	simm.s32 $_tile_overlayer_lowered  }
0x9b: {  	s6 =	simm.s32 $0x1BFF;
	s21 =	sshll.u32 s5, $0x1;
	s3 =	sadd.s32 s20, s19  }
0x9c: {  	s22 =	simm.s32 $0x0;
	s4 =	sshll.u32 s4, $0x1;
	s5 =	sadd.s32 s21, s3  }
0x9d: {  	[timem:s22], [sflag:s6] =	dma.local [hbm:s5], s4  }
0x9e: {  	_ =	swait.ge [sflag:s6], s4  }
0x9f: {  	s4 =	ssub.s32 $0x0, s4;
	[sflag:s6] =	ssyncset.done $0x0  }
0xa0: {  	[sflag:s6] =	ssyncadd.s32 s4;
	_ =	sdelay $0x1  }
0xa1: {  	s23 =	simm.s32 $0x1B8B  }
0xa2: {  	_ =	swait.ge [sflag:s23], $0x1  }
0xa3: {  	[sflag:s23] =	ssyncset.done $0x0  }
0xa4: {  	[sflag:s23] =	ssyncadd.s32 $0xFFFFFFFF  }
0xa5: {  	s4 =	sld [smem:$0x0]  }
0xa6: {  	s5 =	sand.u32 $0xFFFFFFFE, s1  }
0xa7: {  	p0 =	sne.s32 s1, s5  }
0xa8: {  	s5 =	sshll.u32 @p0 s5, $0xE  }
0xa9: {  	s5 =	sadd.s32 @p0 $0x11B8D, s5;
	s6 =	sshll.u32 @p0 s4, $0x11  }
0xaa: {  	s5 =	sor.u32 @p0 s6, s5  }
0xab: {  	[sflag:s5] =	ssyncadd.remote.s32 @p0 $0x1;
	_ =	sdelay $0x1  }
0xac: {  	s5 =	simm.s32 @p0 $0x1B8D  }
0xad: {  	_ =	swait.eq @p0 [sflag:s5], $0x1  }
0xae: {  	[sflag:s5] =	ssyncadd.s32 @p0 $0xFFFFFFFF  }
0xaf: {  	s6 =	sshll.u32 @!p0 s1, $0xE  }
0xb0: {  	s6 =	sor.u32 @!p0 $0x4000, s6;
	s5 =	simm.s32 @!p0 $0x1B8D  }
0xb1: {  	s4 =	sshll.u32 @!p0 s4, $0x11;
	s6 =	sadd.s32 @!p0 $0x11B8D, s6;
	_ =	swait.eq @!p0 [sflag:s5], $0x1  }
0xb2: {  	s4 =	sor.u32 @!p0 s4, s6;
	[sflag:s5] =	ssyncadd.s32 @!p0 $0xFFFFFFFF  }
0xb3: {  	s25 =	simm.s32 $0x1B8E;
	s24 =	sld [smem:$0x3FFE];
	[sflag:s4] =	ssyncadd.remote.s32 @!p0 $0x1  }
0xb4: {  	s26 =	simm.s32 $execute0_lowered;
	[smem:$0x3FD2] =	sst s25  }
0xb5: {  	s5 =	sshll.u32 s26, $0x1;
	_ =	strace $0x8000004F;
	[dreg:$0x1] =	wrdreg $0xFFFFFFFF  }
0xb6: {  	s28 =	simm.s32 $_size_execute0_lowered;
	s3 =	sadd.s32 s3, s5;
	[dreg:$0x0] =	wrdreg $0x0  }
0xb7: {  	s5 =	sshll.u32 s28, $0x1;
	[dreg:$0x2] =	wrdreg s3  }
0xb8: {  	[dreg:$0x3] =	wrdreg s5  }
0xb9: {  	[dreg:$0x4] =	wrdreg $0xC0  }
0xba: {  	_ =	task [dreg:s22], $0x5FFFF  }
0xbb: {  	[dreg:$0x1] =	wrdreg $0xFFFFFFFF  }
0xbc: {  	[dreg:$0x0] =	wrdreg $0x60  }
0xbd: {  	[dreg:$0x2] =	wrdreg s24  }
0xbe: {  	[dreg:$0x3] =	wrdreg $0x81000  }
0xbf: {  	[dreg:$0x4] =	wrdreg $0x9  }
0xc0: {  	_ =	task.clear_ibuf [dreg:s22], $0x5FFFF;
	_ =	strace $0x9000004F  }
0xc1: {  	s29 =	simm.s32 $0x9;
	_ =	strace $0x80000051  }
0xc2: {  	_ =	swait.ge [sflag:s29], $0x1  }
0xc3: {  	[sflag:s29] =	ssyncadd.s32 $0xFFFFFFFF  }
0xc4: {  	_ =	strace $0x90000051  }
0xc5: {  	_ =	sfence  }
0xc6: {  	s30 =	sld [smem:$0x0];
	_ =	sdelay $0x2  }
0xc7: {  	s31 =	sshll.u32 s1, $0xD;
	s1 =	sshrl.u32 s1, $0x2  }
0xc8: {  	s4 =	sand.u32 $0x4000, s31;
	s1 =	sadd.s32 s1, s30  }
0xc9: {  	s0 =	sor.u32 s4, s0;
	s1 =	sshll.u32 s1, $0x11  }
0xca: {  	s0 =	sor.u32 s1, s0  }
0xcb: {  	s0 =	sadd.s32 $0x8F2B, s0  }
0xcc: {  	[sflag:s0] =	ssyncadd.remote.s32 $0x1  }
0xcd: {  	_ =	sfence.sel $0xFFFF  }
0xce: {  	[dreg:$0x0] =	wrdreg $0xFFFFFFFF;
	(pc) =	sbr.abs _section_cstart, $3  }
0xcf: {  	[dreg:$0x1] =	wrdreg $0xFFFFFFFF  }
0xd0: {  	_ =	task.clear_ibuf [dreg:s22], $0x2FFFF;
	_ =	strace $0x9FFFFFFF  }
0xd1: {  	(tm) =	ssettm $0x7FFFFFFF  }
tec
execute0_lowered:
.L_overlay_start_1:
0x0: {  	(tag) =	ssettag $0x1  }
0x1: {  	s6 =	rddreg [dreg:$0x0]  }
0x2: {  	s2 =	rddreg [dreg:$0x1]  }
0x3: {  	s0 =	rddreg [dreg:$0x2];
	s3 =	simm.s32 $0x0;
	s1 =	stileid.u32  }
0x4: {  	s8 =	srdreg.scid;
	[smem:$0x7FF] =	sst s3;
	s4 =	sshll.u32 s1, $0xD  }
0x5: {  	s5 =	sshll.u32 s1, $0x6;
	s7 =	smul.u32 $0x13800, s1;
	s12 =	sand.u32 $0x1, s8  }
0x6: {  	s10 =	smul.u32 $0x4E000, s1;
	s13 =	sadd.s32 $0xB5A00, s6;
	s15 =	sshll.u32 s1, $0x1  }
0x7: {  	s17 =	sadd.s32 $0x138000, s2;
	p0 =	sne.s32 s1, $0xF;
	_ =	strace $0x80000050  }
0x8: {  	s11 =	sadd.s32 s4, s6;
	s9 =	sadd.s32 s5, s6;
	s8 =	ssub.s32 $0x2, s12  }
0x9: {  	s28 =	smul.u32 $0x138800, s12;
	s5 =	sor.u32 $0x1C02, s5;
	s30 =	sshll.u32 s12, $0x5  }
0xa: {  	s31 =	sshll.u32 s12, $0xC;
	s12 =	sor.u32 s12, s15;
	s15 =	sshrl.u32 @!p0 s17, $0x3  }
0xb: {  	s25 =	sshrl.u32 s7, $0x3;
	s14 =	sshrl.u32 s8, $0x1;
	s26 =	sshrl.u32 s10, $0x2  }
0xc: {  	s10 =	sadd.s32 s30, s9;
	s11 =	sadd.s32 s31, s11;
	s4 =	sadd.s32 s25, s6  }
0xd: {  	s14 =	ssub.s32 s8, s14;
	s16 =	sadd.s32 s26, s2;
	s7 =	sadd.s32 s7, s28  }
0xe: {  	s6 =	sadd.s32 $0x67600, s6;
	s29 =	sshrl.u32 s28, $0x3;
	s10 =	sadd.s32 $0x2BB600, s10  }
0xf: {  	s11 =	sadd.s32 $0x531600, s11;
	s4 =	sadd.s32 $0x40600, s4;
	s7 =	sshrl.u32 s7, $0x3  }
0x10: {  	s8 =	sadd.s32 s13, s29;
	s9 =	smax.u32 s14, $0x1;
	s14 =	simm.s32 $0x2  }
0x11: {  	s7 =	sadd.s32 s13, s7;
	s8 =	sadd.s32 $0x27000, s8;
	s13 =	sshrl.u32 s16, $0x3  }
.LBB2_1:
0x12: {  	[spmem:s13], [sflag:s5] =	dma.local [hbm:s4], $0x2700  }
0x13: {  	_ =	swait.ge [sflag:s14], $0x2700  }
0x14: {  	[sflag:s14] =	ssyncset.done $0x0  }
0x15: {  	s16 =	simm.s32 @!p0 $0x2;
	[sflag:s14] =	ssyncadd.s32 $0xFFFFD900  }
0x16: {  	[spmem:s15], [sflag:s5] =	dma.local @!p0 [hbm:s6], $0x100  }
0x17: {  	_ =	swait.ge @!p0 [sflag:s16], $0x100  }
0x18: {  	s17 =	sadd.s32 $0x0, s12;
	[sflag:s16] =	ssyncset.done @!p0 $0x0  }
0x19: {  	p1 =	sgt.u32 s17, $0x270;
	[sflag:s16] =	ssyncadd.s32 @!p0 $0xFFFFFF00  }
0x1a: {  	s17 =	simm.s32 @!p1 $0x2;
	s16 =	simm.s32 @!p1 $0x0;
	[bflag:$0x0] =	sbarrier.arrive $0xFFFF  }
0x1b: {  	[tilespmem:s16], [sflag:$0x2] =	stream.linear.gather @!p1 [hbm4b:s10+s16], $0x100, $0x38;
	[tilespmem:$0x1B980] =	vst v63  }
0x1c: {  	_ =	swait.ge @!p1 [sflag:s17], $0x100  }
0x1d: {  	[sflag:s17] =	ssyncset.done @!p1 $0x0;
	p1 =	por p1, p1  }
0x1e: {  	[sflag:s17] =	ssyncadd.s32 @!p1 $0xFFFFFF00;
	s18 =	simm.s32 @!p1 $0x100  }
0x1f: {  	[tilespmem:s18], [sflag:$0x2] =	stream.linear.gather @!p1 [hbm4b:s11+s16], $0x8000, $0x38;
	[tilespmem:$0x1B980] =	vst v63  }
0x20: {  	_ =	swait.ge @!p1 [sflag:s17], $0x8000  }
0x21: {  	[sflag:s17] =	ssyncset.done @!p1 $0x0  }
0x22: {  	[sflag:s17] =	ssyncadd.s32 @!p1 $0xFFFF8000;
	s17 =	simm.s32 @!p1 $0x80  }
0x23: {  	[spmem:s2] =	stream.indirect.scatter.add.f32 @!p1 [tilespmem:s18], [sflag:$0x1], $0x80, s16, s17, $0xb8;
	[tilespmem:$0x1B980] =	vst v63  }
0x24: {  	s19 =	simm.s32 @!p1 $0x1;
	s16 =	simm.s32 @!p1 $0x4100  }
0x25: {  	[spmem:s2] =	stream.indirect.scatter.add.f32 @!p1 [tilespmem:s16], [sflag:$0x1], $0x80, s17, s17, $0xb8;
	[tilespmem:$0x1B980] =	vst v63  }
0x26: {  	_ =	swait.ge @!p1 [sflag:s19], $0x4000  }
0x27: {  	[sflag:s19] =	ssyncset.done @!p1 $0x0  }
0x28: {  	s31 =	sadd.s32 $0x20, s12;
	[sflag:s19] =	ssyncadd.s32 @!p1 $0xFFFFC000  }
0x29: {  	p3 =	sgt.u32 s31, $0x270;
	s18 =	sadd.s32 $0x400, s10;
	_ =	swait.ge @!p1 [sflag:s19], $0x4000  }
0x2a: {  	s17 =	simm.s32 $0x40;
	s16 =	sadd.s32 $0x20000, s11;
	[sflag:s19] =	ssyncset.done @!p1 $0x0  }
.LBB2_2:
0x2b: {  	s20 =	simm.s32 @!p3 $0x0;
	s21 =	simm.s32 @!p3 $0x2;
	[sflag:s19] =	ssyncadd.s32 @!p1 $0xFFFFC000  }
0x2c: {  	[tilespmem:s20], [sflag:$0x2] =	stream.linear.gather @!p3 [hbm4b:s18+s20], $0x100, $0x38;
	[tilespmem:$0x1B980] =	vst v63  }
0x2d: {  	s22 =	smov.u32 s17;
	s17 =	sadd.s32 $0x20, s17;
	_ =	swait.ge @!p3 [sflag:s21], $0x100  }
0x2e: {  	p1 =	por p3, p3;
	p2 =	sne.s32 s17, $0x280;
	[sflag:s21] =	ssyncset.done @!p3 $0x0  }
0x2f: {  	s19 =	simm.s32 @!p1 $0x100;
	[sflag:s21] =	ssyncadd.s32 @!p1 $0xFFFFFF00  }
0x30: {  	[tilespmem:s19], [sflag:$0x2] =	stream.linear.gather @!p1 [hbm4b:s16+s20], $0x8000, $0x38;
	[tilespmem:$0x1B980] =	vst v63  }
0x31: {  	_ =	swait.ge @!p1 [sflag:s21], $0x8000  }
0x32: {  	[sflag:s21] =	ssyncset.done @!p1 $0x0  }
0x33: {  	[sflag:s21] =	ssyncadd.s32 @!p1 $0xFFFF8000;
	s21 =	simm.s32 @!p1 $0x80  }
0x34: {  	[spmem:s2] =	stream.indirect.scatter.add.f32 @!p1 [tilespmem:s19], [sflag:$0x1], $0x80, s20, s21, $0xb8;
	[tilespmem:$0x1B980] =	vst v63  }
0x35: {  	s20 =	simm.s32 @!p1 $0x4100;
	s19 =	simm.s32 @!p1 $0x1  }
0x36: {  	[spmem:s2] =	stream.indirect.scatter.add.f32 @!p1 [tilespmem:s20], [sflag:$0x1], $0x80, s21, s21, $0xb8;
	[tilespmem:$0x1B980] =	vst v63  }
.Ltmp0:
0x37: {  	_ =	swait.ge @!p1 [sflag:s19], $0x4000;
	(pc) =	sbr.rel @p2 .LBB2_2-.Ltmp0, $4  }
0x38: {  	[sflag:s19] =	ssyncset.done @!p1 $0x0  }
0x39: {  	[sflag:s19] =	ssyncadd.s32 @!p1 $0xFFFFC000  }
0x3a: {  	s16 =	sadd.s32 $0x20000, s16;
	s20 =	sadd.s32 s22, s12;
	_ =	swait.ge @!p1 [sflag:s19], $0x4000  }
0x3b: {  	s18 =	sadd.s32 $0x400, s18;
	p3 =	sgt.u32 s20, $0x270;
	[sflag:s19] =	ssyncset.done @!p1 $0x0  }
0x3c: {  	s17 =	simm.s32 @!p3 $0x0;
	s20 =	simm.s32 @!p3 $0x2;
	[sflag:s19] =	ssyncadd.s32 @!p1 $0xFFFFC000  }
0x3d: {  	[tilespmem:s17], [sflag:$0x2] =	stream.linear.gather @!p3 [hbm4b:s18+s17], $0x100, $0x38;
	[tilespmem:$0x1B980] =	vst v63  }
0x3e: {  	_ =	swait.ge @!p3 [sflag:s20], $0x100  }
0x3f: {  	p1 =	por p3, p3;
	[sflag:s20] =	ssyncset.done @!p3 $0x0  }
0x40: {  	s18 =	simm.s32 @!p1 $0x100;
	[sflag:s20] =	ssyncadd.s32 @!p1 $0xFFFFFF00  }
0x41: {  	[tilespmem:s18], [sflag:$0x2] =	stream.linear.gather @!p1 [hbm4b:s16+s17], $0x8000, $0x38;
	[tilespmem:$0x1B980] =	vst v63  }
0x42: {  	_ =	swait.ge @!p1 [sflag:s20], $0x8000  }
0x43: {  	[sflag:s20] =	ssyncset.done @!p1 $0x0  }
0x44: {  	s16 =	simm.s32 @!p1 $0x80;
	[sflag:s20] =	ssyncadd.s32 @!p1 $0xFFFF8000  }
0x45: {  	[spmem:s2] =	stream.indirect.scatter.add.f32 @!p1 [tilespmem:s18], [sflag:$0x1], $0x80, s17, s16, $0xb8;
	[tilespmem:$0x1B980] =	vst v63  }
0x46: {  	s17 =	simm.s32 @!p1 $0x4100;
	s18 =	simm.s32 @!p1 $0x1  }
0x47: {  	[spmem:s2] =	stream.indirect.scatter.add.f32 @!p1 [tilespmem:s17], [sflag:$0x1], $0x80, s16, s16, $0xb8;
	[tilespmem:$0x1B980] =	vst v63  }
0x48: {  	_ =	swait.ge @!p1 [sflag:s18], $0x4000  }
0x49: {  	[sflag:s18] =	ssyncset.done @!p1 $0x0  }
0x4a: {  	[sflag:s18] =	ssyncadd.s32 @!p1 $0xFFFFC000  }
0x4b: {  	_ =	swait.ge @!p1 [sflag:s18], $0x4000  }
0x4c: {  	[sflag:s18] =	ssyncset.done @!p1 $0x0  }
0x4d: {  	[sflag:s18] =	ssyncadd.s32 @!p1 $0xFFFFC000  }
0x4e: {  	[bflag:$0x0] =	sbarrier.arrive $0xFFFF  }
0x4f: {  	[hbm:s7], [sflag:s5] =	dma.local [spmem:s13], $0x2700  }
0x50: {  	s3 =	sadd.s32 $0x1, s3;
	_ =	swait.ge [sflag:s14], $0x2700  }
0x51: {  	p1 =	sne.s32 s3, s9;
	[sflag:s14] =	ssyncset.done $0x0  }
.Ltmp1:
0x52: {  	s16 =	simm.s32 @!p0 $0x2;
	[sflag:s14] =	ssyncadd.s32 $0xFFFFD900;
	(pc) =	sbr.rel @p1 .LBB2_1-.Ltmp1, $4  }
0x53: {  	[hbm:s8], [sflag:s5] =	dma.local @!p0 [spmem:s15], $0x100  }
0x54: {  	_ =	swait.ge @!p0 [sflag:s16], $0x100  }
0x55: {  	[sflag:s16] =	ssyncset.done @!p0 $0x0  }
0x56: {  	[sflag:s16] =	ssyncadd.s32 @!p0 $0xFFFFFF00  }
0x57: {  	_ =	sfence.sel $0x180000  }
0x58: {  	[bflag:$0x0] =	sbarrier.arrive $0xFFFF  }
0x59: {  	p0 =	sne.s32 s1, $0x0;
	_ =	strace $0x90000050  }
0x5a: {  	s0 =	sadd.s32 @!p0 $0x100000, s0;
	[bflag:$0x2] =	sbarrier.arrive $0xFFFF  }
0x5b: {  	[sflag:s0] =	ssyncadd.tile.s32 @!p0 $0x1;
	_ =	shalt  }
.Lfunc_end2:
_tile_overlayer_lowered:
.L_overlay_start_2:
0x5c: {  	(tag) =	ssettag $0x2  }
0x5d: {  	s0 =	rddreg [dreg:$0x0];
	s2 =	stileid.u32  }
0x5e: {  	s1 =	rddreg [dreg:$0x1];
	p0 =	sne.s32 s2, $0x0  }
0x5f: {  	s3 =	rddreg [dreg:$0x2];
	[bflag:$0x3] =	sbarrier.arrive $0xFFFF;
	s2 =	simm.s32 @!p0 $0x1C02  }
0x60: {  	[timem:s3], [sflag:s2] =	dma.local @!p0 [hbm:s0], s1  }
0x61: {  	s0 =	simm.s32 @!p0 $0x2  }
0x62: {  	_ =	swait.ge @!p0 [sflag:s0], s1  }
0x63: {  	s1 =	ssub.s32 @!p0 $0x0, s1;
	[sflag:s0] =	ssyncset.done @!p0 $0x0  }
0x64: {  	[sflag:s0] =	ssyncadd.s32 @!p0 s1  }
0x65: {  	[bflag:$0x3] =	sbarrier.arrive $0xFFFF  }
0x66: {  	_ =	shalt  }

// kernel: kernel.19.cloned.1.call-start
scs
__scs_entry_jumppad:
0x0: {  	(pc) =	sbr.rel $0x88, $3  }
0x1: {  	(tag) =	ssettag $0x0;
	lr =	simm.s32 $0x1  }
0x2: {  	[smem:$0x3F92] =	sst lr;
	_ =	strace $0xD0000000  }
0x3: {  	_ = 	snop  }
0x4: {  	_ = 	snop  }
0x5: {  	_ = 	snop  }
0x6: {  	_ = 	snop  }
0x7: {  	_ = 	snop  }
__scs_overlays_trampoline_lowered:
0x8: {  	[smem:$0x3FA1] =	sst s0  }
0x9: {  	[smem:$0x3FA2] =	sst s1  }
0xa: {  	[smem:$0x3FA3] =	sst s2  }
0xb: {  	[smem:$0x3FA4] =	sst s3  }
0xc: {  	[smem:$0x3FA5] =	sst s4  }
0xd: {  	[smem:$0x3FA6] =	sst s5  }
0xe: {  	[smem:$0x3FA7] =	sst s6  }
0xf: {  	[smem:$0x3FA8] =	sst s7  }
0x10: {  	[smem:$0x3FA9] =	sst s8  }
0x11: {  	[smem:$0x3FAA] =	sst s9;
	s0 =	simm.s32 @!p0 $0x0  }
0x12: {  	s1 =	sld [smem:$0x3F90];
	s0 =	simm.s32 @p0 $0x1  }
0x13: {  	[smem:$0x3FAB] =	sst s0;
	s0 =	simm.s32 @!p1 $0x0  }
0x14: {  	s2 =	sld [smem:$0x3F8F];
	s0 =	simm.s32 @p1 $0x1  }
0x15: {  	[smem:$0x3FAC] =	sst s0;
	s0 =	simm.s32 @!p2 $0x0  }
0x16: {  	s3 =	sld [smem:$0x3FDB];
	s0 =	simm.s32 @p2 $0x1  }
0x17: {  	s4 =	simm.s32 $0x1BF5;
	[smem:$0x3FAE] =	sst s0  }
0x18: {  	s0 =	sld [smem:$0x3F91];
	_ =	swait.ge [sflag:s4], $0x0  }
0x19: {  	s7 =	sld [smem:$0x3F92]  }
0x1a: {  	s8 =	sadd.s32 $0xFFFFE003, lr  }
0x1b: {  	s9 =	sadd.s32 $0xFFFFFEF7, lr;
	s5 =	simm.s32 $0xFFFFFFFF;
	p2 =	slt.u32 s8, $0xFFFFF086  }
0x1c: {  	p1 =	slt.u32 s9, $0xF7A;
	s5 =	simm.s32 @!p2 $0x0  }
0x1d: {  	s5 =	simm.s32 @p1 $0x1;
	p0 =	seq.s32 s7, s2  }
0x1e: {  	s7 =	smul.u32 @!p0 $0xF7A, s2;
	p2 =	seq.s32 @!p0 s5, $0x0  }
0x1f: {  	s9 =	smul.u32 $0xF7A, s1;
	s8 =	simm.s32 @!p0 $0x1BF5;
	p2 =	por !p2, p0  }
0x20: {  	[sflag:s8] =	ssyncset.s32 @!p0 $0xFFFFF086;
	s6 =	sadd.s32 @!p0 s3, s7;
	s7 =	simm.s32 @!p0 $0x108  }
0x21: {  	s3 =	sadd.s32 s3, s9;
	s6 =	sadd.s32 @!p0 $0x88, s6;
	s7 =	simm.s32 @p2 $0x1082  }
0x22: {  	[simem:s7], [sflag:s8] =	dma.local @!p0 [hbm:s6], $0xF7A  }
0x23: {  	s9 =	sor.u32 $0xD0000000, s2;
	s6 =	simm.s32 $0x108;
	_ =	swait.ge @!p0 [sflag:s8], $0x0  }
0x24: {  	s3 =	sadd.s32 $0x88, s3;
	s6 =	simm.s32 @!p1 $0x1082;
	[sflag:s4] =	ssyncset.s32 $0xFFFFF086  }
0x25: {  	[simem:s6], [sflag:s4] =	dma.local [hbm:s3], $0xF7A  }
0x26: {  	[smem:$0x3F92] =	sst s1;
	(tag) =	ssettag s2;
	_ =	strace s9  }
0x27: {  	s1 =	sld [smem:$0x3FA2]  }
0x28: {  	s2 =	sld [smem:$0x3FA3]  }
0x29: {  	s4 =	sld [smem:$0x3FA5]  }
0x2a: {  	p0 =	seq.s32 s5, $0x0;
	s5 =	sld [smem:$0x3FA6]  }
0x2b: {  	s6 =	sld [smem:$0x3FA7]  }
0x2c: {  	s7 =	sld [smem:$0x3FA8]  }
0x2d: {  	s3 =	simm.s32 $0x108;
	s8 =	sld [smem:$0x3FA9]  }
0x2e: {  	s3 =	simm.s32 @!p0 $0x1082;
	s9 =	sld [smem:$0x3FAA]  }
0x2f: {  	lr =	sadd.s32 s0, s3;
	s0 =	sld [smem:$0x3FA1]  }
0x30: {  	s3 =	sld [smem:$0x3FA4]  }
0x31: {  	[smem:$0x3FAD] =	sst s10  }
0x32: {  	s10 =	sld [smem:$0x3FAB];
	_ =	sdelay $0x3  }
0x33: {  	p0 =	seq.s32 s10, $0x1;
	s10 =	sld [smem:$0x3FAD];
	_ =	sdelay $0x3  }
0x34: {  	[smem:$0x3FAD] =	sst s10  }
0x35: {  	s10 =	sld [smem:$0x3FAC];
	_ =	sdelay $0x3  }
0x36: {  	p1 =	seq.s32 s10, $0x1;
	s10 =	sld [smem:$0x3FAD];
	_ =	sdelay $0x3  }
0x37: {  	[smem:$0x3FAD] =	sst s10  }
0x38: {  	s10 =	sld [smem:$0x3FAE]  }
0x39: {  	_ = 	snop;
	(pc) =	sbr.ind lr, $3  }
0x3a: {  	_ = 	snop  }
0x3b: {  	_ = 	snop  }
0x3c: {  	p2 =	seq.s32 s10, $0x1;
	s10 =	sld [smem:$0x3FAD]  }
0x3d: {  	_ =	shalt  }
0x3e: {  	_ =	shalt  }
0x3f: {  	_ =	shalt  }
0x40: {  	_ =	shalt  }
0x41: {  	_ =	shalt  }
0x42: {  	_ =	shalt  }
0x43: {  	_ =	shalt  }
0x44: {  	_ =	shalt  }
0x45: {  	_ =	shalt  }
0x46: {  	_ =	shalt  }
0x47: {  	_ =	shalt  }
0x48: {  	_ =	shalt  }
0x49: {  	_ =	shalt  }
0x4a: {  	_ =	shalt  }
0x4b: {  	_ =	shalt  }
0x4c: {  	_ =	shalt  }
0x4d: {  	_ =	shalt  }
0x4e: {  	_ =	shalt  }
0x4f: {  	_ =	shalt  }
0x50: {  	_ =	shalt  }
0x51: {  	_ =	shalt  }
0x52: {  	_ =	shalt  }
0x53: {  	_ =	shalt  }
0x54: {  	_ =	shalt  }
0x55: {  	_ =	shalt  }
0x56: {  	_ =	shalt  }
0x57: {  	_ =	shalt  }
0x58: {  	_ =	shalt  }
0x59: {  	_ =	shalt  }
0x5a: {  	_ =	shalt  }
0x5b: {  	_ =	shalt  }
0x5c: {  	_ =	shalt  }
0x5d: {  	_ =	shalt  }
0x5e: {  	_ =	shalt  }
0x5f: {  	_ =	shalt  }
0x60: {  	_ =	shalt  }
0x61: {  	_ =	shalt  }
0x62: {  	_ =	shalt  }
0x63: {  	_ =	shalt  }
0x64: {  	_ =	shalt  }
0x65: {  	_ =	shalt  }
0x66: {  	_ =	shalt  }
0x67: {  	_ =	shalt  }
0x68: {  	_ =	shalt  }
0x69: {  	_ =	shalt  }
0x6a: {  	_ =	shalt  }
0x6b: {  	_ =	shalt  }
0x6c: {  	_ =	shalt  }
0x6d: {  	_ =	shalt  }
0x6e: {  	_ =	shalt  }
0x6f: {  	_ =	shalt  }
0x70: {  	_ =	shalt  }
0x71: {  	_ =	shalt  }
0x72: {  	_ =	shalt  }
0x73: {  	_ =	shalt  }
0x74: {  	_ =	shalt  }
0x75: {  	_ =	shalt  }
0x76: {  	_ =	shalt  }
0x77: {  	_ =	shalt  }
0x78: {  	_ =	shalt  }
0x79: {  	_ =	shalt  }
0x7a: {  	_ =	shalt  }
0x7b: {  	_ =	shalt  }
0x7c: {  	_ =	shalt  }
0x7d: {  	_ =	shalt  }
0x7e: {  	_ =	shalt  }
0x7f: {  	_ =	shalt  }
0x80: {  	_ =	shalt  }
0x81: {  	_ =	shalt  }
0x82: {  	_ =	shalt  }
0x83: {  	_ =	shalt  }
0x84: {  	_ =	shalt  }
0x85: {  	_ =	shalt  }
0x86: {  	_ =	shalt  }
0x87: {  	_ =	shalt  }
.Lfunc_end0:
.L_simem_size_0:
called_computation.3_lowered:
.L_overlay_start_0:
0x88: {  	s2 =	sld [smem:$0x3FD9]  }
0x89: {  	s3 =	sld [smem:$0x3FFE];
	_ =	sdelay $0x1  }
0x8a: {  	s1 =	srdreg.scid  }
0x8b: {  	s0 =	sand.u32 $0x1, s1  }
0x8c: {  	s17 =	sshll.u32 s0, $0xA;
	s2 =	sadd.s32 s3, s2  }
0x8d: {  	s2 =	sadd.s32 s2, s17  }
0x8e: {  	[smem:$0x3FB9] =	sst s2  }
0x8f: {  	_ = 	snop  }
0x90: {  	(tm) =	ssettm $0x1  }
0x91: {  	s18 =	sld [smem:$0x3FFB];
	_ =	sdelay $0x3  }
0x92: {  	_ =	strace s18  }
0x93: {  	s2 =	sld [smem:$0x3FFC];
	_ =	sdelay $0x3  }
0x94: {  	_ =	strace s2  }
0x95: {  	s2 =	sld [smem:$0x3FFD];
	_ =	sdelay $0x3  }
0x96: {  	_ =	strace s2  }
0x97: {  	_ =	strace $0x8FFFFFFF  }
0x98: {  	s19 =	sld [smem:$0x3FDB];
	_ =	sdelay $0x1  }
0x99: {  	s20 =	simm.s32 $_scs_section_size  }
0x9a: {  	s4 =	simm.s32 $_size__tile_overlayer_lowered;
	s5 =	simm.s32 $_tile_overlayer_lowered  }
0x9b: {  	s6 =	simm.s32 $0x1BFF;
	s21 =	sshll.u32 s5, $0x1;
	s3 =	sadd.s32 s20, s19  }
0x9c: {  	s22 =	simm.s32 $0x0;
	s4 =	sshll.u32 s4, $0x1;
	s5 =	sadd.s32 s21, s3  }
0x9d: {  	[timem:s22], [sflag:s6] =	dma.local [hbm:s5], s4  }
0x9e: {  	_ =	swait.ge [sflag:s6], s4  }
0x9f: {  	s4 =	ssub.s32 $0x0, s4;
	[sflag:s6] =	ssyncset.done $0x0  }
0xa0: {  	[sflag:s6] =	ssyncadd.s32 s4;
	_ =	sdelay $0x1  }
0xa1: {  	s23 =	simm.s32 $0x1B8B  }
0xa2: {  	_ =	swait.ge [sflag:s23], $0x1  }
0xa3: {  	[sflag:s23] =	ssyncset.done $0x0  }
0xa4: {  	[sflag:s23] =	ssyncadd.s32 $0xFFFFFFFF  }
0xa5: {  	s4 =	sld [smem:$0x0]  }
0xa6: {  	s5 =	sand.u32 $0xFFFFFFFE, s1  }
0xa7: {  	p0 =	sne.s32 s1, s5  }
0xa8: {  	s5 =	sshll.u32 @p0 s5, $0xE  }
0xa9: {  	s5 =	sadd.s32 @p0 $0x11B8D, s5;
	s6 =	sshll.u32 @p0 s4, $0x11  }
0xaa: {  	s5 =	sor.u32 @p0 s6, s5  }
0xab: {  	[sflag:s5] =	ssyncadd.remote.s32 @p0 $0x1;
	_ =	sdelay $0x1  }
0xac: {  	s5 =	simm.s32 @p0 $0x1B8D  }
0xad: {  	_ =	swait.eq @p0 [sflag:s5], $0x1  }
0xae: {  	[sflag:s5] =	ssyncadd.s32 @p0 $0xFFFFFFFF  }
0xaf: {  	s6 =	sshll.u32 @!p0 s1, $0xE  }
0xb0: {  	s6 =	sor.u32 @!p0 $0x4000, s6;
	s5 =	simm.s32 @!p0 $0x1B8D  }
0xb1: {  	s4 =	sshll.u32 @!p0 s4, $0x11;
	s6 =	sadd.s32 @!p0 $0x11B8D, s6;
	_ =	swait.eq @!p0 [sflag:s5], $0x1  }
0xb2: {  	s4 =	sor.u32 @!p0 s4, s6;
	[sflag:s5] =	ssyncadd.s32 @!p0 $0xFFFFFFFF  }
0xb3: {  	s25 =	simm.s32 $0x1B8E;
	s24 =	sld [smem:$0x3FFE];
	[sflag:s4] =	ssyncadd.remote.s32 @!p0 $0x1  }
0xb4: {  	s26 =	simm.s32 $execute0_lowered;
	[smem:$0x3FD2] =	sst s25  }
0xb5: {  	s5 =	sshll.u32 s26, $0x1;
	_ =	strace $0x8000004C;
	[dreg:$0x1] =	wrdreg $0xFFFFFFFF  }
0xb6: {  	s28 =	simm.s32 $_size_execute0_lowered;
	s3 =	sadd.s32 s3, s5;
	[dreg:$0x0] =	wrdreg $0x0  }
0xb7: {  	s5 =	sshll.u32 s28, $0x1;
	[dreg:$0x2] =	wrdreg s3  }
0xb8: {  	[dreg:$0x3] =	wrdreg s5  }
0xb9: {  	[dreg:$0x4] =	wrdreg $0xC0  }
0xba: {  	_ =	task [dreg:s22], $0x5FFFF  }
0xbb: {  	[dreg:$0x1] =	wrdreg $0xFFFFFFFF  }
0xbc: {  	[dreg:$0x0] =	wrdreg $0x60  }
0xbd: {  	[dreg:$0x2] =	wrdreg s24  }
0xbe: {  	[dreg:$0x3] =	wrdreg $0x81000  }
0xbf: {  	[dreg:$0x4] =	wrdreg $0xA  }
0xc0: {  	_ =	task.clear_ibuf [dreg:s22], $0x5FFFF;
	_ =	strace $0x9000004C  }
0xc1: {  	s29 =	simm.s32 $0xA;
	_ =	strace $0x8000004E  }
0xc2: {  	_ =	swait.ge [sflag:s29], $0x1  }
0xc3: {  	[sflag:s29] =	ssyncadd.s32 $0xFFFFFFFF  }
0xc4: {  	_ =	strace $0x9000004E  }
0xc5: {  	_ =	sfence  }
0xc6: {  	s30 =	sld [smem:$0x0];
	_ =	sdelay $0x2  }
0xc7: {  	s31 =	sshll.u32 s1, $0xD;
	s1 =	sshrl.u32 s1, $0x2  }
0xc8: {  	s4 =	sand.u32 $0x4000, s31;
	s1 =	sadd.s32 s1, s30  }
0xc9: {  	s0 =	sor.u32 s4, s0;
	s1 =	sshll.u32 s1, $0x11  }
0xca: {  	s0 =	sor.u32 s1, s0  }
0xcb: {  	s0 =	sadd.s32 $0x8F2B, s0  }
0xcc: {  	[sflag:s0] =	ssyncadd.remote.s32 $0x1  }
0xcd: {  	_ =	sfence.sel $0xFFFF  }
0xce: {  	[dreg:$0x0] =	wrdreg $0xFFFFFFFF;
	(pc) =	sbr.abs _section_cstart, $3  }
0xcf: {  	[dreg:$0x1] =	wrdreg $0xFFFFFFFF  }
0xd0: {  	_ =	task.clear_ibuf [dreg:s22], $0x2FFFF;
	_ =	strace $0x9FFFFFFF  }
0xd1: {  	(tm) =	ssettm $0x7FFFFFFF  }
tec
execute0_lowered:
.L_overlay_start_1:
0x0: {  	(tag) =	ssettag $0x1  }
0x1: {  	s6 =	rddreg [dreg:$0x0]  }
0x2: {  	s2 =	rddreg [dreg:$0x1]  }
0x3: {  	s0 =	rddreg [dreg:$0x2];
	s3 =	simm.s32 $0x0;
	s1 =	stileid.u32  }
0x4: {  	s8 =	srdreg.scid;
	[smem:$0x7FF] =	sst s3;
	s4 =	sshll.u32 s1, $0xD  }
0x5: {  	s5 =	sshll.u32 s1, $0x6;
	s7 =	smul.u32 $0x13800, s1;
	s12 =	sand.u32 $0x1, s8  }
0x6: {  	s10 =	smul.u32 $0x4E000, s1;
	s13 =	sadd.s32 $0x67800, s6;
	s15 =	sshll.u32 s1, $0x1  }
0x7: {  	s17 =	sadd.s32 $0x138000, s2;
	p0 =	sne.s32 s1, $0xF;
	_ =	strace $0x8000004D  }
0x8: {  	s11 =	sadd.s32 s4, s6;
	s9 =	sadd.s32 s5, s6;
	s8 =	ssub.s32 $0x2, s12  }
0x9: {  	s28 =	smul.u32 $0x138800, s12;
	s5 =	sor.u32 $0x1C02, s5;
	s30 =	sshll.u32 s12, $0x5  }
0xa: {  	s31 =	sshll.u32 s12, $0xC;
	s12 =	sor.u32 s12, s15;
	s15 =	sshrl.u32 @!p0 s17, $0x3  }
0xb: {  	s25 =	sshrl.u32 s7, $0x3;
	s14 =	sshrl.u32 s8, $0x1;
	s26 =	sshrl.u32 s10, $0x2  }
0xc: {  	s10 =	sadd.s32 s30, s9;
	s11 =	sadd.s32 s31, s11;
	s4 =	sadd.s32 s25, s6  }
0xd: {  	s14 =	ssub.s32 s8, s14;
	s16 =	sadd.s32 s26, s2;
	s7 =	sadd.s32 s7, s28  }
0xe: {  	s6 =	sadd.s32 $0x67600, s6;
	s29 =	sshrl.u32 s28, $0x3;
	s10 =	sadd.s32 $0x5600, s10  }
0xf: {  	s11 =	sadd.s32 $0x2C0600, s11;
	s4 =	sadd.s32 $0x40600, s4;
	s7 =	sshrl.u32 s7, $0x3  }
0x10: {  	s8 =	sadd.s32 s13, s29;
	s9 =	smax.u32 s14, $0x1;
	s14 =	simm.s32 $0x2  }
0x11: {  	s7 =	sadd.s32 s13, s7;
	s8 =	sadd.s32 $0x27000, s8;
	s13 =	sshrl.u32 s16, $0x3  }
.LBB2_1:
0x12: {  	[spmem:s13], [sflag:s5] =	dma.local [hbm:s4], $0x2700  }
0x13: {  	_ =	swait.ge [sflag:s14], $0x2700  }
0x14: {  	[sflag:s14] =	ssyncset.done $0x0  }
0x15: {  	s16 =	simm.s32 @!p0 $0x2;
	[sflag:s14] =	ssyncadd.s32 $0xFFFFD900  }
0x16: {  	[spmem:s15], [sflag:s5] =	dma.local @!p0 [hbm:s6], $0x100  }
0x17: {  	_ =	swait.ge @!p0 [sflag:s16], $0x100  }
0x18: {  	s17 =	sadd.s32 $0x0, s12;
	[sflag:s16] =	ssyncset.done @!p0 $0x0  }
0x19: {  	p1 =	sgt.u32 s17, $0x270;
	[sflag:s16] =	ssyncadd.s32 @!p0 $0xFFFFFF00  }
0x1a: {  	s17 =	simm.s32 @!p1 $0x2;
	s16 =	simm.s32 @!p1 $0x0;
	[bflag:$0x0] =	sbarrier.arrive $0xFFFF  }
0x1b: {  	[tilespmem:s16], [sflag:$0x2] =	stream.linear.gather @!p1 [hbm4b:s10+s16], $0x100, $0x38;
	[tilespmem:$0x1B980] =	vst v63  }
0x1c: {  	_ =	swait.ge @!p1 [sflag:s17], $0x100  }
0x1d: {  	[sflag:s17] =	ssyncset.done @!p1 $0x0;
	p1 =	por p1, p1  }
0x1e: {  	[sflag:s17] =	ssyncadd.s32 @!p1 $0xFFFFFF00;
	s18 =	simm.s32 @!p1 $0x100  }
0x1f: {  	[tilespmem:s18], [sflag:$0x2] =	stream.linear.gather @!p1 [hbm4b:s11+s16], $0x8000, $0x38;
	[tilespmem:$0x1B980] =	vst v63  }
0x20: {  	_ =	swait.ge @!p1 [sflag:s17], $0x8000  }
0x21: {  	[sflag:s17] =	ssyncset.done @!p1 $0x0  }
0x22: {  	[sflag:s17] =	ssyncadd.s32 @!p1 $0xFFFF8000;
	s17 =	simm.s32 @!p1 $0x80  }
0x23: {  	[spmem:s2] =	stream.indirect.scatter.add.f32 @!p1 [tilespmem:s18], [sflag:$0x1], $0x80, s16, s17, $0xb8;
	[tilespmem:$0x1B980] =	vst v63  }
0x24: {  	s19 =	simm.s32 @!p1 $0x1;
	s16 =	simm.s32 @!p1 $0x4100  }
0x25: {  	[spmem:s2] =	stream.indirect.scatter.add.f32 @!p1 [tilespmem:s16], [sflag:$0x1], $0x80, s17, s17, $0xb8;
	[tilespmem:$0x1B980] =	vst v63  }
0x26: {  	_ =	swait.ge @!p1 [sflag:s19], $0x4000  }
0x27: {  	[sflag:s19] =	ssyncset.done @!p1 $0x0  }
0x28: {  	s31 =	sadd.s32 $0x20, s12;
	[sflag:s19] =	ssyncadd.s32 @!p1 $0xFFFFC000  }
0x29: {  	p3 =	sgt.u32 s31, $0x270;
	s18 =	sadd.s32 $0x400, s10;
	_ =	swait.ge @!p1 [sflag:s19], $0x4000  }
0x2a: {  	s17 =	simm.s32 $0x40;
	s16 =	sadd.s32 $0x20000, s11;
	[sflag:s19] =	ssyncset.done @!p1 $0x0  }
.LBB2_2:
0x2b: {  	s20 =	simm.s32 @!p3 $0x0;
	s21 =	simm.s32 @!p3 $0x2;
	[sflag:s19] =	ssyncadd.s32 @!p1 $0xFFFFC000  }
0x2c: {  	[tilespmem:s20], [sflag:$0x2] =	stream.linear.gather @!p3 [hbm4b:s18+s20], $0x100, $0x38;
	[tilespmem:$0x1B980] =	vst v63  }
0x2d: {  	s22 =	smov.u32 s17;
	s17 =	sadd.s32 $0x20, s17;
	_ =	swait.ge @!p3 [sflag:s21], $0x100  }
0x2e: {  	p1 =	por p3, p3;
	p2 =	sne.s32 s17, $0x280;
	[sflag:s21] =	ssyncset.done @!p3 $0x0  }
0x2f: {  	s19 =	simm.s32 @!p1 $0x100;
	[sflag:s21] =	ssyncadd.s32 @!p1 $0xFFFFFF00  }
0x30: {  	[tilespmem:s19], [sflag:$0x2] =	stream.linear.gather @!p1 [hbm4b:s16+s20], $0x8000, $0x38;
	[tilespmem:$0x1B980] =	vst v63  }
0x31: {  	_ =	swait.ge @!p1 [sflag:s21], $0x8000  }
0x32: {  	[sflag:s21] =	ssyncset.done @!p1 $0x0  }
0x33: {  	[sflag:s21] =	ssyncadd.s32 @!p1 $0xFFFF8000;
	s21 =	simm.s32 @!p1 $0x80  }
0x34: {  	[spmem:s2] =	stream.indirect.scatter.add.f32 @!p1 [tilespmem:s19], [sflag:$0x1], $0x80, s20, s21, $0xb8;
	[tilespmem:$0x1B980] =	vst v63  }
0x35: {  	s20 =	simm.s32 @!p1 $0x4100;
	s19 =	simm.s32 @!p1 $0x1  }
0x36: {  	[spmem:s2] =	stream.indirect.scatter.add.f32 @!p1 [tilespmem:s20], [sflag:$0x1], $0x80, s21, s21, $0xb8;
	[tilespmem:$0x1B980] =	vst v63  }
.Ltmp0:
0x37: {  	_ =	swait.ge @!p1 [sflag:s19], $0x4000;
	(pc) =	sbr.rel @p2 .LBB2_2-.Ltmp0, $4  }
0x38: {  	[sflag:s19] =	ssyncset.done @!p1 $0x0  }
0x39: {  	[sflag:s19] =	ssyncadd.s32 @!p1 $0xFFFFC000  }
0x3a: {  	s16 =	sadd.s32 $0x20000, s16;
	s20 =	sadd.s32 s22, s12;
	_ =	swait.ge @!p1 [sflag:s19], $0x4000  }
0x3b: {  	s18 =	sadd.s32 $0x400, s18;
	p3 =	sgt.u32 s20, $0x270;
	[sflag:s19] =	ssyncset.done @!p1 $0x0  }
0x3c: {  	s17 =	simm.s32 @!p3 $0x0;
	s20 =	simm.s32 @!p3 $0x2;
	[sflag:s19] =	ssyncadd.s32 @!p1 $0xFFFFC000  }
0x3d: {  	[tilespmem:s17], [sflag:$0x2] =	stream.linear.gather @!p3 [hbm4b:s18+s17], $0x100, $0x38;
	[tilespmem:$0x1B980] =	vst v63  }
0x3e: {  	_ =	swait.ge @!p3 [sflag:s20], $0x100  }
0x3f: {  	p1 =	por p3, p3;
	[sflag:s20] =	ssyncset.done @!p3 $0x0  }
0x40: {  	s18 =	simm.s32 @!p1 $0x100;
	[sflag:s20] =	ssyncadd.s32 @!p1 $0xFFFFFF00  }
0x41: {  	[tilespmem:s18], [sflag:$0x2] =	stream.linear.gather @!p1 [hbm4b:s16+s17], $0x8000, $0x38;
	[tilespmem:$0x1B980] =	vst v63  }
0x42: {  	_ =	swait.ge @!p1 [sflag:s20], $0x8000  }
0x43: {  	[sflag:s20] =	ssyncset.done @!p1 $0x0  }
0x44: {  	s16 =	simm.s32 @!p1 $0x80;
	[sflag:s20] =	ssyncadd.s32 @!p1 $0xFFFF8000  }
0x45: {  	[spmem:s2] =	stream.indirect.scatter.add.f32 @!p1 [tilespmem:s18], [sflag:$0x1], $0x80, s17, s16, $0xb8;
	[tilespmem:$0x1B980] =	vst v63  }
0x46: {  	s17 =	simm.s32 @!p1 $0x4100;
	s18 =	simm.s32 @!p1 $0x1  }
0x47: {  	[spmem:s2] =	stream.indirect.scatter.add.f32 @!p1 [tilespmem:s17], [sflag:$0x1], $0x80, s16, s16, $0xb8;
	[tilespmem:$0x1B980] =	vst v63  }
0x48: {  	_ =	swait.ge @!p1 [sflag:s18], $0x4000  }
0x49: {  	[sflag:s18] =	ssyncset.done @!p1 $0x0  }
0x4a: {  	[sflag:s18] =	ssyncadd.s32 @!p1 $0xFFFFC000  }
0x4b: {  	_ =	swait.ge @!p1 [sflag:s18], $0x4000  }
0x4c: {  	[sflag:s18] =	ssyncset.done @!p1 $0x0  }
0x4d: {  	[sflag:s18] =	ssyncadd.s32 @!p1 $0xFFFFC000  }
0x4e: {  	[bflag:$0x0] =	sbarrier.arrive $0xFFFF  }
0x4f: {  	[hbm:s7], [sflag:s5] =	dma.local [spmem:s13], $0x2700  }
0x50: {  	s3 =	sadd.s32 $0x1, s3;
	_ =	swait.ge [sflag:s14], $0x2700  }
0x51: {  	p1 =	sne.s32 s3, s9;
	[sflag:s14] =	ssyncset.done $0x0  }
.Ltmp1:
0x52: {  	s16 =	simm.s32 @!p0 $0x2;
	[sflag:s14] =	ssyncadd.s32 $0xFFFFD900;
	(pc) =	sbr.rel @p1 .LBB2_1-.Ltmp1, $4  }
0x53: {  	[hbm:s8], [sflag:s5] =	dma.local @!p0 [spmem:s15], $0x100  }
0x54: {  	_ =	swait.ge @!p0 [sflag:s16], $0x100  }
0x55: {  	[sflag:s16] =	ssyncset.done @!p0 $0x0  }
0x56: {  	[sflag:s16] =	ssyncadd.s32 @!p0 $0xFFFFFF00  }
0x57: {  	_ =	sfence.sel $0x180000  }
0x58: {  	[bflag:$0x0] =	sbarrier.arrive $0xFFFF  }
0x59: {  	p0 =	sne.s32 s1, $0x0;
	_ =	strace $0x9000004D  }
0x5a: {  	s0 =	sadd.s32 @!p0 $0x100000, s0;
	[bflag:$0x2] =	sbarrier.arrive $0xFFFF  }
0x5b: {  	[sflag:s0] =	ssyncadd.tile.s32 @!p0 $0x1;
	_ =	shalt  }
.Lfunc_end2:
_tile_overlayer_lowered:
.L_overlay_start_2:
0x5c: {  	(tag) =	ssettag $0x2  }
0x5d: {  	s0 =	rddreg [dreg:$0x0];
	s2 =	stileid.u32  }
0x5e: {  	s1 =	rddreg [dreg:$0x1];
	p0 =	sne.s32 s2, $0x0  }
0x5f: {  	s3 =	rddreg [dreg:$0x2];
	[bflag:$0x3] =	sbarrier.arrive $0xFFFF;
	s2 =	simm.s32 @!p0 $0x1C02  }
0x60: {  	[timem:s3], [sflag:s2] =	dma.local @!p0 [hbm:s0], s1  }
0x61: {  	s0 =	simm.s32 @!p0 $0x2  }
0x62: {  	_ =	swait.ge @!p0 [sflag:s0], s1  }
0x63: {  	s1 =	ssub.s32 @!p0 $0x0, s1;
	[sflag:s0] =	ssyncset.done @!p0 $0x0  }
0x64: {  	[sflag:s0] =	ssyncadd.s32 @!p0 s1  }
0x65: {  	[bflag:$0x3] =	sbarrier.arrive $0xFFFF  }
0x66: {  	_ =	shalt  }

</sc_bundles>
